<compile_context>
chip_gen: v7x
topology: tpu7x:2x2x1
jax: 0.10.2.dev20260603
libtpu: 0.0.44.dev20260713+nightly
codegen_flags: <defaults>
</compile_context>

<pallas_src>
import functools

import jax
import jax.numpy as jnp
from jax import lax
from jax.experimental import pallas as pl
from jax.experimental.pallas import tpu as pltpu
from jax.experimental.pallas import tpu_sc as plsc

N_TOKENS = 32768
N_EXP = 64
L = 16
NC = 2
NS = 16
NW = NC * NS
ROWS_PER_TILE = N_TOKENS // NW
R = 256
N_CHUNKS = ROWS_PER_TILE // R


def _sc_partials(x):
    mesh = plsc.VectorSubcoreMesh(core_axis_name="c", subcore_axis_name="s")

    @functools.partial(
        pl.kernel,
        out_type=[
            jax.ShapeDtypeStruct((NW, N_EXP), jnp.float32),
            jax.ShapeDtypeStruct((NW, N_EXP), jnp.float32),
        ],
        mesh=mesh,
        compiler_params=pltpu.CompilerParams(needs_layout_passes=False),
        scratch_types=[
            pltpu.VMEM((2, R, N_EXP), jnp.float32),
            pltpu.VMEM((1, N_EXP), jnp.float32),
            pltpu.VMEM((1, N_EXP), jnp.float32),
            pltpu.SemaphoreType.DMA,
            pltpu.SemaphoreType.DMA,
        ],
    )
    def k(x_hbm, p_hbm, c_hbm, buf, po, co, sem0, sem1):
        wid = lax.axis_index("c") * NS + lax.axis_index("s")
        base = wid * ROWS_PER_TILE
        sems = (sem0, sem1)

        def row_body(r, acc):
            p0, p1, p2, p3, c0, c1, c2, c3, b = acc
            x0 = buf[b, r, pl.ds(0, L)]
            x1 = buf[b, r, pl.ds(L, L)]
            x2 = buf[b, r, pl.ds(2 * L, L)]
            x3 = buf[b, r, pl.ds(3 * L, L)]
            m16 = jnp.maximum(jnp.maximum(x0, x1), jnp.maximum(x2, x3))
            m = jnp.broadcast_to(jnp.max(m16), (L,))
            e0 = jnp.exp(x0)
            e1 = jnp.exp(x1)
            e2 = jnp.exp(x2)
            e3 = jnp.exp(x3)
            s16 = (e0 + e1) + (e2 + e3)
            rinv = 1.0 / jnp.broadcast_to(jnp.sum(s16), (L,))
            one = jnp.float32(1.0)
            zero = jnp.float32(0.0)
            return (
                p0 + e0 * rinv,
                p1 + e1 * rinv,
                p2 + e2 * rinv,
                p3 + e3 * rinv,
                c0 + jnp.where(x0 == m, one, zero),
                c1 + jnp.where(x1 == m, one, zero),
                c2 + jnp.where(x2 == m, one, zero),
                c3 + jnp.where(x3 == m, one, zero),
                b,
            )

        z = jnp.zeros((L,), jnp.float32)
        acc = (z, z, z, z, z, z, z, z, jnp.int32(0))

        copies = [None] * N_CHUNKS
        copies[0] = pltpu.async_copy(x_hbm.at[pl.ds(base, R)], buf.at[0], sems[0])
        for c in range(N_CHUNKS):
            b = c % 2
            if c + 1 < N_CHUNKS:
                copies[c + 1] = pltpu.async_copy(
                    x_hbm.at[pl.ds(base + (c + 1) * R, R)], buf.at[1 - b], sems[1 - b]
                )
            copies[c].wait()
            acc = (acc[:8] + (jnp.int32(b),))
            acc = lax.fori_loop(0, R, row_body, acc, unroll=4)

        p0, p1, p2, p3, c0, c1, c2, c3, _ = acc
        po[0, pl.ds(0, L)] = p0
        po[0, pl.ds(L, L)] = p1
        po[0, pl.ds(2 * L, L)] = p2
        po[0, pl.ds(3 * L, L)] = p3
        co[0, pl.ds(0, L)] = c0
        co[0, pl.ds(L, L)] = c1
        co[0, pl.ds(2 * L, L)] = c2
        co[0, pl.ds(3 * L, L)] = c3
        pltpu.sync_copy(po, p_hbm.at[pl.ds(wid, 1)])
        pltpu.sync_copy(co, c_hbm.at[pl.ds(wid, 1)])

    return k(x)


def _combine_body(w_ref, p_ref, c_ref, o_ref):
    p = jnp.sum(p_ref[...], axis=0, keepdims=True)
    c = jnp.sum(c_ref[...], axis=0, keepdims=True)
    s_c = jnp.sum(c)
    dot = jnp.sum(p * c)
    w = jnp.abs(w_ref[0])
    o_ref[0] = w * jnp.float32(N_EXP) * dot / (jnp.float32(N_TOKENS) * s_c)


def _combine(p_part, c_part, w):
    return pl.pallas_call(
        _combine_body,
        out_shape=jax.ShapeDtypeStruct((1,), jnp.float32),
        in_specs=[
            pl.BlockSpec(memory_space=pltpu.SMEM),
            pl.BlockSpec(memory_space=pltpu.VMEM),
            pl.BlockSpec(memory_space=pltpu.VMEM),
        ],
        out_specs=pl.BlockSpec(memory_space=pltpu.SMEM),
    )(w, p_part, c_part)


def kernel(router_logits, wBAL):
    x = router_logits.reshape(N_TOKENS, N_EXP)
    p_part, c_part = _sc_partials(x)
    w = jnp.reshape(wBAL, (1,)).astype(jnp.float32)
    out = _combine(p_part, c_part, w)
    return jnp.reshape(out, ())

# --- scband reference (transcript-rebuilt; emitter-appended) ---
"""Pipeline reference for scband-load-balancing-loss-10814727652061 (READ-ONLY COPY).

The authoritative reference and input builder live on the scoring server;
editing this copy changes nothing except your own understanding.
"""

import jax, jax.numpy as jnp
import numpy as np

NUM_EXPERTS = 64

def setup_inputs(seed: int = 0) -> dict:
    key = jax.random.key(seed)
    k1, _ = jax.random.split(key)
    router_logits = jax.random.normal(k1, (32768, NUM_EXPERTS), dtype=jnp.float32)
    wBAL = jnp.asarray(0.01, dtype=jnp.float32)
    return {"router_logits": router_logits, "wBAL": wBAL}

def reference(router_logits, wBAL):
    num_experts = NUM_EXPERTS
    w = jnp.abs(wBAL)
    logits = router_logits.reshape(-1, num_experts)
    router_probs = jax.nn.softmax(logits, axis=-1)
    gate = jnp.argmax(router_probs, axis=-1)
    one_hot = jax.nn.one_hot(gate, num_experts, dtype=jnp.int32)
    num_tokens = jnp.sum(one_hot > 0, axis=0)
    p = jnp.mean(router_probs, axis=0)
    temp = num_tokens.astype(jnp.float32)
    f = temp / jnp.sum(temp, axis=0, keepdims=True)
    return w * num_experts * jnp.sum(p * f)

if __name__ == "__main__":
    import jax
    _d = setup_inputs()
    print(jax.jit(kernel)(*tuple(_d.values())))

</pallas_src>

<mosaic_0001>
#map = affine_map<(d0, d1) -> (0, 0)>
module attributes {stable_mosaic.version = 14 : i64} {
  func.func @k(%arg0: i32, %arg1: i32, %arg2: memref<32768x64xf32, #tpu.memory_space<hbm>>, %arg3: memref<32x64xf32, #tpu.memory_space<hbm>>, %arg4: memref<32x64xf32, #tpu.memory_space<hbm>>, %arg5: memref<2x256x64xf32, #tpu.memory_space<vmem>>, %arg6: memref<1x64xf32, #tpu.memory_space<vmem>>, %arg7: memref<1x64xf32, #tpu.memory_space<vmem>>, %arg8: memref<!tpu.dma_semaphore, #tpu.memory_space<semaphore_mem>>, %arg9: memref<!tpu.dma_semaphore, #tpu.memory_space<semaphore_mem>>) attributes {dimension_semantics = [#tpu.dimension_semantics<core_parallel>, #tpu.dimension_semantics<subcore_parallel>], iteration_bounds = array<i64: 2, 16>, scalar_prefetch = 0 : i64, scratch_operands = 5 : i64, tpu.core_type = #tpu.core_type<sc_vector_subcore>, window_params = [{transform_indices = #map}, {transform_indices = #map}, {transform_indices = #map}]} {
    %mul3A = arith.constant 16 : i32
    %mul3A_0 = arith.muli %arg0, %mul3A : i32
    %add3A = arith.addi %mul3A_0, %arg1 : i32
    %mul3A_1 = arith.constant 1024 : i32
    %mul3A_2 = arith.muli %add3A, %mul3A_1 : i32
    %broadcast_in_dim3A = arith.constant 0.000000e+00 : f32
    %broadcast_in_dim3A_3 = vector.broadcast %broadcast_in_dim3A : f32 to vector<16xf32>
    %dma_start3A = arith.constant 0 : i32
    %dma_start3A_4 = arith.constant 0 : i32
    %dma_start3A_5 = arith.constant 0 : i32
    %dma_start3A_6 = tpu.memref_slice %arg5[%dma_start3A, %dma_start3A_4, %dma_start3A_5] : memref<2x256x64xf32, #tpu.memory_space<vmem>> -> memref<1x256x64xf32, #tpu.memory_space<vmem>>
    %dma_start3A_7 = tpu.memref_squeeze %dma_start3A_6 : memref<1x256x64xf32, #tpu.memory_space<vmem>> -> memref<256x64xf32, #tpu.memory_space<vmem>>
    %dma_start3A_8 = arith.constant 0 : i32
    %dma_start3A_9 = tpu.memref_slice %arg2[%mul3A_2, %dma_start3A_8] : memref<32768x64xf32, #tpu.memory_space<hbm>> -> memref<256x64xf32, #tpu.memory_space<hbm>>
    %dma_start3A_10 = arith.constant 0 : i32
    %dma_start3A_11 = arith.constant 0 : i32
    %dma_start3A_12 = tpu.memref_slice %arg5[%dma_start3A, %dma_start3A_10, %dma_start3A_11] : memref<2x256x64xf32, #tpu.memory_space<vmem>> -> memref<1x256x64xf32, #tpu.memory_space<vmem>>
    %dma_start3A_13 = tpu.memref_squeeze %dma_start3A_12 : memref<1x256x64xf32, #tpu.memory_space<vmem>> -> memref<256x64xf32, #tpu.memory_space<vmem>>
    %dma_start3A_14 = arith.constant 0 : i32
    %dma_start3A_15 = tpu.memref_slice %arg2[%mul3A_2, %dma_start3A_14] : memref<32768x64xf32, #tpu.memory_space<hbm>> -> memref<256x64xf32, #tpu.memory_space<hbm>>
    tpu.enqueue_dma source(%dma_start3A_15 : memref<256x64xf32, #tpu.memory_space<hbm>>) target(%dma_start3A_13 : memref<256x64xf32, #tpu.memory_space<vmem>>) target_semaphore(%arg8 : memref<!tpu.dma_semaphore, #tpu.memory_space<semaphore_mem>>)
    %add3A_16 = arith.constant 256 : i32
    %add3A_17 = arith.addi %mul3A_2, %add3A_16 : i32
    %dma_start3A_18 = arith.constant 1 : i32
    %dma_start3A_19 = arith.constant 0 : i32
    %dma_start3A_20 = arith.constant 0 : i32
    %dma_start3A_21 = tpu.memref_slice %arg5[%dma_start3A_18, %dma_start3A_19, %dma_start3A_20] : memref<2x256x64xf32, #tpu.memory_space<vmem>> -> memref<1x256x64xf32, #tpu.memory_space<vmem>>
    %dma_start3A_22 = tpu.memref_squeeze %dma_start3A_21 : memref<1x256x64xf32, #tpu.memory_space<vmem>> -> memref<256x64xf32, #tpu.memory_space<vmem>>
    %dma_start3A_23 = arith.constant 0 : i32
    %dma_start3A_24 = tpu.memref_slice %arg2[%add3A_17, %dma_start3A_23] : memref<32768x64xf32, #tpu.memory_space<hbm>> -> memref<256x64xf32, #tpu.memory_space<hbm>>
    %dma_start3A_25 = arith.constant 0 : i32
    %dma_start3A_26 = arith.constant 0 : i32
    %dma_start3A_27 = tpu.memref_slice %arg5[%dma_start3A_18, %dma_start3A_25, %dma_start3A_26] : memref<2x256x64xf32, #tpu.memory_space<vmem>> -> memref<1x256x64xf32, #tpu.memory_space<vmem>>
    %dma_start3A_28 = tpu.memref_squeeze %dma_start3A_27 : memref<1x256x64xf32, #tpu.memory_space<vmem>> -> memref<256x64xf32, #tpu.memory_space<vmem>>
    %dma_start3A_29 = arith.constant 0 : i32
    %dma_start3A_30 = tpu.memref_slice %arg2[%add3A_17, %dma_start3A_29] : memref<32768x64xf32, #tpu.memory_space<hbm>> -> memref<256x64xf32, #tpu.memory_space<hbm>>
    tpu.enqueue_dma source(%dma_start3A_30 : memref<256x64xf32, #tpu.memory_space<hbm>>) target(%dma_start3A_28 : memref<256x64xf32, #tpu.memory_space<vmem>>) target_semaphore(%arg9 : memref<!tpu.dma_semaphore, #tpu.memory_space<semaphore_mem>>)
    %dma_wait3A = arith.constant 0 : i32
    %dma_wait3A_31 = arith.constant 0 : i32
    %dma_wait3A_32 = arith.constant 0 : i32
    %dma_wait3A_33 = tpu.memref_slice %arg5[%dma_wait3A, %dma_wait3A_31, %dma_wait3A_32] : memref<2x256x64xf32, #tpu.memory_space<vmem>> -> memref<1x256x64xf32, #tpu.memory_space<vmem>>
    %dma_wait3A_34 = tpu.memref_squeeze %dma_wait3A_33 : memref<1x256x64xf32, #tpu.memory_space<vmem>> -> memref<256x64xf32, #tpu.memory_space<vmem>>
    %dma_wait3A_35 = arith.constant 0 : i32
    %dma_wait3A_36 = tpu.memref_slice %arg2[%mul3A_2, %dma_wait3A_35] : memref<32768x64xf32, #tpu.memory_space<hbm>> -> memref<256x64xf32, #tpu.memory_space<hbm>>
    %dma_wait3A_37 = arith.constant 0 : i32
    %dma_wait3A_38 = arith.constant 0 : i32
    %dma_wait3A_39 = tpu.memref_slice %arg5[%dma_wait3A, %dma_wait3A_37, %dma_wait3A_38] : memref<2x256x64xf32, #tpu.memory_space<vmem>> -> memref<1x256x64xf32, #tpu.memory_space<vmem>>
    %dma_wait3A_40 = tpu.memref_squeeze %dma_wait3A_39 : memref<1x256x64xf32, #tpu.memory_space<vmem>> -> memref<256x64xf32, #tpu.memory_space<vmem>>
    %dma_wait3A_41 = arith.constant 0 : i32
    %dma_wait3A_42 = tpu.memref_slice %arg2[%mul3A_2, %dma_wait3A_41] : memref<32768x64xf32, #tpu.memory_space<hbm>> -> memref<256x64xf32, #tpu.memory_space<hbm>>
    tpu.wait_dma2 semaphore(%arg8 : memref<!tpu.dma_semaphore, #tpu.memory_space<semaphore_mem>>) src(%dma_wait3A_42 : memref<256x64xf32, #tpu.memory_space<hbm>>) dst(%dma_wait3A_40 : memref<256x64xf32, #tpu.memory_space<vmem>>)
    %scan3A = arith.constant 0 : i32
    %scan3A_43 = arith.constant 0 : i32
    %scan3A_44 = arith.constant 256 : i32
    %scan3A_45 = arith.addi %scan3A_43, %scan3A_44 : i32
    %scan3A_46 = arith.constant 4 : i32
    %scan3A_47:8 = scf.for %scan3A_170 = %scan3A_43 to %scan3A_45 step %scan3A_46 iter_args(%scan3A_171 = %broadcast_in_dim3A_3, %scan3A_172 = %broadcast_in_dim3A_3, %scan3A_173 = %broadcast_in_dim3A_3, %scan3A_174 = %broadcast_in_dim3A_3, %scan3A_175 = %broadcast_in_dim3A_3, %scan3A_176 = %broadcast_in_dim3A_3, %scan3A_177 = %broadcast_in_dim3A_3, %scan3A_178 = %broadcast_in_dim3A_3) -> (vector<16xf32>, vector<16xf32>, vector<16xf32>, vector<16xf32>, vector<16xf32>, vector<16xf32>, vector<16xf32>, vector<16xf32>)  : i32 {
      %get3A = arith.index_cast %scan3A : i32 to index
      %get3A_179 = arith.index_cast %scan3A_170 : i32 to index
      %get3A_180 = arith.constant 0 : index
      %get3A_181 = tpu.vector_load %arg5[%get3A, %get3A_179, %get3A_180] {strides = array<i32>} : memref<2x256x64xf32, #tpu.memory_space<vmem>>, vector<16xf32>,
      %get3A_182 = arith.index_cast %scan3A : i32 to index
      %get3A_183 = arith.index_cast %scan3A_170 : i32 to index
      %get3A_184 = arith.constant 16 : index
      %get3A_185 = tpu.vector_load %arg5[%get3A_182, %get3A_183, %get3A_184] {strides = array<i32>} : memref<2x256x64xf32, #tpu.memory_space<vmem>>, vector<16xf32>,
      %get3A_186 = arith.index_cast %scan3A : i32 to index
      %get3A_187 = arith.index_cast %scan3A_170 : i32 to index
      %get3A_188 = arith.constant 32 : index
      %get3A_189 = tpu.vector_load %arg5[%get3A_186, %get3A_187, %get3A_188] {strides = array<i32>} : memref<2x256x64xf32, #tpu.memory_space<vmem>>, vector<16xf32>,
      %get3A_190 = arith.index_cast %scan3A : i32 to index
      %get3A_191 = arith.index_cast %scan3A_170 : i32 to index
      %get3A_192 = arith.constant 48 : index
      %get3A_193 = tpu.vector_load %arg5[%get3A_190, %get3A_191, %get3A_192] {strides = array<i32>} : memref<2x256x64xf32, #tpu.memory_space<vmem>>, vector<16xf32>,
      %max3A = arith.maximumf %get3A_181, %get3A_185 : vector<16xf32>
      %max3A_194 = arith.maximumf %get3A_189, %get3A_193 : vector<16xf32>
      %max3A_195 = arith.maximumf %max3A, %max3A_194 : vector<16xf32>
      %reduce_max3A = arith.constant true
      %reduce_max3A_196 = vector.broadcast %reduce_max3A : i1 to vector<16xi1>
      %reduce_max3A_197 = tpu.scan <max>, %max3A_195 masked %reduce_max3A_196 : vector<16xf32>, vector<16xi1> -> vector<16xf32>
      %reduce_max3A_198 = vector.extract %reduce_max3A_197[15] : f32 from vector<16xf32>
      %broadcast_in_dim3A_199 = vector.broadcast %reduce_max3A_198 : f32 to vector<16xf32>
      %exp3A = math.exp %get3A_181 : vector<16xf32>
      %exp3A_200 = math.exp %get3A_185 : vector<16xf32>
      %exp3A_201 = math.exp %get3A_189 : vector<16xf32>
      %exp3A_202 = math.exp %get3A_193 : vector<16xf32>
      %add3A_203 = arith.addf %exp3A, %exp3A_200 : vector<16xf32>
      %add3A_204 = arith.addf %exp3A_201, %exp3A_202 : vector<16xf32>
      %add3A_205 = arith.addf %add3A_203, %add3A_204 : vector<16xf32>
      %reduce_sum3A = arith.constant true
      %reduce_sum3A_206 = vector.broadcast %reduce_sum3A : i1 to vector<16xi1>
      %reduce_sum3A_207 = tpu.scan <sum>, %add3A_205 masked %reduce_sum3A_206 : vector<16xf32>, vector<16xi1> -> vector<16xf32>
      %reduce_sum3A_208 = vector.extract %reduce_sum3A_207[15] : f32 from vector<16xf32>
      %broadcast_in_dim3A_209 = vector.broadcast %reduce_sum3A_208 : f32 to vector<16xf32>
      %div3A = arith.constant 1.000000e+00 : f32
      %div3A_210 = vector.broadcast %div3A : f32 to vector<16xf32>
      %div3A_211 = arith.divf %div3A_210, %broadcast_in_dim3A_209 : vector<16xf32>
      %mul3A_212 = arith.mulf %exp3A, %div3A_211 : vector<16xf32>
      %add3A_213 = arith.addf %scan3A_171, %mul3A_212 : vector<16xf32>
      %mul3A_214 = arith.mulf %exp3A_200, %div3A_211 : vector<16xf32>
      %add3A_215 = arith.addf %scan3A_172, %mul3A_214 : vector<16xf32>
      %mul3A_216 = arith.mulf %exp3A_201, %div3A_211 : vector<16xf32>
      %add3A_217 = arith.addf %scan3A_173, %mul3A_216 : vector<16xf32>
      %mul3A_218 = arith.mulf %exp3A_202, %div3A_211 : vector<16xf32>
      %add3A_219 = arith.addf %scan3A_174, %mul3A_218 : vector<16xf32>
      %eq3A = arith.cmpf oeq, %get3A_181, %broadcast_in_dim3A_199 : vector<16xf32>
      %jit3A = arith.constant 1.000000e+00 : f32
      %jit3A_220 = arith.constant 0.000000e+00 : f32
      %broadcast_in_dim3A_221 = vector.broadcast %jit3A : f32 to vector<16xf32>
      %broadcast_in_dim3A_222 = vector.broadcast %jit3A_220 : f32 to vector<16xf32>
      %select_n3A = arith.select %eq3A, %broadcast_in_dim3A_221, %broadcast_in_dim3A_222 : vector<16xi1>, vector<16xf32>
      %add3A_223 = arith.addf %scan3A_175, %select_n3A : vector<16xf32>
      %eq3A_224 = arith.cmpf oeq, %get3A_185, %broadcast_in_dim3A_199 : vector<16xf32>
      %jit3A_225 = arith.constant 1.000000e+00 : f32
      %jit3A_226 = arith.constant 0.000000e+00 : f32
      %broadcast_in_dim3A_227 = vector.broadcast %jit3A_225 : f32 to vector<16xf32>
      %broadcast_in_dim3A_228 = vector.broadcast %jit3A_226 : f32 to vector<16xf32>
      %select_n3A_229 = arith.select %eq3A_224, %broadcast_in_dim3A_227, %broadcast_in_dim3A_228 : vector<16xi1>, vector<16xf32>
      %add3A_230 = arith.addf %scan3A_176, %select_n3A_229 : vector<16xf32>
      %eq3A_231 = arith.cmpf oeq, %get3A_189, %broadcast_in_dim3A_199 : vector<16xf32>
      %jit3A_232 = arith.constant 1.000000e+00 : f32
      %jit3A_233 = arith.constant 0.000000e+00 : f32
      %broadcast_in_dim3A_234 = vector.broadcast %jit3A_232 : f32 to vector<16xf32>
      %broadcast_in_dim3A_235 = vector.broadcast %jit3A_233 : f32 to vector<16xf32>
      %select_n3A_236 = arith.select %eq3A_231, %broadcast_in_dim3A_234, %broadcast_in_dim3A_235 : vector<16xi1>, vector<16xf32>
      %add3A_237 = arith.addf %scan3A_177, %select_n3A_236 : vector<16xf32>
      %eq3A_238 = arith.cmpf oeq, %get3A_193, %broadcast_in_dim3A_199 : vector<16xf32>
      %jit3A_239 = arith.constant 1.000000e+00 : f32
      %jit3A_240 = arith.constant 0.000000e+00 : f32
      %broadcast_in_dim3A_241 = vector.broadcast %jit3A_239 : f32 to vector<16xf32>
      %broadcast_in_dim3A_242 = vector.broadcast %jit3A_240 : f32 to vector<16xf32>
      %select_n3A_243 = arith.select %eq3A_238, %broadcast_in_dim3A_241, %broadcast_in_dim3A_242 : vector<16xi1>, vector<16xf32>
      %add3A_244 = arith.addf %scan3A_178, %select_n3A_243 : vector<16xf32>
      %scan3A_245 = arith.constant 1 : i32
      %scan3A_246 = arith.addi %scan3A_170, %scan3A_245 : i32
      %get3A_247 = arith.index_cast %scan3A : i32 to index
      %get3A_248 = arith.index_cast %scan3A_246 : i32 to index
      %get3A_249 = arith.constant 0 : index
      %get3A_250 = tpu.vector_load %arg5[%get3A_247, %get3A_248, %get3A_249] {strides = array<i32>} : memref<2x256x64xf32, #tpu.memory_space<vmem>>, vector<16xf32>,
      %get3A_251 = arith.index_cast %scan3A : i32 to index
      %get3A_252 = arith.index_cast %scan3A_246 : i32 to index
      %get3A_253 = arith.constant 16 : index
      %get3A_254 = tpu.vector_load %arg5[%get3A_251, %get3A_252, %get3A_253] {strides = array<i32>} : memref<2x256x64xf32, #tpu.memory_space<vmem>>, vector<16xf32>,
      %get3A_255 = arith.index_cast %scan3A : i32 to index
      %get3A_256 = arith.index_cast %scan3A_246 : i32 to index
      %get3A_257 = arith.constant 32 : index
      %get3A_258 = tpu.vector_load %arg5[%get3A_255, %get3A_256, %get3A_257] {strides = array<i32>} : memref<2x256x64xf32, #tpu.memory_space<vmem>>, vector<16xf32>,
      %get3A_259 = arith.index_cast %scan3A : i32 to index
      %get3A_260 = arith.index_cast %scan3A_246 : i32 to index
      %get3A_261 = arith.constant 48 : index
      %get3A_262 = tpu.vector_load %arg5[%get3A_259, %get3A_260, %get3A_261] {strides = array<i32>} : memref<2x256x64xf32, #tpu.memory_space<vmem>>, vector<16xf32>,
      %max3A_263 = arith.maximumf %get3A_250, %get3A_254 : vector<16xf32>
      %max3A_264 = arith.maximumf %get3A_258, %get3A_262 : vector<16xf32>
      %max3A_265 = arith.maximumf %max3A_263, %max3A_264 : vector<16xf32>
      %reduce_max3A_266 = arith.constant true
      %reduce_max3A_267 = vector.broadcast %reduce_max3A_266 : i1 to vector<16xi1>
      %reduce_max3A_268 = tpu.scan <max>, %max3A_265 masked %reduce_max3A_267 : vector<16xf32>, vector<16xi1> -> vector<16xf32>
      %reduce_max3A_269 = vector.extract %reduce_max3A_268[15] : f32 from vector<16xf32>
      %broadcast_in_dim3A_270 = vector.broadcast %reduce_max3A_269 : f32 to vector<16xf32>
      %exp3A_271 = math.exp %get3A_250 : vector<16xf32>
      %exp3A_272 = math.exp %get3A_254 : vector<16xf32>
      %exp3A_273 = math.exp %get3A_258 : vector<16xf32>
      %exp3A_274 = math.exp %get3A_262 : vector<16xf32>
      %add3A_275 = arith.addf %exp3A_271, %exp3A_272 : vector<16xf32>
      %add3A_276 = arith.addf %exp3A_273, %exp3A_274 : vector<16xf32>
      %add3A_277 = arith.addf %add3A_275, %add3A_276 : vector<16xf32>
      %reduce_sum3A_278 = arith.constant true
      %reduce_sum3A_279 = vector.broadcast %reduce_sum3A_278 : i1 to vector<16xi1>
      %reduce_sum3A_280 = tpu.scan <sum>, %add3A_277 masked %reduce_sum3A_279 : vector<16xf32>, vector<16xi1> -> vector<16xf32>
      %reduce_sum3A_281 = vector.extract %reduce_sum3A_280[15] : f32 from vector<16xf32>
      %broadcast_in_dim3A_282 = vector.broadcast %reduce_sum3A_281 : f32 to vector<16xf32>
      %div3A_283 = arith.constant 1.000000e+00 : f32
      %div3A_284 = vector.broadcast %div3A_283 : f32 to vector<16xf32>
      %div3A_285 = arith.divf %div3A_284, %broadcast_in_dim3A_282 : vector<16xf32>
      %mul3A_286 = arith.mulf %exp3A_271, %div3A_285 : vector<16xf32>
      %add3A_287 = arith.addf %add3A_213, %mul3A_286 : vector<16xf32>
      %mul3A_288 = arith.mulf %exp3A_272, %div3A_285 : vector<16xf32>
      %add3A_289 = arith.addf %add3A_215, %mul3A_288 : vector<16xf32>
      %mul3A_290 = arith.mulf %exp3A_273, %div3A_285 : vector<16xf32>
      %add3A_291 = arith.addf %add3A_217, %mul3A_290 : vector<16xf32>
      %mul3A_292 = arith.mulf %exp3A_274, %div3A_285 : vector<16xf32>
      %add3A_293 = arith.addf %add3A_219, %mul3A_292 : vector<16xf32>
      %eq3A_294 = arith.cmpf oeq, %get3A_250, %broadcast_in_dim3A_270 : vector<16xf32>
      %jit3A_295 = arith.constant 1.000000e+00 : f32
      %jit3A_296 = arith.constant 0.000000e+00 : f32
      %broadcast_in_dim3A_297 = vector.broadcast %jit3A_295 : f32 to vector<16xf32>
      %broadcast_in_dim3A_298 = vector.broadcast %jit3A_296 : f32 to vector<16xf32>
      %select_n3A_299 = arith.select %eq3A_294, %broadcast_in_dim3A_297, %broadcast_in_dim3A_298 : vector<16xi1>, vector<16xf32>
      %add3A_300 = arith.addf %add3A_223, %select_n3A_299 : vector<16xf32>
      %eq3A_301 = arith.cmpf oeq, %get3A_254, %broadcast_in_dim3A_270 : vector<16xf32>
      %jit3A_302 = arith.constant 1.000000e+00 : f32
      %jit3A_303 = arith.constant 0.000000e+00 : f32
      %broadcast_in_dim3A_304 = vector.broadcast %jit3A_302 : f32 to vector<16xf32>
      %broadcast_in_dim3A_305 = vector.broadcast %jit3A_303 : f32 to vector<16xf32>
      %select_n3A_306 = arith.select %eq3A_301, %broadcast_in_dim3A_304, %broadcast_in_dim3A_305 : vector<16xi1>, vector<16xf32>
      %add3A_307 = arith.addf %add3A_230, %select_n3A_306 : vector<16xf32>
      %eq3A_308 = arith.cmpf oeq, %get3A_258, %broadcast_in_dim3A_270 : vector<16xf32>
      %jit3A_309 = arith.constant 1.000000e+00 : f32
      %jit3A_310 = arith.constant 0.000000e+00 : f32
      %broadcast_in_dim3A_311 = vector.broadcast %jit3A_309 : f32 to vector<16xf32>
      %broadcast_in_dim3A_312 = vector.broadcast %jit3A_310 : f32 to vector<16xf32>
      %select_n3A_313 = arith.select %eq3A_308, %broadcast_in_dim3A_311, %broadcast_in_dim3A_312 : vector<16xi1>, vector<16xf32>
      %add3A_314 = arith.addf %add3A_237, %select_n3A_313 : vector<16xf32>
      %eq3A_315 = arith.cmpf oeq, %get3A_262, %broadcast_in_dim3A_270 : vector<16xf32>
      %jit3A_316 = arith.constant 1.000000e+00 : f32
      %jit3A_317 = arith.constant 0.000000e+00 : f32
      %broadcast_in_dim3A_318 = vector.broadcast %jit3A_316 : f32 to vector<16xf32>
      %broadcast_in_dim3A_319 = vector.broadcast %jit3A_317 : f32 to vector<16xf32>
      %select_n3A_320 = arith.select %eq3A_315, %broadcast_in_dim3A_318, %broadcast_in_dim3A_319 : vector<16xi1>, vector<16xf32>
      %add3A_321 = arith.addf %add3A_244, %select_n3A_320 : vector<16xf32>
      %scan3A_322 = arith.constant 2 : i32
      %scan3A_323 = arith.addi %scan3A_170, %scan3A_322 : i32
      %get3A_324 = arith.index_cast %scan3A : i32 to index
      %get3A_325 = arith.index_cast %scan3A_323 : i32 to index
      %get3A_326 = arith.constant 0 : index
      %get3A_327 = tpu.vector_load %arg5[%get3A_324, %get3A_325, %get3A_326] {strides = array<i32>} : memref<2x256x64xf32, #tpu.memory_space<vmem>>, vector<16xf32>,
      %get3A_328 = arith.index_cast %scan3A : i32 to index
      %get3A_329 = arith.index_cast %scan3A_323 : i32 to index
      %get3A_330 = arith.constant 16 : index
      %get3A_331 = tpu.vector_load %arg5[%get3A_328, %get3A_329, %get3A_330] {strides = array<i32>} : memref<2x256x64xf32, #tpu.memory_space<vmem>>, vector<16xf32>,
      %get3A_332 = arith.index_cast %scan3A : i32 to index
      %get3A_333 = arith.index_cast %scan3A_323 : i32 to index
      %get3A_334 = arith.constant 32 : index
      %get3A_335 = tpu.vector_load %arg5[%get3A_332, %get3A_333, %get3A_334] {strides = array<i32>} : memref<2x256x64xf32, #tpu.memory_space<vmem>>, vector<16xf32>,
      %get3A_336 = arith.index_cast %scan3A : i32 to index
      %get3A_337 = arith.index_cast %scan3A_323 : i32 to index
      %get3A_338 = arith.constant 48 : index
      %get3A_339 = tpu.vector_load %arg5[%get3A_336, %get3A_337, %get3A_338] {strides = array<i32>} : memref<2x256x64xf32, #tpu.memory_space<vmem>>, vector<16xf32>,
      %max3A_340 = arith.maximumf %get3A_327, %get3A_331 : vector<16xf32>
      %max3A_341 = arith.maximumf %get3A_335, %get3A_339 : vector<16xf32>
      %max3A_342 = arith.maximumf %max3A_340, %max3A_341 : vector<16xf32>
      %reduce_max3A_343 = arith.constant true
      %reduce_max3A_344 = vector.broadcast %reduce_max3A_343 : i1 to vector<16xi1>
      %reduce_max3A_345 = tpu.scan <max>, %max3A_342 masked %reduce_max3A_344 : vector<16xf32>, vector<16xi1> -> vector<16xf32>
      %reduce_max3A_346 = vector.extract %reduce_max3A_345[15] : f32 from vector<16xf32>
      %broadcast_in_dim3A_347 = vector.broadcast %reduce_max3A_346 : f32 to vector<16xf32>
      %exp3A_348 = math.exp %get3A_327 : vector<16xf32>
      %exp3A_349 = math.exp %get3A_331 : vector<16xf32>
      %exp3A_350 = math.exp %get3A_335 : vector<16xf32>
      %exp3A_351 = math.exp %get3A_339 : vector<16xf32>
      %add3A_352 = arith.addf %exp3A_348, %exp3A_349 : vector<16xf32>
      %add3A_353 = arith.addf %exp3A_350, %exp3A_351 : vector<16xf32>
      %add3A_354 = arith.addf %add3A_352, %add3A_353 : vector<16xf32>
      %reduce_sum3A_355 = arith.constant true
      %reduce_sum3A_356 = vector.broadcast %reduce_sum3A_355 : i1 to vector<16xi1>
      %reduce_sum3A_357 = tpu.scan <sum>, %add3A_354 masked %reduce_sum3A_356 : vector<16xf32>, vector<16xi1> -> vector<16xf32>
      %reduce_sum3A_358 = vector.extract %reduce_sum3A_357[15] : f32 from vector<16xf32>
      %broadcast_in_dim3A_359 = vector.broadcast %reduce_sum3A_358 : f32 to vector<16xf32>
      %div3A_360 = arith.constant 1.000000e+00 : f32
      %div3A_361 = vector.broadcast %div3A_360 : f32 to vector<16xf32>
      %div3A_362 = arith.divf %div3A_361, %broadcast_in_dim3A_359 : vector<16xf32>
      %mul3A_363 = arith.mulf %exp3A_348, %div3A_362 : vector<16xf32>
      %add3A_364 = arith.addf %add3A_287, %mul3A_363 : vector<16xf32>
      %mul3A_365 = arith.mulf %exp3A_349, %div3A_362 : vector<16xf32>
      %add3A_366 = arith.addf %add3A_289, %mul3A_365 : vector<16xf32>
      %mul3A_367 = arith.mulf %exp3A_350, %div3A_362 : vector<16xf32>
      %add3A_368 = arith.addf %add3A_291, %mul3A_367 : vector<16xf32>
      %mul3A_369 = arith.mulf %exp3A_351, %div3A_362 : vector<16xf32>
      %add3A_370 = arith.addf %add3A_293, %mul3A_369 : vector<16xf32>
      %eq3A_371 = arith.cmpf oeq, %get3A_327, %broadcast_in_dim3A_347 : vector<16xf32>
      %jit3A_372 = arith.constant 1.000000e+00 : f32
      %jit3A_373 = arith.constant 0.000000e+00 : f32
      %broadcast_in_dim3A_374 = vector.broadcast %jit3A_372 : f32 to vector<16xf32>
      %broadcast_in_dim3A_375 = vector.broadcast %jit3A_373 : f32 to vector<16xf32>
      %select_n3A_376 = arith.select %eq3A_371, %broadcast_in_dim3A_374, %broadcast_in_dim3A_375 : vector<16xi1>, vector<16xf32>
      %add3A_377 = arith.addf %add3A_300, %select_n3A_376 : vector<16xf32>
      %eq3A_378 = arith.cmpf oeq, %get3A_331, %broadcast_in_dim3A_347 : vector<16xf32>
      %jit3A_379 = arith.constant 1.000000e+00 : f32
      %jit3A_380 = arith.constant 0.000000e+00 : f32
      %broadcast_in_dim3A_381 = vector.broadcast %jit3A_379 : f32 to vector<16xf32>
      %broadcast_in_dim3A_382 = vector.broadcast %jit3A_380 : f32 to vector<16xf32>
      %select_n3A_383 = arith.select %eq3A_378, %broadcast_in_dim3A_381, %broadcast_in_dim3A_382 : vector<16xi1>, vector<16xf32>
      %add3A_384 = arith.addf %add3A_307, %select_n3A_383 : vector<16xf32>
      %eq3A_385 = arith.cmpf oeq, %get3A_335, %broadcast_in_dim3A_347 : vector<16xf32>
      %jit3A_386 = arith.constant 1.000000e+00 : f32
      %jit3A_387 = arith.constant 0.000000e+00 : f32
      %broadcast_in_dim3A_388 = vector.broadcast %jit3A_386 : f32 to vector<16xf32>
      %broadcast_in_dim3A_389 = vector.broadcast %jit3A_387 : f32 to vector<16xf32>
      %select_n3A_390 = arith.select %eq3A_385, %broadcast_in_dim3A_388, %broadcast_in_dim3A_389 : vector<16xi1>, vector<16xf32>
      %add3A_391 = arith.addf %add3A_314, %select_n3A_390 : vector<16xf32>
      %eq3A_392 = arith.cmpf oeq, %get3A_339, %broadcast_in_dim3A_347 : vector<16xf32>
      %jit3A_393 = arith.constant 1.000000e+00 : f32
      %jit3A_394 = arith.constant 0.000000e+00 : f32
      %broadcast_in_dim3A_395 = vector.broadcast %jit3A_393 : f32 to vector<16xf32>
      %broadcast_in_dim3A_396 = vector.broadcast %jit3A_394 : f32 to vector<16xf32>
      %select_n3A_397 = arith.select %eq3A_392, %broadcast_in_dim3A_395, %broadcast_in_dim3A_396 : vector<16xi1>, vector<16xf32>
      %add3A_398 = arith.addf %add3A_321, %select_n3A_397 : vector<16xf32>
      %scan3A_399 = arith.constant 3 : i32
      %scan3A_400 = arith.addi %scan3A_170, %scan3A_399 : i32
      %get3A_401 = arith.index_cast %scan3A : i32 to index
      %get3A_402 = arith.index_cast %scan3A_400 : i32 to index
      %get3A_403 = arith.constant 0 : index
      %get3A_404 = tpu.vector_load %arg5[%get3A_401, %get3A_402, %get3A_403] {strides = array<i32>} : memref<2x256x64xf32, #tpu.memory_space<vmem>>, vector<16xf32>,
      %get3A_405 = arith.index_cast %scan3A : i32 to index
      %get3A_406 = arith.index_cast %scan3A_400 : i32 to index
      %get3A_407 = arith.constant 16 : index
      %get3A_408 = tpu.vector_load %arg5[%get3A_405, %get3A_406, %get3A_407] {strides = array<i32>} : memref<2x256x64xf32, #tpu.memory_space<vmem>>, vector<16xf32>,
      %get3A_409 = arith.index_cast %scan3A : i32 to index
      %get3A_410 = arith.index_cast %scan3A_400 : i32 to index
      %get3A_411 = arith.constant 32 : index
      %get3A_412 = tpu.vector_load %arg5[%get3A_409, %get3A_410, %get3A_411] {strides = array<i32>} : memref<2x256x64xf32, #tpu.memory_space<vmem>>, vector<16xf32>,
      %get3A_413 = arith.index_cast %scan3A : i32 to index
      %get3A_414 = arith.index_cast %scan3A_400 : i32 to index
      %get3A_415 = arith.constant 48 : index
      %get3A_416 = tpu.vector_load %arg5[%get3A_413, %get3A_414, %get3A_415] {strides = array<i32>} : memref<2x256x64xf32, #tpu.memory_space<vmem>>, vector<16xf32>,
      %max3A_417 = arith.maximumf %get3A_404, %get3A_408 : vector<16xf32>
      %max3A_418 = arith.maximumf %get3A_412, %get3A_416 : vector<16xf32>
      %max3A_419 = arith.maximumf %max3A_417, %max3A_418 : vector<16xf32>
      %reduce_max3A_420 = arith.constant true
      %reduce_max3A_421 = vector.broadcast %reduce_max3A_420 : i1 to vector<16xi1>
      %reduce_max3A_422 = tpu.scan <max>, %max3A_419 masked %reduce_max3A_421 : vector<16xf32>, vector<16xi1> -> vector<16xf32>
      %reduce_max3A_423 = vector.extract %reduce_max3A_422[15] : f32 from vector<16xf32>
      %broadcast_in_dim3A_424 = vector.broadcast %reduce_max3A_423 : f32 to vector<16xf32>
      %exp3A_425 = math.exp %get3A_404 : vector<16xf32>
      %exp3A_426 = math.exp %get3A_408 : vector<16xf32>
      %exp3A_427 = math.exp %get3A_412 : vector<16xf32>
      %exp3A_428 = math.exp %get3A_416 : vector<16xf32>
      %add3A_429 = arith.addf %exp3A_425, %exp3A_426 : vector<16xf32>
      %add3A_430 = arith.addf %exp3A_427, %exp3A_428 : vector<16xf32>
      %add3A_431 = arith.addf %add3A_429, %add3A_430 : vector<16xf32>
      %reduce_sum3A_432 = arith.constant true
      %reduce_sum3A_433 = vector.broadcast %reduce_sum3A_432 : i1 to vector<16xi1>
      %reduce_sum3A_434 = tpu.scan <sum>, %add3A_431 masked %reduce_sum3A_433 : vector<16xf32>, vector<16xi1> -> vector<16xf32>
      %reduce_sum3A_435 = vector.extract %reduce_sum3A_434[15] : f32 from vector<16xf32>
      %broadcast_in_dim3A_436 = vector.broadcast %reduce_sum3A_435 : f32 to vector<16xf32>
      %div3A_437 = arith.constant 1.000000e+00 : f32
      %div3A_438 = vector.broadcast %div3A_437 : f32 to vector<16xf32>
      %div3A_439 = arith.divf %div3A_438, %broadcast_in_dim3A_436 : vector<16xf32>
      %mul3A_440 = arith.mulf %exp3A_425, %div3A_439 : vector<16xf32>
      %add3A_441 = arith.addf %add3A_364, %mul3A_440 : vector<16xf32>
      %mul3A_442 = arith.mulf %exp3A_426, %div3A_439 : vector<16xf32>
      %add3A_443 = arith.addf %add3A_366, %mul3A_442 : vector<16xf32>
      %mul3A_444 = arith.mulf %exp3A_427, %div3A_439 : vector<16xf32>
      %add3A_445 = arith.addf %add3A_368, %mul3A_444 : vector<16xf32>
      %mul3A_446 = arith.mulf %exp3A_428, %div3A_439 : vector<16xf32>
      %add3A_447 = arith.addf %add3A_370, %mul3A_446 : vector<16xf32>
      %eq3A_448 = arith.cmpf oeq, %get3A_404, %broadcast_in_dim3A_424 : vector<16xf32>
      %jit3A_449 = arith.constant 1.000000e+00 : f32
      %jit3A_450 = arith.constant 0.000000e+00 : f32
      %broadcast_in_dim3A_451 = vector.broadcast %jit3A_449 : f32 to vector<16xf32>
      %broadcast_in_dim3A_452 = vector.broadcast %jit3A_450 : f32 to vector<16xf32>
      %select_n3A_453 = arith.select %eq3A_448, %broadcast_in_dim3A_451, %broadcast_in_dim3A_452 : vector<16xi1>, vector<16xf32>
      %add3A_454 = arith.addf %add3A_377, %select_n3A_453 : vector<16xf32>
      %eq3A_455 = arith.cmpf oeq, %get3A_408, %broadcast_in_dim3A_424 : vector<16xf32>
      %jit3A_456 = arith.constant 1.000000e+00 : f32
      %jit3A_457 = arith.constant 0.000000e+00 : f32
      %broadcast_in_dim3A_458 = vector.broadcast %jit3A_456 : f32 to vector<16xf32>
      %broadcast_in_dim3A_459 = vector.broadcast %jit3A_457 : f32 to vector<16xf32>
      %select_n3A_460 = arith.select %eq3A_455, %broadcast_in_dim3A_458, %broadcast_in_dim3A_459 : vector<16xi1>, vector<16xf32>
      %add3A_461 = arith.addf %add3A_384, %select_n3A_460 : vector<16xf32>
      %eq3A_462 = arith.cmpf oeq, %get3A_412, %broadcast_in_dim3A_424 : vector<16xf32>
      %jit3A_463 = arith.constant 1.000000e+00 : f32
      %jit3A_464 = arith.constant 0.000000e+00 : f32
      %broadcast_in_dim3A_465 = vector.broadcast %jit3A_463 : f32 to vector<16xf32>
      %broadcast_in_dim3A_466 = vector.broadcast %jit3A_464 : f32 to vector<16xf32>
      %select_n3A_467 = arith.select %eq3A_462, %broadcast_in_dim3A_465, %broadcast_in_dim3A_466 : vector<16xi1>, vector<16xf32>
      %add3A_468 = arith.addf %add3A_391, %select_n3A_467 : vector<16xf32>
      %eq3A_469 = arith.cmpf oeq, %get3A_416, %broadcast_in_dim3A_424 : vector<16xf32>
      %jit3A_470 = arith.constant 1.000000e+00 : f32
      %jit3A_471 = arith.constant 0.000000e+00 : f32
      %broadcast_in_dim3A_472 = vector.broadcast %jit3A_470 : f32 to vector<16xf32>
      %broadcast_in_dim3A_473 = vector.broadcast %jit3A_471 : f32 to vector<16xf32>
      %select_n3A_474 = arith.select %eq3A_469, %broadcast_in_dim3A_472, %broadcast_in_dim3A_473 : vector<16xi1>, vector<16xf32>
      %add3A_475 = arith.addf %add3A_398, %select_n3A_474 : vector<16xf32>
      scf.yield %add3A_441, %add3A_443, %add3A_445, %add3A_447, %add3A_454, %add3A_461, %add3A_468, %add3A_475 : vector<16xf32>, vector<16xf32>, vector<16xf32>, vector<16xf32>, vector<16xf32>, vector<16xf32>, vector<16xf32>, vector<16xf32>
    }
    %scan3A_48 = arith.constant 256 : i32
    %add3A_49 = arith.constant 512 : i32
    %add3A_50 = arith.addi %mul3A_2, %add3A_49 : i32
    %dma_start3A_51 = arith.constant 0 : i32
    %dma_start3A_52 = arith.constant 0 : i32
    %dma_start3A_53 = arith.constant 0 : i32
    %dma_start3A_54 = tpu.memref_slice %arg5[%dma_start3A_51, %dma_start3A_52, %dma_start3A_53] : memref<2x256x64xf32, #tpu.memory_space<vmem>> -> memref<1x256x64xf32, #tpu.memory_space<vmem>>
    %dma_start3A_55 = tpu.memref_squeeze %dma_start3A_54 : memref<1x256x64xf32, #tpu.memory_space<vmem>> -> memref<256x64xf32, #tpu.memory_space<vmem>>
    %dma_start3A_56 = arith.constant 0 : i32
    %dma_start3A_57 = tpu.memref_slice %arg2[%add3A_50, %dma_start3A_56] : memref<32768x64xf32, #tpu.memory_space<hbm>> -> memref<256x64xf32, #tpu.memory_space<hbm>>
    %dma_start3A_58 = arith.constant 0 : i32
    %dma_start3A_59 = arith.constant 0 : i32
    %dma_start3A_60 = tpu.memref_slice %arg5[%dma_start3A_51, %dma_start3A_58, %dma_start3A_59] : memref<2x256x64xf32, #tpu.memory_space<vmem>> -> memref<1x256x64xf32, #tpu.memory_space<vmem>>
    %dma_start3A_61 = tpu.memref_squeeze %dma_start3A_60 : memref<1x256x64xf32, #tpu.memory_space<vmem>> -> memref<256x64xf32, #tpu.memory_space<vmem>>
    %dma_start3A_62 = arith.constant 0 : i32
    %dma_start3A_63 = tpu.memref_slice %arg2[%add3A_50, %dma_start3A_62] : memref<32768x64xf32, #tpu.memory_space<hbm>> -> memref<256x64xf32, #tpu.memory_space<hbm>>
    tpu.enqueue_dma source(%dma_start3A_63 : memref<256x64xf32, #tpu.memory_space<hbm>>) target(%dma_start3A_61 : memref<256x64xf32, #tpu.memory_space<vmem>>) target_semaphore(%arg8 : memref<!tpu.dma_semaphore, #tpu.memory_space<semaphore_mem>>)
    %dma_wait3A_64 = arith.constant 1 : i32
    %dma_wait3A_65 = arith.constant 0 : i32
    %dma_wait3A_66 = arith.constant 0 : i32
    %dma_wait3A_67 = tpu.memref_slice %arg5[%dma_wait3A_64, %dma_wait3A_65, %dma_wait3A_66] : memref<2x256x64xf32, #tpu.memory_space<vmem>> -> memref<1x256x64xf32, #tpu.memory_space<vmem>>
    %dma_wait3A_68 = tpu.memref_squeeze %dma_wait3A_67 : memref<1x256x64xf32, #tpu.memory_space<vmem>> -> memref<256x64xf32, #tpu.memory_space<vmem>>
    %dma_wait3A_69 = arith.constant 0 : i32
    %dma_wait3A_70 = tpu.memref_slice %arg2[%add3A_17, %dma_wait3A_69] : memref<32768x64xf32, #tpu.memory_space<hbm>> -> memref<256x64xf32, #tpu.memory_space<hbm>>
    %dma_wait3A_71 = arith.constant 0 : i32
    %dma_wait3A_72 = arith.constant 0 : i32
    %dma_wait3A_73 = tpu.memref_slice %arg5[%dma_wait3A_64, %dma_wait3A_71, %dma_wait3A_72] : memref<2x256x64xf32, #tpu.memory_space<vmem>> -> memref<1x256x64xf32, #tpu.memory_space<vmem>>
    %dma_wait3A_74 = tpu.memref_squeeze %dma_wait3A_73 : memref<1x256x64xf32, #tpu.memory_space<vmem>> -> memref<256x64xf32, #tpu.memory_space<vmem>>
    %dma_wait3A_75 = arith.constant 0 : i32
    %dma_wait3A_76 = tpu.memref_slice %arg2[%add3A_17, %dma_wait3A_75] : memref<32768x64xf32, #tpu.memory_space<hbm>> -> memref<256x64xf32, #tpu.memory_space<hbm>>
    tpu.wait_dma2 semaphore(%arg9 : memref<!tpu.dma_semaphore, #tpu.memory_space<semaphore_mem>>) src(%dma_wait3A_76 : memref<256x64xf32, #tpu.memory_space<hbm>>) dst(%dma_wait3A_74 : memref<256x64xf32, #tpu.memory_space<vmem>>)
    %scan3A_77 = arith.constant 1 : i32
    %scan3A_78 = arith.constant 0 : i32
    %scan3A_79 = arith.constant 256 : i32
    %scan3A_80 = arith.addi %scan3A_78, %scan3A_79 : i32
    %scan3A_81 = arith.constant 4 : i32
    %scan3A_82:8 = scf.for %scan3A_170 = %scan3A_78 to %scan3A_80 step %scan3A_81 iter_args(%scan3A_171 = %scan3A_47#0, %scan3A_172 = %scan3A_47#1, %scan3A_173 = %scan3A_47#2, %scan3A_174 = %scan3A_47#3, %scan3A_175 = %scan3A_47#4, %scan3A_176 = %scan3A_47#5, %scan3A_177 = %scan3A_47#6, %scan3A_178 = %scan3A_47#7) -> (vector<16xf32>, vector<16xf32>, vector<16xf32>, vector<16xf32>, vector<16xf32>, vector<16xf32>, vector<16xf32>, vector<16xf32>)  : i32 {
      %get3A = arith.index_cast %scan3A_77 : i32 to index
      %get3A_179 = arith.index_cast %scan3A_170 : i32 to index
      %get3A_180 = arith.constant 0 : index
      %get3A_181 = tpu.vector_load %arg5[%get3A, %get3A_179, %get3A_180] {strides = array<i32>} : memref<2x256x64xf32, #tpu.memory_space<vmem>>, vector<16xf32>,
      %get3A_182 = arith.index_cast %scan3A_77 : i32 to index
      %get3A_183 = arith.index_cast %scan3A_170 : i32 to index
      %get3A_184 = arith.constant 16 : index
      %get3A_185 = tpu.vector_load %arg5[%get3A_182, %get3A_183, %get3A_184] {strides = array<i32>} : memref<2x256x64xf32, #tpu.memory_space<vmem>>, vector<16xf32>,
      %get3A_186 = arith.index_cast %scan3A_77 : i32 to index
      %get3A_187 = arith.index_cast %scan3A_170 : i32 to index
      %get3A_188 = arith.constant 32 : index
      %get3A_189 = tpu.vector_load %arg5[%get3A_186, %get3A_187, %get3A_188] {strides = array<i32>} : memref<2x256x64xf32, #tpu.memory_space<vmem>>, vector<16xf32>,
      %get3A_190 = arith.index_cast %scan3A_77 : i32 to index
      %get3A_191 = arith.index_cast %scan3A_170 : i32 to index
      %get3A_192 = arith.constant 48 : index
      %get3A_193 = tpu.vector_load %arg5[%get3A_190, %get3A_191, %get3A_192] {strides = array<i32>} : memref<2x256x64xf32, #tpu.memory_space<vmem>>, vector<16xf32>,
      %max3A = arith.maximumf %get3A_181, %get3A_185 : vector<16xf32>
      %max3A_194 = arith.maximumf %get3A_189, %get3A_193 : vector<16xf32>
      %max3A_195 = arith.maximumf %max3A, %max3A_194 : vector<16xf32>
      %reduce_max3A = arith.constant true
      %reduce_max3A_196 = vector.broadcast %reduce_max3A : i1 to vector<16xi1>
      %reduce_max3A_197 = tpu.scan <max>, %max3A_195 masked %reduce_max3A_196 : vector<16xf32>, vector<16xi1> -> vector<16xf32>
      %reduce_max3A_198 = vector.extract %reduce_max3A_197[15] : f32 from vector<16xf32>
      %broadcast_in_dim3A_199 = vector.broadcast %reduce_max3A_198 : f32 to vector<16xf32>
      %exp3A = math.exp %get3A_181 : vector<16xf32>
      %exp3A_200 = math.exp %get3A_185 : vector<16xf32>
      %exp3A_201 = math.exp %get3A_189 : vector<16xf32>
      %exp3A_202 = math.exp %get3A_193 : vector<16xf32>
      %add3A_203 = arith.addf %exp3A, %exp3A_200 : vector<16xf32>
      %add3A_204 = arith.addf %exp3A_201, %exp3A_202 : vector<16xf32>
      %add3A_205 = arith.addf %add3A_203, %add3A_204 : vector<16xf32>
      %reduce_sum3A = arith.constant true
      %reduce_sum3A_206 = vector.broadcast %reduce_sum3A : i1 to vector<16xi1>
      %reduce_sum3A_207 = tpu.scan <sum>, %add3A_205 masked %reduce_sum3A_206 : vector<16xf32>, vector<16xi1> -> vector<16xf32>
      %reduce_sum3A_208 = vector.extract %reduce_sum3A_207[15] : f32 from vector<16xf32>
      %broadcast_in_dim3A_209 = vector.broadcast %reduce_sum3A_208 : f32 to vector<16xf32>
      %div3A = arith.constant 1.000000e+00 : f32
      %div3A_210 = vector.broadcast %div3A : f32 to vector<16xf32>
      %div3A_211 = arith.divf %div3A_210, %broadcast_in_dim3A_209 : vector<16xf32>
      %mul3A_212 = arith.mulf %exp3A, %div3A_211 : vector<16xf32>
      %add3A_213 = arith.addf %scan3A_171, %mul3A_212 : vector<16xf32>
      %mul3A_214 = arith.mulf %exp3A_200, %div3A_211 : vector<16xf32>
      %add3A_215 = arith.addf %scan3A_172, %mul3A_214 : vector<16xf32>
      %mul3A_216 = arith.mulf %exp3A_201, %div3A_211 : vector<16xf32>
      %add3A_217 = arith.addf %scan3A_173, %mul3A_216 : vector<16xf32>
      %mul3A_218 = arith.mulf %exp3A_202, %div3A_211 : vector<16xf32>
      %add3A_219 = arith.addf %scan3A_174, %mul3A_218 : vector<16xf32>
      %eq3A = arith.cmpf oeq, %get3A_181, %broadcast_in_dim3A_199 : vector<16xf32>
      %jit3A = arith.constant 1.000000e+00 : f32
      %jit3A_220 = arith.constant 0.000000e+00 : f32
      %broadcast_in_dim3A_221 = vector.broadcast %jit3A : f32 to vector<16xf32>
      %broadcast_in_dim3A_222 = vector.broadcast %jit3A_220 : f32 to vector<16xf32>
      %select_n3A = arith.select %eq3A, %broadcast_in_dim3A_221, %broadcast_in_dim3A_222 : vector<16xi1>, vector<16xf32>
      %add3A_223 = arith.addf %scan3A_175, %select_n3A : vector<16xf32>
      %eq3A_224 = arith.cmpf oeq, %get3A_185, %broadcast_in_dim3A_199 : vector<16xf32>
      %jit3A_225 = arith.constant 1.000000e+00 : f32
      %jit3A_226 = arith.constant 0.000000e+00 : f32
      %broadcast_in_dim3A_227 = vector.broadcast %jit3A_225 : f32 to vector<16xf32>
      %broadcast_in_dim3A_228 = vector.broadcast %jit3A_226 : f32 to vector<16xf32>
      %select_n3A_229 = arith.select %eq3A_224, %broadcast_in_dim3A_227, %broadcast_in_dim3A_228 : vector<16xi1>, vector<16xf32>
      %add3A_230 = arith.addf %scan3A_176, %select_n3A_229 : vector<16xf32>
      %eq3A_231 = arith.cmpf oeq, %get3A_189, %broadcast_in_dim3A_199 : vector<16xf32>
      %jit3A_232 = arith.constant 1.000000e+00 : f32
      %jit3A_233 = arith.constant 0.000000e+00 : f32
      %broadcast_in_dim3A_234 = vector.broadcast %jit3A_232 : f32 to vector<16xf32>
      %broadcast_in_dim3A_235 = vector.broadcast %jit3A_233 : f32 to vector<16xf32>
      %select_n3A_236 = arith.select %eq3A_231, %broadcast_in_dim3A_234, %broadcast_in_dim3A_235 : vector<16xi1>, vector<16xf32>
      %add3A_237 = arith.addf %scan3A_177, %select_n3A_236 : vector<16xf32>
      %eq3A_238 = arith.cmpf oeq, %get3A_193, %broadcast_in_dim3A_199 : vector<16xf32>
      %jit3A_239 = arith.constant 1.000000e+00 : f32
      %jit3A_240 = arith.constant 0.000000e+00 : f32
      %broadcast_in_dim3A_241 = vector.broadcast %jit3A_239 : f32 to vector<16xf32>
      %broadcast_in_dim3A_242 = vector.broadcast %jit3A_240 : f32 to vector<16xf32>
      %select_n3A_243 = arith.select %eq3A_238, %broadcast_in_dim3A_241, %broadcast_in_dim3A_242 : vector<16xi1>, vector<16xf32>
      %add3A_244 = arith.addf %scan3A_178, %select_n3A_243 : vector<16xf32>
      %scan3A_245 = arith.constant 1 : i32
      %scan3A_246 = arith.addi %scan3A_170, %scan3A_245 : i32
      %get3A_247 = arith.index_cast %scan3A_77 : i32 to index
      %get3A_248 = arith.index_cast %scan3A_246 : i32 to index
      %get3A_249 = arith.constant 0 : index
      %get3A_250 = tpu.vector_load %arg5[%get3A_247, %get3A_248, %get3A_249] {strides = array<i32>} : memref<2x256x64xf32, #tpu.memory_space<vmem>>, vector<16xf32>,
      %get3A_251 = arith.index_cast %scan3A_77 : i32 to index
      %get3A_252 = arith.index_cast %scan3A_246 : i32 to index
      %get3A_253 = arith.constant 16 : index
      %get3A_254 = tpu.vector_load %arg5[%get3A_251, %get3A_252, %get3A_253] {strides = array<i32>} : memref<2x256x64xf32, #tpu.memory_space<vmem>>, vector<16xf32>,
      %get3A_255 = arith.index_cast %scan3A_77 : i32 to index
      %get3A_256 = arith.index_cast %scan3A_246 : i32 to index
      %get3A_257 = arith.constant 32 : index
      %get3A_258 = tpu.vector_load %arg5[%get3A_255, %get3A_256, %get3A_257] {strides = array<i32>} : memref<2x256x64xf32, #tpu.memory_space<vmem>>, vector<16xf32>,
      %get3A_259 = arith.index_cast %scan3A_77 : i32 to index
      %get3A_260 = arith.index_cast %scan3A_246 : i32 to index
      %get3A_261 = arith.constant 48 : index
      %get3A_262 = tpu.vector_load %arg5[%get3A_259, %get3A_260, %get3A_261] {strides = array<i32>} : memref<2x256x64xf32, #tpu.memory_space<vmem>>, vector<16xf32>,
      %max3A_263 = arith.maximumf %get3A_250, %get3A_254 : vector<16xf32>
      %max3A_264 = arith.maximumf %get3A_258, %get3A_262 : vector<16xf32>
      %max3A_265 = arith.maximumf %max3A_263, %max3A_264 : vector<16xf32>
      %reduce_max3A_266 = arith.constant true
      %reduce_max3A_267 = vector.broadcast %reduce_max3A_266 : i1 to vector<16xi1>
      %reduce_max3A_268 = tpu.scan <max>, %max3A_265 masked %reduce_max3A_267 : vector<16xf32>, vector<16xi1> -> vector<16xf32>
      %reduce_max3A_269 = vector.extract %reduce_max3A_268[15] : f32 from vector<16xf32>
      %broadcast_in_dim3A_270 = vector.broadcast %reduce_max3A_269 : f32 to vector<16xf32>
      %exp3A_271 = math.exp %get3A_250 : vector<16xf32>
      %exp3A_272 = math.exp %get3A_254 : vector<16xf32>
      %exp3A_273 = math.exp %get3A_258 : vector<16xf32>
      %exp3A_274 = math.exp %get3A_262 : vector<16xf32>
      %add3A_275 = arith.addf %exp3A_271, %exp3A_272 : vector<16xf32>
      %add3A_276 = arith.addf %exp3A_273, %exp3A_274 : vector<16xf32>
      %add3A_277 = arith.addf %add3A_275, %add3A_276 : vector<16xf32>
      %reduce_sum3A_278 = arith.constant true
      %reduce_sum3A_279 = vector.broadcast %reduce_sum3A_278 : i1 to vector<16xi1>
      %reduce_sum3A_280 = tpu.scan <sum>, %add3A_277 masked %reduce_sum3A_279 : vector<16xf32>, vector<16xi1> -> vector<16xf32>
      %reduce_sum3A_281 = vector.extract %reduce_sum3A_280[15] : f32 from vector<16xf32>
      %broadcast_in_dim3A_282 = vector.broadcast %reduce_sum3A_281 : f32 to vector<16xf32>
      %div3A_283 = arith.constant 1.000000e+00 : f32
      %div3A_284 = vector.broadcast %div3A_283 : f32 to vector<16xf32>
      %div3A_285 = arith.divf %div3A_284, %broadcast_in_dim3A_282 : vector<16xf32>
      %mul3A_286 = arith.mulf %exp3A_271, %div3A_285 : vector<16xf32>
      %add3A_287 = arith.addf %add3A_213, %mul3A_286 : vector<16xf32>
      %mul3A_288 = arith.mulf %exp3A_272, %div3A_285 : vector<16xf32>
      %add3A_289 = arith.addf %add3A_215, %mul3A_288 : vector<16xf32>
      %mul3A_290 = arith.mulf %exp3A_273, %div3A_285 : vector<16xf32>
      %add3A_291 = arith.addf %add3A_217, %mul3A_290 : vector<16xf32>
      %mul3A_292 = arith.mulf %exp3A_274, %div3A_285 : vector<16xf32>
      %add3A_293 = arith.addf %add3A_219, %mul3A_292 : vector<16xf32>
      %eq3A_294 = arith.cmpf oeq, %get3A_250, %broadcast_in_dim3A_270 : vector<16xf32>
      %jit3A_295 = arith.constant 1.000000e+00 : f32
      %jit3A_296 = arith.constant 0.000000e+00 : f32
      %broadcast_in_dim3A_297 = vector.broadcast %jit3A_295 : f32 to vector<16xf32>
      %broadcast_in_dim3A_298 = vector.broadcast %jit3A_296 : f32 to vector<16xf32>
      %select_n3A_299 = arith.select %eq3A_294, %broadcast_in_dim3A_297, %broadcast_in_dim3A_298 : vector<16xi1>, vector<16xf32>
      %add3A_300 = arith.addf %add3A_223, %select_n3A_299 : vector<16xf32>
      %eq3A_301 = arith.cmpf oeq, %get3A_254, %broadcast_in_dim3A_270 : vector<16xf32>
      %jit3A_302 = arith.constant 1.000000e+00 : f32
      %jit3A_303 = arith.constant 0.000000e+00 : f32
      %broadcast_in_dim3A_304 = vector.broadcast %jit3A_302 : f32 to vector<16xf32>
      %broadcast_in_dim3A_305 = vector.broadcast %jit3A_303 : f32 to vector<16xf32>
      %select_n3A_306 = arith.select %eq3A_301, %broadcast_in_dim3A_304, %broadcast_in_dim3A_305 : vector<16xi1>, vector<16xf32>
      %add3A_307 = arith.addf %add3A_230, %select_n3A_306 : vector<16xf32>
      %eq3A_308 = arith.cmpf oeq, %get3A_258, %broadcast_in_dim3A_270 : vector<16xf32>
      %jit3A_309 = arith.constant 1.000000e+00 : f32
      %jit3A_310 = arith.constant 0.000000e+00 : f32
      %broadcast_in_dim3A_311 = vector.broadcast %jit3A_309 : f32 to vector<16xf32>
      %broadcast_in_dim3A_312 = vector.broadcast %jit3A_310 : f32 to vector<16xf32>
      %select_n3A_313 = arith.select %eq3A_308, %broadcast_in_dim3A_311, %broadcast_in_dim3A_312 : vector<16xi1>, vector<16xf32>
      %add3A_314 = arith.addf %add3A_237, %select_n3A_313 : vector<16xf32>
      %eq3A_315 = arith.cmpf oeq, %get3A_262, %broadcast_in_dim3A_270 : vector<16xf32>
      %jit3A_316 = arith.constant 1.000000e+00 : f32
      %jit3A_317 = arith.constant 0.000000e+00 : f32
      %broadcast_in_dim3A_318 = vector.broadcast %jit3A_316 : f32 to vector<16xf32>
      %broadcast_in_dim3A_319 = vector.broadcast %jit3A_317 : f32 to vector<16xf32>
      %select_n3A_320 = arith.select %eq3A_315, %broadcast_in_dim3A_318, %broadcast_in_dim3A_319 : vector<16xi1>, vector<16xf32>
      %add3A_321 = arith.addf %add3A_244, %select_n3A_320 : vector<16xf32>
      %scan3A_322 = arith.constant 2 : i32
      %scan3A_323 = arith.addi %scan3A_170, %scan3A_322 : i32
      %get3A_324 = arith.index_cast %scan3A_77 : i32 to index
      %get3A_325 = arith.index_cast %scan3A_323 : i32 to index
      %get3A_326 = arith.constant 0 : index
      %get3A_327 = tpu.vector_load %arg5[%get3A_324, %get3A_325, %get3A_326] {strides = array<i32>} : memref<2x256x64xf32, #tpu.memory_space<vmem>>, vector<16xf32>,
      %get3A_328 = arith.index_cast %scan3A_77 : i32 to index
      %get3A_329 = arith.index_cast %scan3A_323 : i32 to index
      %get3A_330 = arith.constant 16 : index
      %get3A_331 = tpu.vector_load %arg5[%get3A_328, %get3A_329, %get3A_330] {strides = array<i32>} : memref<2x256x64xf32, #tpu.memory_space<vmem>>, vector<16xf32>,
      %get3A_332 = arith.index_cast %scan3A_77 : i32 to index
      %get3A_333 = arith.index_cast %scan3A_323 : i32 to index
      %get3A_334 = arith.constant 32 : index
      %get3A_335 = tpu.vector_load %arg5[%get3A_332, %get3A_333, %get3A_334] {strides = array<i32>} : memref<2x256x64xf32, #tpu.memory_space<vmem>>, vector<16xf32>,
      %get3A_336 = arith.index_cast %scan3A_77 : i32 to index
      %get3A_337 = arith.index_cast %scan3A_323 : i32 to index
      %get3A_338 = arith.constant 48 : index
      %get3A_339 = tpu.vector_load %arg5[%get3A_336, %get3A_337, %get3A_338] {strides = array<i32>} : memref<2x256x64xf32, #tpu.memory_space<vmem>>, vector<16xf32>,
      %max3A_340 = arith.maximumf %get3A_327, %get3A_331 : vector<16xf32>
      %max3A_341 = arith.maximumf %get3A_335, %get3A_339 : vector<16xf32>
      %max3A_342 = arith.maximumf %max3A_340, %max3A_341 : vector<16xf32>
      %reduce_max3A_343 = arith.constant true
      %reduce_max3A_344 = vector.broadcast %reduce_max3A_343 : i1 to vector<16xi1>
      %reduce_max3A_345 = tpu.scan <max>, %max3A_342 masked %reduce_max3A_344 : vector<16xf32>, vector<16xi1> -> vector<16xf32>
      %reduce_max3A_346 = vector.extract %reduce_max3A_345[15] : f32 from vector<16xf32>
      %broadcast_in_dim3A_347 = vector.broadcast %reduce_max3A_346 : f32 to vector<16xf32>
      %exp3A_348 = math.exp %get3A_327 : vector<16xf32>
      %exp3A_349 = math.exp %get3A_331 : vector<16xf32>
      %exp3A_350 = math.exp %get3A_335 : vector<16xf32>
      %exp3A_351 = math.exp %get3A_339 : vector<16xf32>
      %add3A_352 = arith.addf %exp3A_348, %exp3A_349 : vector<16xf32>
      %add3A_353 = arith.addf %exp3A_350, %exp3A_351 : vector<16xf32>
      %add3A_354 = arith.addf %add3A_352, %add3A_353 : vector<16xf32>
      %reduce_sum3A_355 = arith.constant true
      %reduce_sum3A_356 = vector.broadcast %reduce_sum3A_355 : i1 to vector<16xi1>
      %reduce_sum3A_357 = tpu.scan <sum>, %add3A_354 masked %reduce_sum3A_356 : vector<16xf32>, vector<16xi1> -> vector<16xf32>
      %reduce_sum3A_358 = vector.extract %reduce_sum3A_357[15] : f32 from vector<16xf32>
      %broadcast_in_dim3A_359 = vector.broadcast %reduce_sum3A_358 : f32 to vector<16xf32>
      %div3A_360 = arith.constant 1.000000e+00 : f32
      %div3A_361 = vector.broadcast %div3A_360 : f32 to vector<16xf32>
      %div3A_362 = arith.divf %div3A_361, %broadcast_in_dim3A_359 : vector<16xf32>
      %mul3A_363 = arith.mulf %exp3A_348, %div3A_362 : vector<16xf32>
      %add3A_364 = arith.addf %add3A_287, %mul3A_363 : vector<16xf32>
      %mul3A_365 = arith.mulf %exp3A_349, %div3A_362 : vector<16xf32>
      %add3A_366 = arith.addf %add3A_289, %mul3A_365 : vector<16xf32>
      %mul3A_367 = arith.mulf %exp3A_350, %div3A_362 : vector<16xf32>
      %add3A_368 = arith.addf %add3A_291, %mul3A_367 : vector<16xf32>
      %mul3A_369 = arith.mulf %exp3A_351, %div3A_362 : vector<16xf32>
      %add3A_370 = arith.addf %add3A_293, %mul3A_369 : vector<16xf32>
      %eq3A_371 = arith.cmpf oeq, %get3A_327, %broadcast_in_dim3A_347 : vector<16xf32>
      %jit3A_372 = arith.constant 1.000000e+00 : f32
      %jit3A_373 = arith.constant 0.000000e+00 : f32
      %broadcast_in_dim3A_374 = vector.broadcast %jit3A_372 : f32 to vector<16xf32>
      %broadcast_in_dim3A_375 = vector.broadcast %jit3A_373 : f32 to vector<16xf32>
      %select_n3A_376 = arith.select %eq3A_371, %broadcast_in_dim3A_374, %broadcast_in_dim3A_375 : vector<16xi1>, vector<16xf32>
      %add3A_377 = arith.addf %add3A_300, %select_n3A_376 : vector<16xf32>
      %eq3A_378 = arith.cmpf oeq, %get3A_331, %broadcast_in_dim3A_347 : vector<16xf32>
      %jit3A_379 = arith.constant 1.000000e+00 : f32
      %jit3A_380 = arith.constant 0.000000e+00 : f32
      %broadcast_in_dim3A_381 = vector.broadcast %jit3A_379 : f32 to vector<16xf32>
      %broadcast_in_dim3A_382 = vector.broadcast %jit3A_380 : f32 to vector<16xf32>
      %select_n3A_383 = arith.select %eq3A_378, %broadcast_in_dim3A_381, %broadcast_in_dim3A_382 : vector<16xi1>, vector<16xf32>
      %add3A_384 = arith.addf %add3A_307, %select_n3A_383 : vector<16xf32>
      %eq3A_385 = arith.cmpf oeq, %get3A_335, %broadcast_in_dim3A_347 : vector<16xf32>
      %jit3A_386 = arith.constant 1.000000e+00 : f32
      %jit3A_387 = arith.constant 0.000000e+00 : f32
      %broadcast_in_dim3A_388 = vector.broadcast %jit3A_386 : f32 to vector<16xf32>
      %broadcast_in_dim3A_389 = vector.broadcast %jit3A_387 : f32 to vector<16xf32>
      %select_n3A_390 = arith.select %eq3A_385, %broadcast_in_dim3A_388, %broadcast_in_dim3A_389 : vector<16xi1>, vector<16xf32>
      %add3A_391 = arith.addf %add3A_314, %select_n3A_390 : vector<16xf32>
      %eq3A_392 = arith.cmpf oeq, %get3A_339, %broadcast_in_dim3A_347 : vector<16xf32>
      %jit3A_393 = arith.constant 1.000000e+00 : f32
      %jit3A_394 = arith.constant 0.000000e+00 : f32
      %broadcast_in_dim3A_395 = vector.broadcast %jit3A_393 : f32 to vector<16xf32>
      %broadcast_in_dim3A_396 = vector.broadcast %jit3A_394 : f32 to vector<16xf32>
      %select_n3A_397 = arith.select %eq3A_392, %broadcast_in_dim3A_395, %broadcast_in_dim3A_396 : vector<16xi1>, vector<16xf32>
      %add3A_398 = arith.addf %add3A_321, %select_n3A_397 : vector<16xf32>
      %scan3A_399 = arith.constant 3 : i32
      %scan3A_400 = arith.addi %scan3A_170, %scan3A_399 : i32
      %get3A_401 = arith.index_cast %scan3A_77 : i32 to index
      %get3A_402 = arith.index_cast %scan3A_400 : i32 to index
      %get3A_403 = arith.constant 0 : index
      %get3A_404 = tpu.vector_load %arg5[%get3A_401, %get3A_402, %get3A_403] {strides = array<i32>} : memref<2x256x64xf32, #tpu.memory_space<vmem>>, vector<16xf32>,
      %get3A_405 = arith.index_cast %scan3A_77 : i32 to index
      %get3A_406 = arith.index_cast %scan3A_400 : i32 to index
      %get3A_407 = arith.constant 16 : index
      %get3A_408 = tpu.vector_load %arg5[%get3A_405, %get3A_406, %get3A_407] {strides = array<i32>} : memref<2x256x64xf32, #tpu.memory_space<vmem>>, vector<16xf32>,
      %get3A_409 = arith.index_cast %scan3A_77 : i32 to index
      %get3A_410 = arith.index_cast %scan3A_400 : i32 to index
      %get3A_411 = arith.constant 32 : index
      %get3A_412 = tpu.vector_load %arg5[%get3A_409, %get3A_410, %get3A_411] {strides = array<i32>} : memref<2x256x64xf32, #tpu.memory_space<vmem>>, vector<16xf32>,
      %get3A_413 = arith.index_cast %scan3A_77 : i32 to index
      %get3A_414 = arith.index_cast %scan3A_400 : i32 to index
      %get3A_415 = arith.constant 48 : index
      %get3A_416 = tpu.vector_load %arg5[%get3A_413, %get3A_414, %get3A_415] {strides = array<i32>} : memref<2x256x64xf32, #tpu.memory_space<vmem>>, vector<16xf32>,
      %max3A_417 = arith.maximumf %get3A_404, %get3A_408 : vector<16xf32>
      %max3A_418 = arith.maximumf %get3A_412, %get3A_416 : vector<16xf32>
      %max3A_419 = arith.maximumf %max3A_417, %max3A_418 : vector<16xf32>
      %reduce_max3A_420 = arith.constant true
      %reduce_max3A_421 = vector.broadcast %reduce_max3A_420 : i1 to vector<16xi1>
      %reduce_max3A_422 = tpu.scan <max>, %max3A_419 masked %reduce_max3A_421 : vector<16xf32>, vector<16xi1> -> vector<16xf32>
      %reduce_max3A_423 = vector.extract %reduce_max3A_422[15] : f32 from vector<16xf32>
      %broadcast_in_dim3A_424 = vector.broadcast %reduce_max3A_423 : f32 to vector<16xf32>
      %exp3A_425 = math.exp %get3A_404 : vector<16xf32>
      %exp3A_426 = math.exp %get3A_408 : vector<16xf32>
      %exp3A_427 = math.exp %get3A_412 : vector<16xf32>
      %exp3A_428 = math.exp %get3A_416 : vector<16xf32>
      %add3A_429 = arith.addf %exp3A_425, %exp3A_426 : vector<16xf32>
      %add3A_430 = arith.addf %exp3A_427, %exp3A_428 : vector<16xf32>
      %add3A_431 = arith.addf %add3A_429, %add3A_430 : vector<16xf32>
      %reduce_sum3A_432 = arith.constant true
      %reduce_sum3A_433 = vector.broadcast %reduce_sum3A_432 : i1 to vector<16xi1>
      %reduce_sum3A_434 = tpu.scan <sum>, %add3A_431 masked %reduce_sum3A_433 : vector<16xf32>, vector<16xi1> -> vector<16xf32>
      %reduce_sum3A_435 = vector.extract %reduce_sum3A_434[15] : f32 from vector<16xf32>
      %broadcast_in_dim3A_436 = vector.broadcast %reduce_sum3A_435 : f32 to vector<16xf32>
      %div3A_437 = arith.constant 1.000000e+00 : f32
      %div3A_438 = vector.broadcast %div3A_437 : f32 to vector<16xf32>
      %div3A_439 = arith.divf %div3A_438, %broadcast_in_dim3A_436 : vector<16xf32>
      %mul3A_440 = arith.mulf %exp3A_425, %div3A_439 : vector<16xf32>
      %add3A_441 = arith.addf %add3A_364, %mul3A_440 : vector<16xf32>
      %mul3A_442 = arith.mulf %exp3A_426, %div3A_439 : vector<16xf32>
      %add3A_443 = arith.addf %add3A_366, %mul3A_442 : vector<16xf32>
      %mul3A_444 = arith.mulf %exp3A_427, %div3A_439 : vector<16xf32>
      %add3A_445 = arith.addf %add3A_368, %mul3A_444 : vector<16xf32>
      %mul3A_446 = arith.mulf %exp3A_428, %div3A_439 : vector<16xf32>
      %add3A_447 = arith.addf %add3A_370, %mul3A_446 : vector<16xf32>
      %eq3A_448 = arith.cmpf oeq, %get3A_404, %broadcast_in_dim3A_424 : vector<16xf32>
      %jit3A_449 = arith.constant 1.000000e+00 : f32
      %jit3A_450 = arith.constant 0.000000e+00 : f32
      %broadcast_in_dim3A_451 = vector.broadcast %jit3A_449 : f32 to vector<16xf32>
      %broadcast_in_dim3A_452 = vector.broadcast %jit3A_450 : f32 to vector<16xf32>
      %select_n3A_453 = arith.select %eq3A_448, %broadcast_in_dim3A_451, %broadcast_in_dim3A_452 : vector<16xi1>, vector<16xf32>
      %add3A_454 = arith.addf %add3A_377, %select_n3A_453 : vector<16xf32>
      %eq3A_455 = arith.cmpf oeq, %get3A_408, %broadcast_in_dim3A_424 : vector<16xf32>
      %jit3A_456 = arith.constant 1.000000e+00 : f32
      %jit3A_457 = arith.constant 0.000000e+00 : f32
      %broadcast_in_dim3A_458 = vector.broadcast %jit3A_456 : f32 to vector<16xf32>
      %broadcast_in_dim3A_459 = vector.broadcast %jit3A_457 : f32 to vector<16xf32>
      %select_n3A_460 = arith.select %eq3A_455, %broadcast_in_dim3A_458, %broadcast_in_dim3A_459 : vector<16xi1>, vector<16xf32>
      %add3A_461 = arith.addf %add3A_384, %select_n3A_460 : vector<16xf32>
      %eq3A_462 = arith.cmpf oeq, %get3A_412, %broadcast_in_dim3A_424 : vector<16xf32>
      %jit3A_463 = arith.constant 1.000000e+00 : f32
      %jit3A_464 = arith.constant 0.000000e+00 : f32
      %broadcast_in_dim3A_465 = vector.broadcast %jit3A_463 : f32 to vector<16xf32>
      %broadcast_in_dim3A_466 = vector.broadcast %jit3A_464 : f32 to vector<16xf32>
      %select_n3A_467 = arith.select %eq3A_462, %broadcast_in_dim3A_465, %broadcast_in_dim3A_466 : vector<16xi1>, vector<16xf32>
      %add3A_468 = arith.addf %add3A_391, %select_n3A_467 : vector<16xf32>
      %eq3A_469 = arith.cmpf oeq, %get3A_416, %broadcast_in_dim3A_424 : vector<16xf32>
      %jit3A_470 = arith.constant 1.000000e+00 : f32
      %jit3A_471 = arith.constant 0.000000e+00 : f32
      %broadcast_in_dim3A_472 = vector.broadcast %jit3A_470 : f32 to vector<16xf32>
      %broadcast_in_dim3A_473 = vector.broadcast %jit3A_471 : f32 to vector<16xf32>
      %select_n3A_474 = arith.select %eq3A_469, %broadcast_in_dim3A_472, %broadcast_in_dim3A_473 : vector<16xi1>, vector<16xf32>
      %add3A_475 = arith.addf %add3A_398, %select_n3A_474 : vector<16xf32>
      scf.yield %add3A_441, %add3A_443, %add3A_445, %add3A_447, %add3A_454, %add3A_461, %add3A_468, %add3A_475 : vector<16xf32>, vector<16xf32>, vector<16xf32>, vector<16xf32>, vector<16xf32>, vector<16xf32>, vector<16xf32>, vector<16xf32>
    }
    %scan3A_83 = arith.constant 256 : i32
    %add3A_84 = arith.constant 768 : i32
    %add3A_85 = arith.addi %mul3A_2, %add3A_84 : i32
    %dma_start3A_86 = arith.constant 1 : i32
    %dma_start3A_87 = arith.constant 0 : i32
    %dma_start3A_88 = arith.constant 0 : i32
    %dma_start3A_89 = tpu.memref_slice %arg5[%dma_start3A_86, %dma_start3A_87, %dma_start3A_88] : memref<2x256x64xf32, #tpu.memory_space<vmem>> -> memref<1x256x64xf32, #tpu.memory_space<vmem>>
    %dma_start3A_90 = tpu.memref_squeeze %dma_start3A_89 : memref<1x256x64xf32, #tpu.memory_space<vmem>> -> memref<256x64xf32, #tpu.memory_space<vmem>>
    %dma_start3A_91 = arith.constant 0 : i32
    %dma_start3A_92 = tpu.memref_slice %arg2[%add3A_85, %dma_start3A_91] : memref<32768x64xf32, #tpu.memory_space<hbm>> -> memref<256x64xf32, #tpu.memory_space<hbm>>
    %dma_start3A_93 = arith.constant 0 : i32
    %dma_start3A_94 = arith.constant 0 : i32
    %dma_start3A_95 = tpu.memref_slice %arg5[%dma_start3A_86, %dma_start3A_93, %dma_start3A_94] : memref<2x256x64xf32, #tpu.memory_space<vmem>> -> memref<1x256x64xf32, #tpu.memory_space<vmem>>
    %dma_start3A_96 = tpu.memref_squeeze %dma_start3A_95 : memref<1x256x64xf32, #tpu.memory_space<vmem>> -> memref<256x64xf32, #tpu.memory_space<vmem>>
    %dma_start3A_97 = arith.constant 0 : i32
    %dma_start3A_98 = tpu.memref_slice %arg2[%add3A_85, %dma_start3A_97] : memref<32768x64xf32, #tpu.memory_space<hbm>> -> memref<256x64xf32, #tpu.memory_space<hbm>>
    tpu.enqueue_dma source(%dma_start3A_98 : memref<256x64xf32, #tpu.memory_space<hbm>>) target(%dma_start3A_96 : memref<256x64xf32, #tpu.memory_space<vmem>>) target_semaphore(%arg9 : memref<!tpu.dma_semaphore, #tpu.memory_space<semaphore_mem>>)
    %dma_wait3A_99 = arith.constant 0 : i32
    %dma_wait3A_100 = arith.constant 0 : i32
    %dma_wait3A_101 = arith.constant 0 : i32
    %dma_wait3A_102 = tpu.memref_slice %arg5[%dma_wait3A_99, %dma_wait3A_100, %dma_wait3A_101] : memref<2x256x64xf32, #tpu.memory_space<vmem>> -> memref<1x256x64xf32, #tpu.memory_space<vmem>>
    %dma_wait3A_103 = tpu.memref_squeeze %dma_wait3A_102 : memref<1x256x64xf32, #tpu.memory_space<vmem>> -> memref<256x64xf32, #tpu.memory_space<vmem>>
    %dma_wait3A_104 = arith.constant 0 : i32
    %dma_wait3A_105 = tpu.memref_slice %arg2[%add3A_50, %dma_wait3A_104] : memref<32768x64xf32, #tpu.memory_space<hbm>> -> memref<256x64xf32, #tpu.memory_space<hbm>>
    %dma_wait3A_106 = arith.constant 0 : i32
    %dma_wait3A_107 = arith.constant 0 : i32
    %dma_wait3A_108 = tpu.memref_slice %arg5[%dma_wait3A_99, %dma_wait3A_106, %dma_wait3A_107] : memref<2x256x64xf32, #tpu.memory_space<vmem>> -> memref<1x256x64xf32, #tpu.memory_space<vmem>>
    %dma_wait3A_109 = tpu.memref_squeeze %dma_wait3A_108 : memref<1x256x64xf32, #tpu.memory_space<vmem>> -> memref<256x64xf32, #tpu.memory_space<vmem>>
    %dma_wait3A_110 = arith.constant 0 : i32
    %dma_wait3A_111 = tpu.memref_slice %arg2[%add3A_50, %dma_wait3A_110] : memref<32768x64xf32, #tpu.memory_space<hbm>> -> memref<256x64xf32, #tpu.memory_space<hbm>>
    tpu.wait_dma2 semaphore(%arg8 : memref<!tpu.dma_semaphore, #tpu.memory_space<semaphore_mem>>) src(%dma_wait3A_111 : memref<256x64xf32, #tpu.memory_space<hbm>>) dst(%dma_wait3A_109 : memref<256x64xf32, #tpu.memory_space<vmem>>)
    %scan3A_112 = arith.constant 0 : i32
    %scan3A_113 = arith.constant 0 : i32
    %scan3A_114 = arith.constant 256 : i32
    %scan3A_115 = arith.addi %scan3A_113, %scan3A_114 : i32
    %scan3A_116 = arith.constant 4 : i32
    %scan3A_117:8 = scf.for %scan3A_170 = %scan3A_113 to %scan3A_115 step %scan3A_116 iter_args(%scan3A_171 = %scan3A_82#0, %scan3A_172 = %scan3A_82#1, %scan3A_173 = %scan3A_82#2, %scan3A_174 = %scan3A_82#3, %scan3A_175 = %scan3A_82#4, %scan3A_176 = %scan3A_82#5, %scan3A_177 = %scan3A_82#6, %scan3A_178 = %scan3A_82#7) -> (vector<16xf32>, vector<16xf32>, vector<16xf32>, vector<16xf32>, vector<16xf32>, vector<16xf32>, vector<16xf32>, vector<16xf32>)  : i32 {
      %get3A = arith.index_cast %scan3A_112 : i32 to index
      %get3A_179 = arith.index_cast %scan3A_170 : i32 to index
      %get3A_180 = arith.constant 0 : index
      %get3A_181 = tpu.vector_load %arg5[%get3A, %get3A_179, %get3A_180] {strides = array<i32>} : memref<2x256x64xf32, #tpu.memory_space<vmem>>, vector<16xf32>,
      %get3A_182 = arith.index_cast %scan3A_112 : i32 to index
      %get3A_183 = arith.index_cast %scan3A_170 : i32 to index
      %get3A_184 = arith.constant 16 : index
      %get3A_185 = tpu.vector_load %arg5[%get3A_182, %get3A_183, %get3A_184] {strides = array<i32>} : memref<2x256x64xf32, #tpu.memory_space<vmem>>, vector<16xf32>,
      %get3A_186 = arith.index_cast %scan3A_112 : i32 to index
      %get3A_187 = arith.index_cast %scan3A_170 : i32 to index
      %get3A_188 = arith.constant 32 : index
      %get3A_189 = tpu.vector_load %arg5[%get3A_186, %get3A_187, %get3A_188] {strides = array<i32>} : memref<2x256x64xf32, #tpu.memory_space<vmem>>, vector<16xf32>,
      %get3A_190 = arith.index_cast %scan3A_112 : i32 to index
      %get3A_191 = arith.index_cast %scan3A_170 : i32 to index
      %get3A_192 = arith.constant 48 : index
      %get3A_193 = tpu.vector_load %arg5[%get3A_190, %get3A_191, %get3A_192] {strides = array<i32>} : memref<2x256x64xf32, #tpu.memory_space<vmem>>, vector<16xf32>,
      %max3A = arith.maximumf %get3A_181, %get3A_185 : vector<16xf32>
      %max3A_194 = arith.maximumf %get3A_189, %get3A_193 : vector<16xf32>
      %max3A_195 = arith.maximumf %max3A, %max3A_194 : vector<16xf32>
      %reduce_max3A = arith.constant true
      %reduce_max3A_196 = vector.broadcast %reduce_max3A : i1 to vector<16xi1>
      %reduce_max3A_197 = tpu.scan <max>, %max3A_195 masked %reduce_max3A_196 : vector<16xf32>, vector<16xi1> -> vector<16xf32>
      %reduce_max3A_198 = vector.extract %reduce_max3A_197[15] : f32 from vector<16xf32>
      %broadcast_in_dim3A_199 = vector.broadcast %reduce_max3A_198 : f32 to vector<16xf32>
      %exp3A = math.exp %get3A_181 : vector<16xf32>
      %exp3A_200 = math.exp %get3A_185 : vector<16xf32>
      %exp3A_201 = math.exp %get3A_189 : vector<16xf32>
      %exp3A_202 = math.exp %get3A_193 : vector<16xf32>
      %add3A_203 = arith.addf %exp3A, %exp3A_200 : vector<16xf32>
      %add3A_204 = arith.addf %exp3A_201, %exp3A_202 : vector<16xf32>
      %add3A_205 = arith.addf %add3A_203, %add3A_204 : vector<16xf32>
      %reduce_sum3A = arith.constant true
      %reduce_sum3A_206 = vector.broadcast %reduce_sum3A : i1 to vector<16xi1>
      %reduce_sum3A_207 = tpu.scan <sum>, %add3A_205 masked %reduce_sum3A_206 : vector<16xf32>, vector<16xi1> -> vector<16xf32>
      %reduce_sum3A_208 = vector.extract %reduce_sum3A_207[15] : f32 from vector<16xf32>
      %broadcast_in_dim3A_209 = vector.broadcast %reduce_sum3A_208 : f32 to vector<16xf32>
      %div3A = arith.constant 1.000000e+00 : f32
      %div3A_210 = vector.broadcast %div3A : f32 to vector<16xf32>
      %div3A_211 = arith.divf %div3A_210, %broadcast_in_dim3A_209 : vector<16xf32>
      %mul3A_212 = arith.mulf %exp3A, %div3A_211 : vector<16xf32>
      %add3A_213 = arith.addf %scan3A_171, %mul3A_212 : vector<16xf32>
      %mul3A_214 = arith.mulf %exp3A_200, %div3A_211 : vector<16xf32>
      %add3A_215 = arith.addf %scan3A_172, %mul3A_214 : vector<16xf32>
      %mul3A_216 = arith.mulf %exp3A_201, %div3A_211 : vector<16xf32>
      %add3A_217 = arith.addf %scan3A_173, %mul3A_216 : vector<16xf32>
      %mul3A_218 = arith.mulf %exp3A_202, %div3A_211 : vector<16xf32>
      %add3A_219 = arith.addf %scan3A_174, %mul3A_218 : vector<16xf32>
      %eq3A = arith.cmpf oeq, %get3A_181, %broadcast_in_dim3A_199 : vector<16xf32>
      %jit3A = arith.constant 1.000000e+00 : f32
      %jit3A_220 = arith.constant 0.000000e+00 : f32
      %broadcast_in_dim3A_221 = vector.broadcast %jit3A : f32 to vector<16xf32>
      %broadcast_in_dim3A_222 = vector.broadcast %jit3A_220 : f32 to vector<16xf32>
      %select_n3A = arith.select %eq3A, %broadcast_in_dim3A_221, %broadcast_in_dim3A_222 : vector<16xi1>, vector<16xf32>
      %add3A_223 = arith.addf %scan3A_175, %select_n3A : vector<16xf32>
      %eq3A_224 = arith.cmpf oeq, %get3A_185, %broadcast_in_dim3A_199 : vector<16xf32>
      %jit3A_225 = arith.constant 1.000000e+00 : f32
      %jit3A_226 = arith.constant 0.000000e+00 : f32
      %broadcast_in_dim3A_227 = vector.broadcast %jit3A_225 : f32 to vector<16xf32>
      %broadcast_in_dim3A_228 = vector.broadcast %jit3A_226 : f32 to vector<16xf32>
      %select_n3A_229 = arith.select %eq3A_224, %broadcast_in_dim3A_227, %broadcast_in_dim3A_228 : vector<16xi1>, vector<16xf32>
      %add3A_230 = arith.addf %scan3A_176, %select_n3A_229 : vector<16xf32>
      %eq3A_231 = arith.cmpf oeq, %get3A_189, %broadcast_in_dim3A_199 : vector<16xf32>
      %jit3A_232 = arith.constant 1.000000e+00 : f32
      %jit3A_233 = arith.constant 0.000000e+00 : f32
      %broadcast_in_dim3A_234 = vector.broadcast %jit3A_232 : f32 to vector<16xf32>
      %broadcast_in_dim3A_235 = vector.broadcast %jit3A_233 : f32 to vector<16xf32>
      %select_n3A_236 = arith.select %eq3A_231, %broadcast_in_dim3A_234, %broadcast_in_dim3A_235 : vector<16xi1>, vector<16xf32>
      %add3A_237 = arith.addf %scan3A_177, %select_n3A_236 : vector<16xf32>
      %eq3A_238 = arith.cmpf oeq, %get3A_193, %broadcast_in_dim3A_199 : vector<16xf32>
      %jit3A_239 = arith.constant 1.000000e+00 : f32
      %jit3A_240 = arith.constant 0.000000e+00 : f32
      %broadcast_in_dim3A_241 = vector.broadcast %jit3A_239 : f32 to vector<16xf32>
      %broadcast_in_dim3A_242 = vector.broadcast %jit3A_240 : f32 to vector<16xf32>
      %select_n3A_243 = arith.select %eq3A_238, %broadcast_in_dim3A_241, %broadcast_in_dim3A_242 : vector<16xi1>, vector<16xf32>
      %add3A_244 = arith.addf %scan3A_178, %select_n3A_243 : vector<16xf32>
      %scan3A_245 = arith.constant 1 : i32
      %scan3A_246 = arith.addi %scan3A_170, %scan3A_245 : i32
      %get3A_247 = arith.index_cast %scan3A_112 : i32 to index
      %get3A_248 = arith.index_cast %scan3A_246 : i32 to index
      %get3A_249 = arith.constant 0 : index
      %get3A_250 = tpu.vector_load %arg5[%get3A_247, %get3A_248, %get3A_249] {strides = array<i32>} : memref<2x256x64xf32, #tpu.memory_space<vmem>>, vector<16xf32>,
      %get3A_251 = arith.index_cast %scan3A_112 : i32 to index
      %get3A_252 = arith.index_cast %scan3A_246 : i32 to index
      %get3A_253 = arith.constant 16 : index
      %get3A_254 = tpu.vector_load %arg5[%get3A_251, %get3A_252, %get3A_253] {strides = array<i32>} : memref<2x256x64xf32, #tpu.memory_space<vmem>>, vector<16xf32>,
      %get3A_255 = arith.index_cast %scan3A_112 : i32 to index
      %get3A_256 = arith.index_cast %scan3A_246 : i32 to index
      %get3A_257 = arith.constant 32 : index
      %get3A_258 = tpu.vector_load %arg5[%get3A_255, %get3A_256, %get3A_257] {strides = array<i32>} : memref<2x256x64xf32, #tpu.memory_space<vmem>>, vector<16xf32>,
      %get3A_259 = arith.index_cast %scan3A_112 : i32 to index
      %get3A_260 = arith.index_cast %scan3A_246 : i32 to index
      %get3A_261 = arith.constant 48 : index
      %get3A_262 = tpu.vector_load %arg5[%get3A_259, %get3A_260, %get3A_261] {strides = array<i32>} : memref<2x256x64xf32, #tpu.memory_space<vmem>>, vector<16xf32>,
      %max3A_263 = arith.maximumf %get3A_250, %get3A_254 : vector<16xf32>
      %max3A_264 = arith.maximumf %get3A_258, %get3A_262 : vector<16xf32>
      %max3A_265 = arith.maximumf %max3A_263, %max3A_264 : vector<16xf32>
      %reduce_max3A_266 = arith.constant true
      %reduce_max3A_267 = vector.broadcast %reduce_max3A_266 : i1 to vector<16xi1>
      %reduce_max3A_268 = tpu.scan <max>, %max3A_265 masked %reduce_max3A_267 : vector<16xf32>, vector<16xi1> -> vector<16xf32>
      %reduce_max3A_269 = vector.extract %reduce_max3A_268[15] : f32 from vector<16xf32>
      %broadcast_in_dim3A_270 = vector.broadcast %reduce_max3A_269 : f32 to vector<16xf32>
      %exp3A_271 = math.exp %get3A_250 : vector<16xf32>
      %exp3A_272 = math.exp %get3A_254 : vector<16xf32>
      %exp3A_273 = math.exp %get3A_258 : vector<16xf32>
      %exp3A_274 = math.exp %get3A_262 : vector<16xf32>
      %add3A_275 = arith.addf %exp3A_271, %exp3A_272 : vector<16xf32>
      %add3A_276 = arith.addf %exp3A_273, %exp3A_274 : vector<16xf32>
      %add3A_277 = arith.addf %add3A_275, %add3A_276 : vector<16xf32>
      %reduce_sum3A_278 = arith.constant true
      %reduce_sum3A_279 = vector.broadcast %reduce_sum3A_278 : i1 to vector<16xi1>
      %reduce_sum3A_280 = tpu.scan <sum>, %add3A_277 masked %reduce_sum3A_279 : vector<16xf32>, vector<16xi1> -> vector<16xf32>
      %reduce_sum3A_281 = vector.extract %reduce_sum3A_280[15] : f32 from vector<16xf32>
      %broadcast_in_dim3A_282 = vector.broadcast %reduce_sum3A_281 : f32 to vector<16xf32>
      %div3A_283 = arith.constant 1.000000e+00 : f32
      %div3A_284 = vector.broadcast %div3A_283 : f32 to vector<16xf32>
      %div3A_285 = arith.divf %div3A_284, %broadcast_in_dim3A_282 : vector<16xf32>
      %mul3A_286 = arith.mulf %exp3A_271, %div3A_285 : vector<16xf32>
      %add3A_287 = arith.addf %add3A_213, %mul3A_286 : vector<16xf32>
      %mul3A_288 = arith.mulf %exp3A_272, %div3A_285 : vector<16xf32>
      %add3A_289 = arith.addf %add3A_215, %mul3A_288 : vector<16xf32>
      %mul3A_290 = arith.mulf %exp3A_273, %div3A_285 : vector<16xf32>
      %add3A_291 = arith.addf %add3A_217, %mul3A_290 : vector<16xf32>
      %mul3A_292 = arith.mulf %exp3A_274, %div3A_285 : vector<16xf32>
      %add3A_293 = arith.addf %add3A_219, %mul3A_292 : vector<16xf32>
      %eq3A_294 = arith.cmpf oeq, %get3A_250, %broadcast_in_dim3A_270 : vector<16xf32>
      %jit3A_295 = arith.constant 1.000000e+00 : f32
      %jit3A_296 = arith.constant 0.000000e+00 : f32
      %broadcast_in_dim3A_297 = vector.broadcast %jit3A_295 : f32 to vector<16xf32>
      %broadcast_in_dim3A_298 = vector.broadcast %jit3A_296 : f32 to vector<16xf32>
      %select_n3A_299 = arith.select %eq3A_294, %broadcast_in_dim3A_297, %broadcast_in_dim3A_298 : vector<16xi1>, vector<16xf32>
      %add3A_300 = arith.addf %add3A_223, %select_n3A_299 : vector<16xf32>
      %eq3A_301 = arith.cmpf oeq, %get3A_254, %broadcast_in_dim3A_270 : vector<16xf32>
      %jit3A_302 = arith.constant 1.000000e+00 : f32
      %jit3A_303 = arith.constant 0.000000e+00 : f32
      %broadcast_in_dim3A_304 = vector.broadcast %jit3A_302 : f32 to vector<16xf32>
      %broadcast_in_dim3A_305 = vector.broadcast %jit3A_303 : f32 to vector<16xf32>
      %select_n3A_306 = arith.select %eq3A_301, %broadcast_in_dim3A_304, %broadcast_in_dim3A_305 : vector<16xi1>, vector<16xf32>
      %add3A_307 = arith.addf %add3A_230, %select_n3A_306 : vector<16xf32>
      %eq3A_308 = arith.cmpf oeq, %get3A_258, %broadcast_in_dim3A_270 : vector<16xf32>
      %jit3A_309 = arith.constant 1.000000e+00 : f32
      %jit3A_310 = arith.constant 0.000000e+00 : f32
      %broadcast_in_dim3A_311 = vector.broadcast %jit3A_309 : f32 to vector<16xf32>
      %broadcast_in_dim3A_312 = vector.broadcast %jit3A_310 : f32 to vector<16xf32>
      %select_n3A_313 = arith.select %eq3A_308, %broadcast_in_dim3A_311, %broadcast_in_dim3A_312 : vector<16xi1>, vector<16xf32>
      %add3A_314 = arith.addf %add3A_237, %select_n3A_313 : vector<16xf32>
      %eq3A_315 = arith.cmpf oeq, %get3A_262, %broadcast_in_dim3A_270 : vector<16xf32>
      %jit3A_316 = arith.constant 1.000000e+00 : f32
      %jit3A_317 = arith.constant 0.000000e+00 : f32
      %broadcast_in_dim3A_318 = vector.broadcast %jit3A_316 : f32 to vector<16xf32>
      %broadcast_in_dim3A_319 = vector.broadcast %jit3A_317 : f32 to vector<16xf32>
      %select_n3A_320 = arith.select %eq3A_315, %broadcast_in_dim3A_318, %broadcast_in_dim3A_319 : vector<16xi1>, vector<16xf32>
      %add3A_321 = arith.addf %add3A_244, %select_n3A_320 : vector<16xf32>
      %scan3A_322 = arith.constant 2 : i32
      %scan3A_323 = arith.addi %scan3A_170, %scan3A_322 : i32
      %get3A_324 = arith.index_cast %scan3A_112 : i32 to index
      %get3A_325 = arith.index_cast %scan3A_323 : i32 to index
      %get3A_326 = arith.constant 0 : index
      %get3A_327 = tpu.vector_load %arg5[%get3A_324, %get3A_325, %get3A_326] {strides = array<i32>} : memref<2x256x64xf32, #tpu.memory_space<vmem>>, vector<16xf32>,
      %get3A_328 = arith.index_cast %scan3A_112 : i32 to index
      %get3A_329 = arith.index_cast %scan3A_323 : i32 to index
      %get3A_330 = arith.constant 16 : index
      %get3A_331 = tpu.vector_load %arg5[%get3A_328, %get3A_329, %get3A_330] {strides = array<i32>} : memref<2x256x64xf32, #tpu.memory_space<vmem>>, vector<16xf32>,
      %get3A_332 = arith.index_cast %scan3A_112 : i32 to index
      %get3A_333 = arith.index_cast %scan3A_323 : i32 to index
      %get3A_334 = arith.constant 32 : index
      %get3A_335 = tpu.vector_load %arg5[%get3A_332, %get3A_333, %get3A_334] {strides = array<i32>} : memref<2x256x64xf32, #tpu.memory_space<vmem>>, vector<16xf32>,
      %get3A_336 = arith.index_cast %scan3A_112 : i32 to index
      %get3A_337 = arith.index_cast %scan3A_323 : i32 to index
      %get3A_338 = arith.constant 48 : index
      %get3A_339 = tpu.vector_load %arg5[%get3A_336, %get3A_337, %get3A_338] {strides = array<i32>} : memref<2x256x64xf32, #tpu.memory_space<vmem>>, vector<16xf32>,
      %max3A_340 = arith.maximumf %get3A_327, %get3A_331 : vector<16xf32>
      %max3A_341 = arith.maximumf %get3A_335, %get3A_339 : vector<16xf32>
      %max3A_342 = arith.maximumf %max3A_340, %max3A_341 : vector<16xf32>
      %reduce_max3A_343 = arith.constant true
      %reduce_max3A_344 = vector.broadcast %reduce_max3A_343 : i1 to vector<16xi1>
      %reduce_max3A_345 = tpu.scan <max>, %max3A_342 masked %reduce_max3A_344 : vector<16xf32>, vector<16xi1> -> vector<16xf32>
      %reduce_max3A_346 = vector.extract %reduce_max3A_345[15] : f32 from vector<16xf32>
      %broadcast_in_dim3A_347 = vector.broadcast %reduce_max3A_346 : f32 to vector<16xf32>
      %exp3A_348 = math.exp %get3A_327 : vector<16xf32>
      %exp3A_349 = math.exp %get3A_331 : vector<16xf32>
      %exp3A_350 = math.exp %get3A_335 : vector<16xf32>
      %exp3A_351 = math.exp %get3A_339 : vector<16xf32>
      %add3A_352 = arith.addf %exp3A_348, %exp3A_349 : vector<16xf32>
      %add3A_353 = arith.addf %exp3A_350, %exp3A_351 : vector<16xf32>
      %add3A_354 = arith.addf %add3A_352, %add3A_353 : vector<16xf32>
      %reduce_sum3A_355 = arith.constant true
      %reduce_sum3A_356 = vector.broadcast %reduce_sum3A_355 : i1 to vector<16xi1>
      %reduce_sum3A_357 = tpu.scan <sum>, %add3A_354 masked %reduce_sum3A_356 : vector<16xf32>, vector<16xi1> -> vector<16xf32>
      %reduce_sum3A_358 = vector.extract %reduce_sum3A_357[15] : f32 from vector<16xf32>
      %broadcast_in_dim3A_359 = vector.broadcast %reduce_sum3A_358 : f32 to vector<16xf32>
      %div3A_360 = arith.constant 1.000000e+00 : f32
      %div3A_361 = vector.broadcast %div3A_360 : f32 to vector<16xf32>
      %div3A_362 = arith.divf %div3A_361, %broadcast_in_dim3A_359 : vector<16xf32>
      %mul3A_363 = arith.mulf %exp3A_348, %div3A_362 : vector<16xf32>
      %add3A_364 = arith.addf %add3A_287, %mul3A_363 : vector<16xf32>
      %mul3A_365 = arith.mulf %exp3A_349, %div3A_362 : vector<16xf32>
      %add3A_366 = arith.addf %add3A_289, %mul3A_365 : vector<16xf32>
      %mul3A_367 = arith.mulf %exp3A_350, %div3A_362 : vector<16xf32>
      %add3A_368 = arith.addf %add3A_291, %mul3A_367 : vector<16xf32>
      %mul3A_369 = arith.mulf %exp3A_351, %div3A_362 : vector<16xf32>
      %add3A_370 = arith.addf %add3A_293, %mul3A_369 : vector<16xf32>
      %eq3A_371 = arith.cmpf oeq, %get3A_327, %broadcast_in_dim3A_347 : vector<16xf32>
      %jit3A_372 = arith.constant 1.000000e+00 : f32
      %jit3A_373 = arith.constant 0.000000e+00 : f32
      %broadcast_in_dim3A_374 = vector.broadcast %jit3A_372 : f32 to vector<16xf32>
      %broadcast_in_dim3A_375 = vector.broadcast %jit3A_373 : f32 to vector<16xf32>
      %select_n3A_376 = arith.select %eq3A_371, %broadcast_in_dim3A_374, %broadcast_in_dim3A_375 : vector<16xi1>, vector<16xf32>
      %add3A_377 = arith.addf %add3A_300, %select_n3A_376 : vector<16xf32>
      %eq3A_378 = arith.cmpf oeq, %get3A_331, %broadcast_in_dim3A_347 : vector<16xf32>
      %jit3A_379 = arith.constant 1.000000e+00 : f32
      %jit3A_380 = arith.constant 0.000000e+00 : f32
      %broadcast_in_dim3A_381 = vector.broadcast %jit3A_379 : f32 to vector<16xf32>
      %broadcast_in_dim3A_382 = vector.broadcast %jit3A_380 : f32 to vector<16xf32>
      %select_n3A_383 = arith.select %eq3A_378, %broadcast_in_dim3A_381, %broadcast_in_dim3A_382 : vector<16xi1>, vector<16xf32>
      %add3A_384 = arith.addf %add3A_307, %select_n3A_383 : vector<16xf32>
      %eq3A_385 = arith.cmpf oeq, %get3A_335, %broadcast_in_dim3A_347 : vector<16xf32>
      %jit3A_386 = arith.constant 1.000000e+00 : f32
      %jit3A_387 = arith.constant 0.000000e+00 : f32
      %broadcast_in_dim3A_388 = vector.broadcast %jit3A_386 : f32 to vector<16xf32>
      %broadcast_in_dim3A_389 = vector.broadcast %jit3A_387 : f32 to vector<16xf32>
      %select_n3A_390 = arith.select %eq3A_385, %broadcast_in_dim3A_388, %broadcast_in_dim3A_389 : vector<16xi1>, vector<16xf32>
      %add3A_391 = arith.addf %add3A_314, %select_n3A_390 : vector<16xf32>
      %eq3A_392 = arith.cmpf oeq, %get3A_339, %broadcast_in_dim3A_347 : vector<16xf32>
      %jit3A_393 = arith.constant 1.000000e+00 : f32
      %jit3A_394 = arith.constant 0.000000e+00 : f32
      %broadcast_in_dim3A_395 = vector.broadcast %jit3A_393 : f32 to vector<16xf32>
      %broadcast_in_dim3A_396 = vector.broadcast %jit3A_394 : f32 to vector<16xf32>
      %select_n3A_397 = arith.select %eq3A_392, %broadcast_in_dim3A_395, %broadcast_in_dim3A_396 : vector<16xi1>, vector<16xf32>
      %add3A_398 = arith.addf %add3A_321, %select_n3A_397 : vector<16xf32>
      %scan3A_399 = arith.constant 3 : i32
      %scan3A_400 = arith.addi %scan3A_170, %scan3A_399 : i32
      %get3A_401 = arith.index_cast %scan3A_112 : i32 to index
      %get3A_402 = arith.index_cast %scan3A_400 : i32 to index
      %get3A_403 = arith.constant 0 : index
      %get3A_404 = tpu.vector_load %arg5[%get3A_401, %get3A_402, %get3A_403] {strides = array<i32>} : memref<2x256x64xf32, #tpu.memory_space<vmem>>, vector<16xf32>,
      %get3A_405 = arith.index_cast %scan3A_112 : i32 to index
      %get3A_406 = arith.index_cast %scan3A_400 : i32 to index
      %get3A_407 = arith.constant 16 : index
      %get3A_408 = tpu.vector_load %arg5[%get3A_405, %get3A_406, %get3A_407] {strides = array<i32>} : memref<2x256x64xf32, #tpu.memory_space<vmem>>, vector<16xf32>,
      %get3A_409 = arith.index_cast %scan3A_112 : i32 to index
      %get3A_410 = arith.index_cast %scan3A_400 : i32 to index
      %get3A_411 = arith.constant 32 : index
      %get3A_412 = tpu.vector_load %arg5[%get3A_409, %get3A_410, %get3A_411] {strides = array<i32>} : memref<2x256x64xf32, #tpu.memory_space<vmem>>, vector<16xf32>,
      %get3A_413 = arith.index_cast %scan3A_112 : i32 to index
      %get3A_414 = arith.index_cast %scan3A_400 : i32 to index
      %get3A_415 = arith.constant 48 : index
      %get3A_416 = tpu.vector_load %arg5[%get3A_413, %get3A_414, %get3A_415] {strides = array<i32>} : memref<2x256x64xf32, #tpu.memory_space<vmem>>, vector<16xf32>,
      %max3A_417 = arith.maximumf %get3A_404, %get3A_408 : vector<16xf32>
      %max3A_418 = arith.maximumf %get3A_412, %get3A_416 : vector<16xf32>
      %max3A_419 = arith.maximumf %max3A_417, %max3A_418 : vector<16xf32>
      %reduce_max3A_420 = arith.constant true
      %reduce_max3A_421 = vector.broadcast %reduce_max3A_420 : i1 to vector<16xi1>
      %reduce_max3A_422 = tpu.scan <max>, %max3A_419 masked %reduce_max3A_421 : vector<16xf32>, vector<16xi1> -> vector<16xf32>
      %reduce_max3A_423 = vector.extract %reduce_max3A_422[15] : f32 from vector<16xf32>
      %broadcast_in_dim3A_424 = vector.broadcast %reduce_max3A_423 : f32 to vector<16xf32>
      %exp3A_425 = math.exp %get3A_404 : vector<16xf32>
      %exp3A_426 = math.exp %get3A_408 : vector<16xf32>
      %exp3A_427 = math.exp %get3A_412 : vector<16xf32>
      %exp3A_428 = math.exp %get3A_416 : vector<16xf32>
      %add3A_429 = arith.addf %exp3A_425, %exp3A_426 : vector<16xf32>
      %add3A_430 = arith.addf %exp3A_427, %exp3A_428 : vector<16xf32>
      %add3A_431 = arith.addf %add3A_429, %add3A_430 : vector<16xf32>
      %reduce_sum3A_432 = arith.constant true
      %reduce_sum3A_433 = vector.broadcast %reduce_sum3A_432 : i1 to vector<16xi1>
      %reduce_sum3A_434 = tpu.scan <sum>, %add3A_431 masked %reduce_sum3A_433 : vector<16xf32>, vector<16xi1> -> vector<16xf32>
      %reduce_sum3A_435 = vector.extract %reduce_sum3A_434[15] : f32 from vector<16xf32>
      %broadcast_in_dim3A_436 = vector.broadcast %reduce_sum3A_435 : f32 to vector<16xf32>
      %div3A_437 = arith.constant 1.000000e+00 : f32
      %div3A_438 = vector.broadcast %div3A_437 : f32 to vector<16xf32>
      %div3A_439 = arith.divf %div3A_438, %broadcast_in_dim3A_436 : vector<16xf32>
      %mul3A_440 = arith.mulf %exp3A_425, %div3A_439 : vector<16xf32>
      %add3A_441 = arith.addf %add3A_364, %mul3A_440 : vector<16xf32>
      %mul3A_442 = arith.mulf %exp3A_426, %div3A_439 : vector<16xf32>
      %add3A_443 = arith.addf %add3A_366, %mul3A_442 : vector<16xf32>
      %mul3A_444 = arith.mulf %exp3A_427, %div3A_439 : vector<16xf32>
      %add3A_445 = arith.addf %add3A_368, %mul3A_444 : vector<16xf32>
      %mul3A_446 = arith.mulf %exp3A_428, %div3A_439 : vector<16xf32>
      %add3A_447 = arith.addf %add3A_370, %mul3A_446 : vector<16xf32>
      %eq3A_448 = arith.cmpf oeq, %get3A_404, %broadcast_in_dim3A_424 : vector<16xf32>
      %jit3A_449 = arith.constant 1.000000e+00 : f32
      %jit3A_450 = arith.constant 0.000000e+00 : f32
      %broadcast_in_dim3A_451 = vector.broadcast %jit3A_449 : f32 to vector<16xf32>
      %broadcast_in_dim3A_452 = vector.broadcast %jit3A_450 : f32 to vector<16xf32>
      %select_n3A_453 = arith.select %eq3A_448, %broadcast_in_dim3A_451, %broadcast_in_dim3A_452 : vector<16xi1>, vector<16xf32>
      %add3A_454 = arith.addf %add3A_377, %select_n3A_453 : vector<16xf32>
      %eq3A_455 = arith.cmpf oeq, %get3A_408, %broadcast_in_dim3A_424 : vector<16xf32>
      %jit3A_456 = arith.constant 1.000000e+00 : f32
      %jit3A_457 = arith.constant 0.000000e+00 : f32
      %broadcast_in_dim3A_458 = vector.broadcast %jit3A_456 : f32 to vector<16xf32>
      %broadcast_in_dim3A_459 = vector.broadcast %jit3A_457 : f32 to vector<16xf32>
      %select_n3A_460 = arith.select %eq3A_455, %broadcast_in_dim3A_458, %broadcast_in_dim3A_459 : vector<16xi1>, vector<16xf32>
      %add3A_461 = arith.addf %add3A_384, %select_n3A_460 : vector<16xf32>
      %eq3A_462 = arith.cmpf oeq, %get3A_412, %broadcast_in_dim3A_424 : vector<16xf32>
      %jit3A_463 = arith.constant 1.000000e+00 : f32
      %jit3A_464 = arith.constant 0.000000e+00 : f32
      %broadcast_in_dim3A_465 = vector.broadcast %jit3A_463 : f32 to vector<16xf32>
      %broadcast_in_dim3A_466 = vector.broadcast %jit3A_464 : f32 to vector<16xf32>
      %select_n3A_467 = arith.select %eq3A_462, %broadcast_in_dim3A_465, %broadcast_in_dim3A_466 : vector<16xi1>, vector<16xf32>
      %add3A_468 = arith.addf %add3A_391, %select_n3A_467 : vector<16xf32>
      %eq3A_469 = arith.cmpf oeq, %get3A_416, %broadcast_in_dim3A_424 : vector<16xf32>
      %jit3A_470 = arith.constant 1.000000e+00 : f32
      %jit3A_471 = arith.constant 0.000000e+00 : f32
      %broadcast_in_dim3A_472 = vector.broadcast %jit3A_470 : f32 to vector<16xf32>
      %broadcast_in_dim3A_473 = vector.broadcast %jit3A_471 : f32 to vector<16xf32>
      %select_n3A_474 = arith.select %eq3A_469, %broadcast_in_dim3A_472, %broadcast_in_dim3A_473 : vector<16xi1>, vector<16xf32>
      %add3A_475 = arith.addf %add3A_398, %select_n3A_474 : vector<16xf32>
      scf.yield %add3A_441, %add3A_443, %add3A_445, %add3A_447, %add3A_454, %add3A_461, %add3A_468, %add3A_475 : vector<16xf32>, vector<16xf32>, vector<16xf32>, vector<16xf32>, vector<16xf32>, vector<16xf32>, vector<16xf32>, vector<16xf32>
    }
    %scan3A_118 = arith.constant 256 : i32
    %dma_wait3A_119 = arith.constant 1 : i32
    %dma_wait3A_120 = arith.constant 0 : i32
    %dma_wait3A_121 = arith.constant 0 : i32
    %dma_wait3A_122 = tpu.memref_slice %arg5[%dma_wait3A_119, %dma_wait3A_120, %dma_wait3A_121] : memref<2x256x64xf32, #tpu.memory_space<vmem>> -> memref<1x256x64xf32, #tpu.memory_space<vmem>>
    %dma_wait3A_123 = tpu.memref_squeeze %dma_wait3A_122 : memref<1x256x64xf32, #tpu.memory_space<vmem>> -> memref<256x64xf32, #tpu.memory_space<vmem>>
    %dma_wait3A_124 = arith.constant 0 : i32
    %dma_wait3A_125 = tpu.memref_slice %arg2[%add3A_85, %dma_wait3A_124] : memref<32768x64xf32, #tpu.memory_space<hbm>> -> memref<256x64xf32, #tpu.memory_space<hbm>>
    %dma_wait3A_126 = arith.constant 0 : i32
    %dma_wait3A_127 = arith.constant 0 : i32
    %dma_wait3A_128 = tpu.memref_slice %arg5[%dma_wait3A_119, %dma_wait3A_126, %dma_wait3A_127] : memref<2x256x64xf32, #tpu.memory_space<vmem>> -> memref<1x256x64xf32, #tpu.memory_space<vmem>>
    %dma_wait3A_129 = tpu.memref_squeeze %dma_wait3A_128 : memref<1x256x64xf32, #tpu.memory_space<vmem>> -> memref<256x64xf32, #tpu.memory_space<vmem>>
    %dma_wait3A_130 = arith.constant 0 : i32
    %dma_wait3A_131 = tpu.memref_slice %arg2[%add3A_85, %dma_wait3A_130] : memref<32768x64xf32, #tpu.memory_space<hbm>> -> memref<256x64xf32, #tpu.memory_space<hbm>>
    tpu.wait_dma2 semaphore(%arg9 : memref<!tpu.dma_semaphore, #tpu.memory_space<semaphore_mem>>) src(%dma_wait3A_131 : memref<256x64xf32, #tpu.memory_space<hbm>>) dst(%dma_wait3A_129 : memref<256x64xf32, #tpu.memory_space<vmem>>)
    %scan3A_132 = arith.constant 1 : i32
    %scan3A_133 = arith.constant 0 : i32
    %scan3A_134 = arith.constant 256 : i32
    %scan3A_135 = arith.addi %scan3A_133, %scan3A_134 : i32
    %scan3A_136 = arith.constant 4 : i32
    %scan3A_137:8 = scf.for %scan3A_170 = %scan3A_133 to %scan3A_135 step %scan3A_136 iter_args(%scan3A_171 = %scan3A_117#0, %scan3A_172 = %scan3A_117#1, %scan3A_173 = %scan3A_117#2, %scan3A_174 = %scan3A_117#3, %scan3A_175 = %scan3A_117#4, %scan3A_176 = %scan3A_117#5, %scan3A_177 = %scan3A_117#6, %scan3A_178 = %scan3A_117#7) -> (vector<16xf32>, vector<16xf32>, vector<16xf32>, vector<16xf32>, vector<16xf32>, vector<16xf32>, vector<16xf32>, vector<16xf32>)  : i32 {
      %get3A = arith.index_cast %scan3A_132 : i32 to index
      %get3A_179 = arith.index_cast %scan3A_170 : i32 to index
      %get3A_180 = arith.constant 0 : index
      %get3A_181 = tpu.vector_load %arg5[%get3A, %get3A_179, %get3A_180] {strides = array<i32>} : memref<2x256x64xf32, #tpu.memory_space<vmem>>, vector<16xf32>,
      %get3A_182 = arith.index_cast %scan3A_132 : i32 to index
      %get3A_183 = arith.index_cast %scan3A_170 : i32 to index
      %get3A_184 = arith.constant 16 : index
      %get3A_185 = tpu.vector_load %arg5[%get3A_182, %get3A_183, %get3A_184] {strides = array<i32>} : memref<2x256x64xf32, #tpu.memory_space<vmem>>, vector<16xf32>,
      %get3A_186 = arith.index_cast %scan3A_132 : i32 to index
      %get3A_187 = arith.index_cast %scan3A_170 : i32 to index
      %get3A_188 = arith.constant 32 : index
      %get3A_189 = tpu.vector_load %arg5[%get3A_186, %get3A_187, %get3A_188] {strides = array<i32>} : memref<2x256x64xf32, #tpu.memory_space<vmem>>, vector<16xf32>,
      %get3A_190 = arith.index_cast %scan3A_132 : i32 to index
      %get3A_191 = arith.index_cast %scan3A_170 : i32 to index
      %get3A_192 = arith.constant 48 : index
      %get3A_193 = tpu.vector_load %arg5[%get3A_190, %get3A_191, %get3A_192] {strides = array<i32>} : memref<2x256x64xf32, #tpu.memory_space<vmem>>, vector<16xf32>,
      %max3A = arith.maximumf %get3A_181, %get3A_185 : vector<16xf32>
      %max3A_194 = arith.maximumf %get3A_189, %get3A_193 : vector<16xf32>
      %max3A_195 = arith.maximumf %max3A, %max3A_194 : vector<16xf32>
      %reduce_max3A = arith.constant true
      %reduce_max3A_196 = vector.broadcast %reduce_max3A : i1 to vector<16xi1>
      %reduce_max3A_197 = tpu.scan <max>, %max3A_195 masked %reduce_max3A_196 : vector<16xf32>, vector<16xi1> -> vector<16xf32>
      %reduce_max3A_198 = vector.extract %reduce_max3A_197[15] : f32 from vector<16xf32>
      %broadcast_in_dim3A_199 = vector.broadcast %reduce_max3A_198 : f32 to vector<16xf32>
      %exp3A = math.exp %get3A_181 : vector<16xf32>
      %exp3A_200 = math.exp %get3A_185 : vector<16xf32>
      %exp3A_201 = math.exp %get3A_189 : vector<16xf32>
      %exp3A_202 = math.exp %get3A_193 : vector<16xf32>
      %add3A_203 = arith.addf %exp3A, %exp3A_200 : vector<16xf32>
      %add3A_204 = arith.addf %exp3A_201, %exp3A_202 : vector<16xf32>
      %add3A_205 = arith.addf %add3A_203, %add3A_204 : vector<16xf32>
      %reduce_sum3A = arith.constant true
      %reduce_sum3A_206 = vector.broadcast %reduce_sum3A : i1 to vector<16xi1>
      %reduce_sum3A_207 = tpu.scan <sum>, %add3A_205 masked %reduce_sum3A_206 : vector<16xf32>, vector<16xi1> -> vector<16xf32>
      %reduce_sum3A_208 = vector.extract %reduce_sum3A_207[15] : f32 from vector<16xf32>
      %broadcast_in_dim3A_209 = vector.broadcast %reduce_sum3A_208 : f32 to vector<16xf32>
      %div3A = arith.constant 1.000000e+00 : f32
      %div3A_210 = vector.broadcast %div3A : f32 to vector<16xf32>
      %div3A_211 = arith.divf %div3A_210, %broadcast_in_dim3A_209 : vector<16xf32>
      %mul3A_212 = arith.mulf %exp3A, %div3A_211 : vector<16xf32>
      %add3A_213 = arith.addf %scan3A_171, %mul3A_212 : vector<16xf32>
      %mul3A_214 = arith.mulf %exp3A_200, %div3A_211 : vector<16xf32>
      %add3A_215 = arith.addf %scan3A_172, %mul3A_214 : vector<16xf32>
      %mul3A_216 = arith.mulf %exp3A_201, %div3A_211 : vector<16xf32>
      %add3A_217 = arith.addf %scan3A_173, %mul3A_216 : vector<16xf32>
      %mul3A_218 = arith.mulf %exp3A_202, %div3A_211 : vector<16xf32>
      %add3A_219 = arith.addf %scan3A_174, %mul3A_218 : vector<16xf32>
      %eq3A = arith.cmpf oeq, %get3A_181, %broadcast_in_dim3A_199 : vector<16xf32>
      %jit3A = arith.constant 1.000000e+00 : f32
      %jit3A_220 = arith.constant 0.000000e+00 : f32
      %broadcast_in_dim3A_221 = vector.broadcast %jit3A : f32 to vector<16xf32>
      %broadcast_in_dim3A_222 = vector.broadcast %jit3A_220 : f32 to vector<16xf32>
      %select_n3A = arith.select %eq3A, %broadcast_in_dim3A_221, %broadcast_in_dim3A_222 : vector<16xi1>, vector<16xf32>
      %add3A_223 = arith.addf %scan3A_175, %select_n3A : vector<16xf32>
      %eq3A_224 = arith.cmpf oeq, %get3A_185, %broadcast_in_dim3A_199 : vector<16xf32>
      %jit3A_225 = arith.constant 1.000000e+00 : f32
      %jit3A_226 = arith.constant 0.000000e+00 : f32
      %broadcast_in_dim3A_227 = vector.broadcast %jit3A_225 : f32 to vector<16xf32>
      %broadcast_in_dim3A_228 = vector.broadcast %jit3A_226 : f32 to vector<16xf32>
      %select_n3A_229 = arith.select %eq3A_224, %broadcast_in_dim3A_227, %broadcast_in_dim3A_228 : vector<16xi1>, vector<16xf32>
      %add3A_230 = arith.addf %scan3A_176, %select_n3A_229 : vector<16xf32>
      %eq3A_231 = arith.cmpf oeq, %get3A_189, %broadcast_in_dim3A_199 : vector<16xf32>
      %jit3A_232 = arith.constant 1.000000e+00 : f32
      %jit3A_233 = arith.constant 0.000000e+00 : f32
      %broadcast_in_dim3A_234 = vector.broadcast %jit3A_232 : f32 to vector<16xf32>
      %broadcast_in_dim3A_235 = vector.broadcast %jit3A_233 : f32 to vector<16xf32>
      %select_n3A_236 = arith.select %eq3A_231, %broadcast_in_dim3A_234, %broadcast_in_dim3A_235 : vector<16xi1>, vector<16xf32>
      %add3A_237 = arith.addf %scan3A_177, %select_n3A_236 : vector<16xf32>
      %eq3A_238 = arith.cmpf oeq, %get3A_193, %broadcast_in_dim3A_199 : vector<16xf32>
      %jit3A_239 = arith.constant 1.000000e+00 : f32
      %jit3A_240 = arith.constant 0.000000e+00 : f32
      %broadcast_in_dim3A_241 = vector.broadcast %jit3A_239 : f32 to vector<16xf32>
      %broadcast_in_dim3A_242 = vector.broadcast %jit3A_240 : f32 to vector<16xf32>
      %select_n3A_243 = arith.select %eq3A_238, %broadcast_in_dim3A_241, %broadcast_in_dim3A_242 : vector<16xi1>, vector<16xf32>
      %add3A_244 = arith.addf %scan3A_178, %select_n3A_243 : vector<16xf32>
      %scan3A_245 = arith.constant 1 : i32
      %scan3A_246 = arith.addi %scan3A_170, %scan3A_245 : i32
      %get3A_247 = arith.index_cast %scan3A_132 : i32 to index
      %get3A_248 = arith.index_cast %scan3A_246 : i32 to index
      %get3A_249 = arith.constant 0 : index
      %get3A_250 = tpu.vector_load %arg5[%get3A_247, %get3A_248, %get3A_249] {strides = array<i32>} : memref<2x256x64xf32, #tpu.memory_space<vmem>>, vector<16xf32>,
      %get3A_251 = arith.index_cast %scan3A_132 : i32 to index
      %get3A_252 = arith.index_cast %scan3A_246 : i32 to index
      %get3A_253 = arith.constant 16 : index
      %get3A_254 = tpu.vector_load %arg5[%get3A_251, %get3A_252, %get3A_253] {strides = array<i32>} : memref<2x256x64xf32, #tpu.memory_space<vmem>>, vector<16xf32>,
      %get3A_255 = arith.index_cast %scan3A_132 : i32 to index
      %get3A_256 = arith.index_cast %scan3A_246 : i32 to index
      %get3A_257 = arith.constant 32 : index
      %get3A_258 = tpu.vector_load %arg5[%get3A_255, %get3A_256, %get3A_257] {strides = array<i32>} : memref<2x256x64xf32, #tpu.memory_space<vmem>>, vector<16xf32>,
      %get3A_259 = arith.index_cast %scan3A_132 : i32 to index
      %get3A_260 = arith.index_cast %scan3A_246 : i32 to index
      %get3A_261 = arith.constant 48 : index
      %get3A_262 = tpu.vector_load %arg5[%get3A_259, %get3A_260, %get3A_261] {strides = array<i32>} : memref<2x256x64xf32, #tpu.memory_space<vmem>>, vector<16xf32>,
      %max3A_263 = arith.maximumf %get3A_250, %get3A_254 : vector<16xf32>
      %max3A_264 = arith.maximumf %get3A_258, %get3A_262 : vector<16xf32>
      %max3A_265 = arith.maximumf %max3A_263, %max3A_264 : vector<16xf32>
      %reduce_max3A_266 = arith.constant true
      %reduce_max3A_267 = vector.broadcast %reduce_max3A_266 : i1 to vector<16xi1>
      %reduce_max3A_268 = tpu.scan <max>, %max3A_265 masked %reduce_max3A_267 : vector<16xf32>, vector<16xi1> -> vector<16xf32>
      %reduce_max3A_269 = vector.extract %reduce_max3A_268[15] : f32 from vector<16xf32>
      %broadcast_in_dim3A_270 = vector.broadcast %reduce_max3A_269 : f32 to vector<16xf32>
      %exp3A_271 = math.exp %get3A_250 : vector<16xf32>
      %exp3A_272 = math.exp %get3A_254 : vector<16xf32>
      %exp3A_273 = math.exp %get3A_258 : vector<16xf32>
      %exp3A_274 = math.exp %get3A_262 : vector<16xf32>
      %add3A_275 = arith.addf %exp3A_271, %exp3A_272 : vector<16xf32>
      %add3A_276 = arith.addf %exp3A_273, %exp3A_274 : vector<16xf32>
      %add3A_277 = arith.addf %add3A_275, %add3A_276 : vector<16xf32>
      %reduce_sum3A_278 = arith.constant true
      %reduce_sum3A_279 = vector.broadcast %reduce_sum3A_278 : i1 to vector<16xi1>
      %reduce_sum3A_280 = tpu.scan <sum>, %add3A_277 masked %reduce_sum3A_279 : vector<16xf32>, vector<16xi1> -> vector<16xf32>
      %reduce_sum3A_281 = vector.extract %reduce_sum3A_280[15] : f32 from vector<16xf32>
      %broadcast_in_dim3A_282 = vector.broadcast %reduce_sum3A_281 : f32 to vector<16xf32>
      %div3A_283 = arith.constant 1.000000e+00 : f32
      %div3A_284 = vector.broadcast %div3A_283 : f32 to vector<16xf32>
      %div3A_285 = arith.divf %div3A_284, %broadcast_in_dim3A_282 : vector<16xf32>
      %mul3A_286 = arith.mulf %exp3A_271, %div3A_285 : vector<16xf32>
      %add3A_287 = arith.addf %add3A_213, %mul3A_286 : vector<16xf32>
      %mul3A_288 = arith.mulf %exp3A_272, %div3A_285 : vector<16xf32>
      %add3A_289 = arith.addf %add3A_215, %mul3A_288 : vector<16xf32>
      %mul3A_290 = arith.mulf %exp3A_273, %div3A_285 : vector<16xf32>
      %add3A_291 = arith.addf %add3A_217, %mul3A_290 : vector<16xf32>
      %mul3A_292 = arith.mulf %exp3A_274, %div3A_285 : vector<16xf32>
      %add3A_293 = arith.addf %add3A_219, %mul3A_292 : vector<16xf32>
      %eq3A_294 = arith.cmpf oeq, %get3A_250, %broadcast_in_dim3A_270 : vector<16xf32>
      %jit3A_295 = arith.constant 1.000000e+00 : f32
      %jit3A_296 = arith.constant 0.000000e+00 : f32
      %broadcast_in_dim3A_297 = vector.broadcast %jit3A_295 : f32 to vector<16xf32>
      %broadcast_in_dim3A_298 = vector.broadcast %jit3A_296 : f32 to vector<16xf32>
      %select_n3A_299 = arith.select %eq3A_294, %broadcast_in_dim3A_297, %broadcast_in_dim3A_298 : vector<16xi1>, vector<16xf32>
      %add3A_300 = arith.addf %add3A_223, %select_n3A_299 : vector<16xf32>
      %eq3A_301 = arith.cmpf oeq, %get3A_254, %broadcast_in_dim3A_270 : vector<16xf32>
      %jit3A_302 = arith.constant 1.000000e+00 : f32
      %jit3A_303 = arith.constant 0.000000e+00 : f32
      %broadcast_in_dim3A_304 = vector.broadcast %jit3A_302 : f32 to vector<16xf32>
      %broadcast_in_dim3A_305 = vector.broadcast %jit3A_303 : f32 to vector<16xf32>
      %select_n3A_306 = arith.select %eq3A_301, %broadcast_in_dim3A_304, %broadcast_in_dim3A_305 : vector<16xi1>, vector<16xf32>
      %add3A_307 = arith.addf %add3A_230, %select_n3A_306 : vector<16xf32>
      %eq3A_308 = arith.cmpf oeq, %get3A_258, %broadcast_in_dim3A_270 : vector<16xf32>
      %jit3A_309 = arith.constant 1.000000e+00 : f32
      %jit3A_310 = arith.constant 0.000000e+00 : f32
      %broadcast_in_dim3A_311 = vector.broadcast %jit3A_309 : f32 to vector<16xf32>
      %broadcast_in_dim3A_312 = vector.broadcast %jit3A_310 : f32 to vector<16xf32>
      %select_n3A_313 = arith.select %eq3A_308, %broadcast_in_dim3A_311, %broadcast_in_dim3A_312 : vector<16xi1>, vector<16xf32>
      %add3A_314 = arith.addf %add3A_237, %select_n3A_313 : vector<16xf32>
      %eq3A_315 = arith.cmpf oeq, %get3A_262, %broadcast_in_dim3A_270 : vector<16xf32>
      %jit3A_316 = arith.constant 1.000000e+00 : f32
      %jit3A_317 = arith.constant 0.000000e+00 : f32
      %broadcast_in_dim3A_318 = vector.broadcast %jit3A_316 : f32 to vector<16xf32>
      %broadcast_in_dim3A_319 = vector.broadcast %jit3A_317 : f32 to vector<16xf32>
      %select_n3A_320 = arith.select %eq3A_315, %broadcast_in_dim3A_318, %broadcast_in_dim3A_319 : vector<16xi1>, vector<16xf32>
      %add3A_321 = arith.addf %add3A_244, %select_n3A_320 : vector<16xf32>
      %scan3A_322 = arith.constant 2 : i32
      %scan3A_323 = arith.addi %scan3A_170, %scan3A_322 : i32
      %get3A_324 = arith.index_cast %scan3A_132 : i32 to index
      %get3A_325 = arith.index_cast %scan3A_323 : i32 to index
      %get3A_326 = arith.constant 0 : index
      %get3A_327 = tpu.vector_load %arg5[%get3A_324, %get3A_325, %get3A_326] {strides = array<i32>} : memref<2x256x64xf32, #tpu.memory_space<vmem>>, vector<16xf32>,
      %get3A_328 = arith.index_cast %scan3A_132 : i32 to index
      %get3A_329 = arith.index_cast %scan3A_323 : i32 to index
      %get3A_330 = arith.constant 16 : index
      %get3A_331 = tpu.vector_load %arg5[%get3A_328, %get3A_329, %get3A_330] {strides = array<i32>} : memref<2x256x64xf32, #tpu.memory_space<vmem>>, vector<16xf32>,
      %get3A_332 = arith.index_cast %scan3A_132 : i32 to index
      %get3A_333 = arith.index_cast %scan3A_323 : i32 to index
      %get3A_334 = arith.constant 32 : index
      %get3A_335 = tpu.vector_load %arg5[%get3A_332, %get3A_333, %get3A_334] {strides = array<i32>} : memref<2x256x64xf32, #tpu.memory_space<vmem>>, vector<16xf32>,
      %get3A_336 = arith.index_cast %scan3A_132 : i32 to index
      %get3A_337 = arith.index_cast %scan3A_323 : i32 to index
      %get3A_338 = arith.constant 48 : index
      %get3A_339 = tpu.vector_load %arg5[%get3A_336, %get3A_337, %get3A_338] {strides = array<i32>} : memref<2x256x64xf32, #tpu.memory_space<vmem>>, vector<16xf32>,
      %max3A_340 = arith.maximumf %get3A_327, %get3A_331 : vector<16xf32>
      %max3A_341 = arith.maximumf %get3A_335, %get3A_339 : vector<16xf32>
      %max3A_342 = arith.maximumf %max3A_340, %max3A_341 : vector<16xf32>
      %reduce_max3A_343 = arith.constant true
      %reduce_max3A_344 = vector.broadcast %reduce_max3A_343 : i1 to vector<16xi1>
      %reduce_max3A_345 = tpu.scan <max>, %max3A_342 masked %reduce_max3A_344 : vector<16xf32>, vector<16xi1> -> vector<16xf32>
      %reduce_max3A_346 = vector.extract %reduce_max3A_345[15] : f32 from vector<16xf32>
      %broadcast_in_dim3A_347 = vector.broadcast %reduce_max3A_346 : f32 to vector<16xf32>
      %exp3A_348 = math.exp %get3A_327 : vector<16xf32>
      %exp3A_349 = math.exp %get3A_331 : vector<16xf32>
      %exp3A_350 = math.exp %get3A_335 : vector<16xf32>
      %exp3A_351 = math.exp %get3A_339 : vector<16xf32>
      %add3A_352 = arith.addf %exp3A_348, %exp3A_349 : vector<16xf32>
      %add3A_353 = arith.addf %exp3A_350, %exp3A_351 : vector<16xf32>
      %add3A_354 = arith.addf %add3A_352, %add3A_353 : vector<16xf32>
      %reduce_sum3A_355 = arith.constant true
      %reduce_sum3A_356 = vector.broadcast %reduce_sum3A_355 : i1 to vector<16xi1>
      %reduce_sum3A_357 = tpu.scan <sum>, %add3A_354 masked %reduce_sum3A_356 : vector<16xf32>, vector<16xi1> -> vector<16xf32>
      %reduce_sum3A_358 = vector.extract %reduce_sum3A_357[15] : f32 from vector<16xf32>
      %broadcast_in_dim3A_359 = vector.broadcast %reduce_sum3A_358 : f32 to vector<16xf32>
      %div3A_360 = arith.constant 1.000000e+00 : f32
      %div3A_361 = vector.broadcast %div3A_360 : f32 to vector<16xf32>
      %div3A_362 = arith.divf %div3A_361, %broadcast_in_dim3A_359 : vector<16xf32>
      %mul3A_363 = arith.mulf %exp3A_348, %div3A_362 : vector<16xf32>
      %add3A_364 = arith.addf %add3A_287, %mul3A_363 : vector<16xf32>
      %mul3A_365 = arith.mulf %exp3A_349, %div3A_362 : vector<16xf32>
      %add3A_366 = arith.addf %add3A_289, %mul3A_365 : vector<16xf32>
      %mul3A_367 = arith.mulf %exp3A_350, %div3A_362 : vector<16xf32>
      %add3A_368 = arith.addf %add3A_291, %mul3A_367 : vector<16xf32>
      %mul3A_369 = arith.mulf %exp3A_351, %div3A_362 : vector<16xf32>
      %add3A_370 = arith.addf %add3A_293, %mul3A_369 : vector<16xf32>
      %eq3A_371 = arith.cmpf oeq, %get3A_327, %broadcast_in_dim3A_347 : vector<16xf32>
      %jit3A_372 = arith.constant 1.000000e+00 : f32
      %jit3A_373 = arith.constant 0.000000e+00 : f32
      %broadcast_in_dim3A_374 = vector.broadcast %jit3A_372 : f32 to vector<16xf32>
      %broadcast_in_dim3A_375 = vector.broadcast %jit3A_373 : f32 to vector<16xf32>
      %select_n3A_376 = arith.select %eq3A_371, %broadcast_in_dim3A_374, %broadcast_in_dim3A_375 : vector<16xi1>, vector<16xf32>
      %add3A_377 = arith.addf %add3A_300, %select_n3A_376 : vector<16xf32>
      %eq3A_378 = arith.cmpf oeq, %get3A_331, %broadcast_in_dim3A_347 : vector<16xf32>
      %jit3A_379 = arith.constant 1.000000e+00 : f32
      %jit3A_380 = arith.constant 0.000000e+00 : f32
      %broadcast_in_dim3A_381 = vector.broadcast %jit3A_379 : f32 to vector<16xf32>
      %broadcast_in_dim3A_382 = vector.broadcast %jit3A_380 : f32 to vector<16xf32>
      %select_n3A_383 = arith.select %eq3A_378, %broadcast_in_dim3A_381, %broadcast_in_dim3A_382 : vector<16xi1>, vector<16xf32>
      %add3A_384 = arith.addf %add3A_307, %select_n3A_383 : vector<16xf32>
      %eq3A_385 = arith.cmpf oeq, %get3A_335, %broadcast_in_dim3A_347 : vector<16xf32>
      %jit3A_386 = arith.constant 1.000000e+00 : f32
      %jit3A_387 = arith.constant 0.000000e+00 : f32
      %broadcast_in_dim3A_388 = vector.broadcast %jit3A_386 : f32 to vector<16xf32>
      %broadcast_in_dim3A_389 = vector.broadcast %jit3A_387 : f32 to vector<16xf32>
      %select_n3A_390 = arith.select %eq3A_385, %broadcast_in_dim3A_388, %broadcast_in_dim3A_389 : vector<16xi1>, vector<16xf32>
      %add3A_391 = arith.addf %add3A_314, %select_n3A_390 : vector<16xf32>
      %eq3A_392 = arith.cmpf oeq, %get3A_339, %broadcast_in_dim3A_347 : vector<16xf32>
      %jit3A_393 = arith.constant 1.000000e+00 : f32
      %jit3A_394 = arith.constant 0.000000e+00 : f32
      %broadcast_in_dim3A_395 = vector.broadcast %jit3A_393 : f32 to vector<16xf32>
      %broadcast_in_dim3A_396 = vector.broadcast %jit3A_394 : f32 to vector<16xf32>
      %select_n3A_397 = arith.select %eq3A_392, %broadcast_in_dim3A_395, %broadcast_in_dim3A_396 : vector<16xi1>, vector<16xf32>
      %add3A_398 = arith.addf %add3A_321, %select_n3A_397 : vector<16xf32>
      %scan3A_399 = arith.constant 3 : i32
      %scan3A_400 = arith.addi %scan3A_170, %scan3A_399 : i32
      %get3A_401 = arith.index_cast %scan3A_132 : i32 to index
      %get3A_402 = arith.index_cast %scan3A_400 : i32 to index
      %get3A_403 = arith.constant 0 : index
      %get3A_404 = tpu.vector_load %arg5[%get3A_401, %get3A_402, %get3A_403] {strides = array<i32>} : memref<2x256x64xf32, #tpu.memory_space<vmem>>, vector<16xf32>,
      %get3A_405 = arith.index_cast %scan3A_132 : i32 to index
      %get3A_406 = arith.index_cast %scan3A_400 : i32 to index
      %get3A_407 = arith.constant 16 : index
      %get3A_408 = tpu.vector_load %arg5[%get3A_405, %get3A_406, %get3A_407] {strides = array<i32>} : memref<2x256x64xf32, #tpu.memory_space<vmem>>, vector<16xf32>,
      %get3A_409 = arith.index_cast %scan3A_132 : i32 to index
      %get3A_410 = arith.index_cast %scan3A_400 : i32 to index
      %get3A_411 = arith.constant 32 : index
      %get3A_412 = tpu.vector_load %arg5[%get3A_409, %get3A_410, %get3A_411] {strides = array<i32>} : memref<2x256x64xf32, #tpu.memory_space<vmem>>, vector<16xf32>,
      %get3A_413 = arith.index_cast %scan3A_132 : i32 to index
      %get3A_414 = arith.index_cast %scan3A_400 : i32 to index
      %get3A_415 = arith.constant 48 : index
      %get3A_416 = tpu.vector_load %arg5[%get3A_413, %get3A_414, %get3A_415] {strides = array<i32>} : memref<2x256x64xf32, #tpu.memory_space<vmem>>, vector<16xf32>,
      %max3A_417 = arith.maximumf %get3A_404, %get3A_408 : vector<16xf32>
      %max3A_418 = arith.maximumf %get3A_412, %get3A_416 : vector<16xf32>
      %max3A_419 = arith.maximumf %max3A_417, %max3A_418 : vector<16xf32>
      %reduce_max3A_420 = arith.constant true
      %reduce_max3A_421 = vector.broadcast %reduce_max3A_420 : i1 to vector<16xi1>
      %reduce_max3A_422 = tpu.scan <max>, %max3A_419 masked %reduce_max3A_421 : vector<16xf32>, vector<16xi1> -> vector<16xf32>
      %reduce_max3A_423 = vector.extract %reduce_max3A_422[15] : f32 from vector<16xf32>
      %broadcast_in_dim3A_424 = vector.broadcast %reduce_max3A_423 : f32 to vector<16xf32>
      %exp3A_425 = math.exp %get3A_404 : vector<16xf32>
      %exp3A_426 = math.exp %get3A_408 : vector<16xf32>
      %exp3A_427 = math.exp %get3A_412 : vector<16xf32>
      %exp3A_428 = math.exp %get3A_416 : vector<16xf32>
      %add3A_429 = arith.addf %exp3A_425, %exp3A_426 : vector<16xf32>
      %add3A_430 = arith.addf %exp3A_427, %exp3A_428 : vector<16xf32>
      %add3A_431 = arith.addf %add3A_429, %add3A_430 : vector<16xf32>
      %reduce_sum3A_432 = arith.constant true
      %reduce_sum3A_433 = vector.broadcast %reduce_sum3A_432 : i1 to vector<16xi1>
      %reduce_sum3A_434 = tpu.scan <sum>, %add3A_431 masked %reduce_sum3A_433 : vector<16xf32>, vector<16xi1> -> vector<16xf32>
      %reduce_sum3A_435 = vector.extract %reduce_sum3A_434[15] : f32 from vector<16xf32>
      %broadcast_in_dim3A_436 = vector.broadcast %reduce_sum3A_435 : f32 to vector<16xf32>
      %div3A_437 = arith.constant 1.000000e+00 : f32
      %div3A_438 = vector.broadcast %div3A_437 : f32 to vector<16xf32>
      %div3A_439 = arith.divf %div3A_438, %broadcast_in_dim3A_436 : vector<16xf32>
      %mul3A_440 = arith.mulf %exp3A_425, %div3A_439 : vector<16xf32>
      %add3A_441 = arith.addf %add3A_364, %mul3A_440 : vector<16xf32>
      %mul3A_442 = arith.mulf %exp3A_426, %div3A_439 : vector<16xf32>
      %add3A_443 = arith.addf %add3A_366, %mul3A_442 : vector<16xf32>
      %mul3A_444 = arith.mulf %exp3A_427, %div3A_439 : vector<16xf32>
      %add3A_445 = arith.addf %add3A_368, %mul3A_444 : vector<16xf32>
      %mul3A_446 = arith.mulf %exp3A_428, %div3A_439 : vector<16xf32>
      %add3A_447 = arith.addf %add3A_370, %mul3A_446 : vector<16xf32>
      %eq3A_448 = arith.cmpf oeq, %get3A_404, %broadcast_in_dim3A_424 : vector<16xf32>
      %jit3A_449 = arith.constant 1.000000e+00 : f32
      %jit3A_450 = arith.constant 0.000000e+00 : f32
      %broadcast_in_dim3A_451 = vector.broadcast %jit3A_449 : f32 to vector<16xf32>
      %broadcast_in_dim3A_452 = vector.broadcast %jit3A_450 : f32 to vector<16xf32>
      %select_n3A_453 = arith.select %eq3A_448, %broadcast_in_dim3A_451, %broadcast_in_dim3A_452 : vector<16xi1>, vector<16xf32>
      %add3A_454 = arith.addf %add3A_377, %select_n3A_453 : vector<16xf32>
      %eq3A_455 = arith.cmpf oeq, %get3A_408, %broadcast_in_dim3A_424 : vector<16xf32>
      %jit3A_456 = arith.constant 1.000000e+00 : f32
      %jit3A_457 = arith.constant 0.000000e+00 : f32
      %broadcast_in_dim3A_458 = vector.broadcast %jit3A_456 : f32 to vector<16xf32>
      %broadcast_in_dim3A_459 = vector.broadcast %jit3A_457 : f32 to vector<16xf32>
      %select_n3A_460 = arith.select %eq3A_455, %broadcast_in_dim3A_458, %broadcast_in_dim3A_459 : vector<16xi1>, vector<16xf32>
      %add3A_461 = arith.addf %add3A_384, %select_n3A_460 : vector<16xf32>
      %eq3A_462 = arith.cmpf oeq, %get3A_412, %broadcast_in_dim3A_424 : vector<16xf32>
      %jit3A_463 = arith.constant 1.000000e+00 : f32
      %jit3A_464 = arith.constant 0.000000e+00 : f32
      %broadcast_in_dim3A_465 = vector.broadcast %jit3A_463 : f32 to vector<16xf32>
      %broadcast_in_dim3A_466 = vector.broadcast %jit3A_464 : f32 to vector<16xf32>
      %select_n3A_467 = arith.select %eq3A_462, %broadcast_in_dim3A_465, %broadcast_in_dim3A_466 : vector<16xi1>, vector<16xf32>
      %add3A_468 = arith.addf %add3A_391, %select_n3A_467 : vector<16xf32>
      %eq3A_469 = arith.cmpf oeq, %get3A_416, %broadcast_in_dim3A_424 : vector<16xf32>
      %jit3A_470 = arith.constant 1.000000e+00 : f32
      %jit3A_471 = arith.constant 0.000000e+00 : f32
      %broadcast_in_dim3A_472 = vector.broadcast %jit3A_470 : f32 to vector<16xf32>
      %broadcast_in_dim3A_473 = vector.broadcast %jit3A_471 : f32 to vector<16xf32>
      %select_n3A_474 = arith.select %eq3A_469, %broadcast_in_dim3A_472, %broadcast_in_dim3A_473 : vector<16xi1>, vector<16xf32>
      %add3A_475 = arith.addf %add3A_398, %select_n3A_474 : vector<16xf32>
      scf.yield %add3A_441, %add3A_443, %add3A_445, %add3A_447, %add3A_454, %add3A_461, %add3A_468, %add3A_475 : vector<16xf32>, vector<16xf32>, vector<16xf32>, vector<16xf32>, vector<16xf32>, vector<16xf32>, vector<16xf32>, vector<16xf32>
    }
    %scan3A_138 = arith.constant 256 : i32
    %swap3A = arith.constant 0 : i32
    %swap3A_139 = arith.index_cast %swap3A : i32 to index
    %swap3A_140 = arith.constant 0 : index
    %swap3A_141 = tpu.vector_load %arg6[%swap3A_139, %swap3A_140] {strides = array<i32>} : memref<1x64xf32, #tpu.memory_space<vmem>>, vector<16xf32>,
    tpu.vector_store %arg6[%swap3A_139, %swap3A_140], %scan3A_137#0 {strides = array<i32>} : memref<1x64xf32, #tpu.memory_space<vmem>>, vector<16xf32>,
    %swap3A_142 = arith.constant 0 : i32
    %swap3A_143 = arith.index_cast %swap3A_142 : i32 to index
    %swap3A_144 = arith.constant 16 : index
    %swap3A_145 = tpu.vector_load %arg6[%swap3A_143, %swap3A_144] {strides = array<i32>} : memref<1x64xf32, #tpu.memory_space<vmem>>, vector<16xf32>,
    tpu.vector_store %arg6[%swap3A_143, %swap3A_144], %scan3A_137#1 {strides = array<i32>} : memref<1x64xf32, #tpu.memory_space<vmem>>, vector<16xf32>,
    %swap3A_146 = arith.constant 0 : i32
    %swap3A_147 = arith.index_cast %swap3A_146 : i32 to index
    %swap3A_148 = arith.constant 32 : index
    %swap3A_149 = tpu.vector_load %arg6[%swap3A_147, %swap3A_148] {strides = array<i32>} : memref<1x64xf32, #tpu.memory_space<vmem>>, vector<16xf32>,
    tpu.vector_store %arg6[%swap3A_147, %swap3A_148], %scan3A_137#2 {strides = array<i32>} : memref<1x64xf32, #tpu.memory_space<vmem>>, vector<16xf32>,
    %swap3A_150 = arith.constant 0 : i32
    %swap3A_151 = arith.index_cast %swap3A_150 : i32 to index
    %swap3A_152 = arith.constant 48 : index
    %swap3A_153 = tpu.vector_load %arg6[%swap3A_151, %swap3A_152] {strides = array<i32>} : memref<1x64xf32, #tpu.memory_space<vmem>>, vector<16xf32>,
    tpu.vector_store %arg6[%swap3A_151, %swap3A_152], %scan3A_137#3 {strides = array<i32>} : memref<1x64xf32, #tpu.memory_space<vmem>>, vector<16xf32>,
    %swap3A_154 = arith.constant 0 : i32
    %swap3A_155 = arith.index_cast %swap3A_154 : i32 to index
    %swap3A_156 = arith.constant 0 : index
    %swap3A_157 = tpu.vector_load %arg7[%swap3A_155, %swap3A_156] {strides = array<i32>} : memref<1x64xf32, #tpu.memory_space<vmem>>, vector<16xf32>,
    tpu.vector_store %arg7[%swap3A_155, %swap3A_156], %scan3A_137#4 {strides = array<i32>} : memref<1x64xf32, #tpu.memory_space<vmem>>, vector<16xf32>,
    %swap3A_158 = arith.constant 0 : i32
    %swap3A_159 = arith.index_cast %swap3A_158 : i32 to index
    %swap3A_160 = arith.constant 16 : index
    %swap3A_161 = tpu.vector_load %arg7[%swap3A_159, %swap3A_160] {strides = array<i32>} : memref<1x64xf32, #tpu.memory_space<vmem>>, vector<16xf32>,
    tpu.vector_store %arg7[%swap3A_159, %swap3A_160], %scan3A_137#5 {strides = array<i32>} : memref<1x64xf32, #tpu.memory_space<vmem>>, vector<16xf32>,
    %swap3A_162 = arith.constant 0 : i32
    %swap3A_163 = arith.index_cast %swap3A_162 : i32 to index
    %swap3A_164 = arith.constant 32 : index
    %swap3A_165 = tpu.vector_load %arg7[%swap3A_163, %swap3A_164] {strides = array<i32>} : memref<1x64xf32, #tpu.memory_space<vmem>>, vector<16xf32>,
    tpu.vector_store %arg7[%swap3A_163, %swap3A_164], %scan3A_137#6 {strides = array<i32>} : memref<1x64xf32, #tpu.memory_space<vmem>>, vector<16xf32>,
    %swap3A_166 = arith.constant 0 : i32
    %swap3A_167 = arith.index_cast %swap3A_166 : i32 to index
    %swap3A_168 = arith.constant 48 : index
    %swap3A_169 = tpu.vector_load %arg7[%swap3A_167, %swap3A_168] {strides = array<i32>} : memref<1x64xf32, #tpu.memory_space<vmem>>, vector<16xf32>,
    tpu.vector_store %arg7[%swap3A_167, %swap3A_168], %scan3A_137#7 {strides = array<i32>} : memref<1x64xf32, #tpu.memory_space<vmem>>, vector<16xf32>,
    "tpu.region"() ({
      %run_scoped3A = tpu.sem_alloc : memref<!tpu.dma_semaphore, #tpu.memory_space<semaphore_mem>>
      %dma_start3A_170 = arith.constant 0 : i32
      %dma_start3A_171 = tpu.memref_slice %arg3[%add3A, %dma_start3A_170] : memref<32x64xf32, #tpu.memory_space<hbm>> -> memref<1x64xf32, #tpu.memory_space<hbm>>
      %dma_start3A_172 = arith.constant 0 : i32
      %dma_start3A_173 = tpu.memref_slice %arg3[%add3A, %dma_start3A_172] : memref<32x64xf32, #tpu.memory_space<hbm>> -> memref<1x64xf32, #tpu.memory_space<hbm>>
      tpu.enqueue_dma source(%arg6 : memref<1x64xf32, #tpu.memory_space<vmem>>) target(%dma_start3A_173 : memref<1x64xf32, #tpu.memory_space<hbm>>) target_semaphore(%run_scoped3A : memref<!tpu.dma_semaphore, #tpu.memory_space<semaphore_mem>>)
      %dma_wait3A_174 = arith.constant 0 : i32
      %dma_wait3A_175 = tpu.memref_slice %arg3[%add3A, %dma_wait3A_174] : memref<32x64xf32, #tpu.memory_space<hbm>> -> memref<1x64xf32, #tpu.memory_space<hbm>>
      %dma_wait3A_176 = arith.constant 0 : i32
      %dma_wait3A_177 = tpu.memref_slice %arg3[%add3A, %dma_wait3A_176] : memref<32x64xf32, #tpu.memory_space<hbm>> -> memref<1x64xf32, #tpu.memory_space<hbm>>
      tpu.wait_dma2 semaphore(%run_scoped3A : memref<!tpu.dma_semaphore, #tpu.memory_space<semaphore_mem>>) src(%arg6 : memref<1x64xf32, #tpu.memory_space<vmem>>) dst(%dma_wait3A_177 : memref<1x64xf32, #tpu.memory_space<hbm>>)
      tpu.yield
    }) : () -> ()
    "tpu.region"() ({
      %run_scoped3A = tpu.sem_alloc : memref<!tpu.dma_semaphore, #tpu.memory_space<semaphore_mem>>
      %dma_start3A_170 = arith.constant 0 : i32
      %dma_start3A_171 = tpu.memref_slice %arg4[%add3A, %dma_start3A_170] : memref<32x64xf32, #tpu.memory_space<hbm>> -> memref<1x64xf32, #tpu.memory_space<hbm>>
      %dma_start3A_172 = arith.constant 0 : i32
      %dma_start3A_173 = tpu.memref_slice %arg4[%add3A, %dma_start3A_172] : memref<32x64xf32, #tpu.memory_space<hbm>> -> memref<1x64xf32, #tpu.memory_space<hbm>>
      tpu.enqueue_dma source(%arg7 : memref<1x64xf32, #tpu.memory_space<vmem>>) target(%dma_start3A_173 : memref<1x64xf32, #tpu.memory_space<hbm>>) target_semaphore(%run_scoped3A : memref<!tpu.dma_semaphore, #tpu.memory_space<semaphore_mem>>)
      %dma_wait3A_174 = arith.constant 0 : i32
      %dma_wait3A_175 = tpu.memref_slice %arg4[%add3A, %dma_wait3A_174] : memref<32x64xf32, #tpu.memory_space<hbm>> -> memref<1x64xf32, #tpu.memory_space<hbm>>
      %dma_wait3A_176 = arith.constant 0 : i32
      %dma_wait3A_177 = tpu.memref_slice %arg4[%add3A, %dma_wait3A_176] : memref<32x64xf32, #tpu.memory_space<hbm>> -> memref<1x64xf32, #tpu.memory_space<hbm>>
      tpu.wait_dma2 semaphore(%run_scoped3A : memref<!tpu.dma_semaphore, #tpu.memory_space<semaphore_mem>>) src(%arg7 : memref<1x64xf32, #tpu.memory_space<vmem>>) dst(%dma_wait3A_177 : memref<1x64xf32, #tpu.memory_space<hbm>>)
      tpu.yield
    }) : () -> ()
    return
  }
}

module attributes {stable_mosaic.version = 14 : i64} {
  func.func @_combine_body(%arg0: memref<1xf32, #tpu.memory_space<smem>>, %arg1: memref<32x64xf32, #tpu.memory_space<vmem>>, %arg2: memref<32x64xf32, #tpu.memory_space<vmem>>, %arg3: memref<1xf32, #tpu.memory_space<smem>>) attributes {dimension_semantics = [], scalar_prefetch = 0 : i64, scratch_operands = 0 : i64, tpu.core_type = #tpu.core_type<tc>} {
    %get3A = arith.constant 0 : index
    %get3A_0 = arith.constant 0 : index
    %get3A_1 = vector.load %arg1[%get3A, %get3A_0] : memref<32x64xf32, #tpu.memory_space<vmem>>, vector<32x64xf32>
    %reduce_sum3A = arith.constant dense<0.000000e+00> : vector<64xf32>
    %reduce_sum3A_2 = vector.multi_reduction <add>, %get3A_1, %reduce_sum3A [0] : vector<32x64xf32> to vector<64xf32>
    %broadcast_in_dim3A = vector.shape_cast %reduce_sum3A_2 : vector<64xf32> to vector<1x64xf32>
    %get3A_3 = arith.constant 0 : index
    %get3A_4 = arith.constant 0 : index
    %get3A_5 = vector.load %arg2[%get3A_3, %get3A_4] : memref<32x64xf32, #tpu.memory_space<vmem>>, vector<32x64xf32>
    %reduce_sum3A_6 = arith.constant dense<0.000000e+00> : vector<64xf32>
    %reduce_sum3A_7 = vector.multi_reduction <add>, %get3A_5, %reduce_sum3A_6 [0] : vector<32x64xf32> to vector<64xf32>
    %broadcast_in_dim3A_8 = vector.shape_cast %reduce_sum3A_7 : vector<64xf32> to vector<1x64xf32>
    %reduce_sum3A_9 = vector.shape_cast %broadcast_in_dim3A_8 : vector<1x64xf32> to vector<1x1x64xf32>
    %reduce_sum3A_10 = arith.constant dense<0.000000e+00> : vector<1xf32>
    %reduce_sum3A_11 = vector.multi_reduction <add>, %reduce_sum3A_9, %reduce_sum3A_10 [1, 2] : vector<1x1x64xf32> to vector<1xf32>
    %reduce_sum3A_12 = vector.shape_cast %reduce_sum3A_11 : vector<1xf32> to vector<1x1x1xf32>
    %reduce_sum3A_13 = vector.extract %reduce_sum3A_12[0, 0, 0] : f32 from vector<1x1x1xf32>
    %mul3A = arith.mulf %broadcast_in_dim3A, %broadcast_in_dim3A_8 : vector<1x64xf32>
    %reduce_sum3A_14 = vector.shape_cast %mul3A : vector<1x64xf32> to vector<1x1x64xf32>
    %reduce_sum3A_15 = arith.constant dense<0.000000e+00> : vector<1xf32>
    %reduce_sum3A_16 = vector.multi_reduction <add>, %reduce_sum3A_14, %reduce_sum3A_15 [1, 2] : vector<1x1x64xf32> to vector<1xf32>
    %reduce_sum3A_17 = vector.shape_cast %reduce_sum3A_16 : vector<1xf32> to vector<1x1x1xf32>
    %reduce_sum3A_18 = vector.extract %reduce_sum3A_17[0, 0, 0] : f32 from vector<1x1x1xf32>
    %get3A_19 = arith.constant 0 : index
    %get3A_20 = memref.load %arg0[%get3A_19] : memref<1xf32, #tpu.memory_space<smem>>
    %abs3A = math.absf %get3A_20 : f32
    %mul3A_21 = arith.constant 6.400000e+01 : f32
    %mul3A_22 = arith.mulf %abs3A, %mul3A_21 : f32
    %mul3A_23 = arith.mulf %mul3A_22, %reduce_sum3A_18 : f32
    %mul3A_24 = arith.constant 3.276800e+04 : f32
    %mul3A_25 = arith.mulf %mul3A_24, %reduce_sum3A_13 : f32
    %div3A = arith.divf %mul3A_23, %mul3A_25 : f32
    %swap3A = arith.constant 0 : index
    %swap3A_26 = memref.load %arg3[%swap3A] : memref<1xf32, #tpu.memory_space<smem>>
    memref.store %div3A, %arg3[%swap3A] : memref<1xf32, #tpu.memory_space<smem>>
    return
  }
}

</mosaic_0001>

<sc_bundles>
// kernel: kernel.4.cloned.1.call-start
scs
__scs_entry_jumppad:
0x0: {  	(pc) =	sbr.rel $0x88, $3  }
0x1: {  	(tag) =	ssettag $0x0;
	lr =	simm.s32 $0x1  }
0x2: {  	[smem:$0x3F9F] =	sst lr;
	_ =	strace $0xD0000000  }
0x3: {  	_ = 	snop  }
0x4: {  	_ = 	snop  }
0x5: {  	_ = 	snop  }
0x6: {  	_ = 	snop  }
0x7: {  	_ = 	snop  }
__scs_overlays_trampoline_lowered:
0x8: {  	[smem:$0x3FAE] =	sst s0  }
0x9: {  	[smem:$0x3FAF] =	sst s1  }
0xa: {  	[smem:$0x3FB0] =	sst s2  }
0xb: {  	[smem:$0x3FB1] =	sst s3  }
0xc: {  	[smem:$0x3FB2] =	sst s4  }
0xd: {  	[smem:$0x3FB3] =	sst s5  }
0xe: {  	[smem:$0x3FB4] =	sst s6  }
0xf: {  	[smem:$0x3FB5] =	sst s7  }
0x10: {  	[smem:$0x3FB6] =	sst s8  }
0x11: {  	[smem:$0x3FB7] =	sst s9;
	s0 =	simm.s32 @!p0 $0x0  }
0x12: {  	s1 =	sld [smem:$0x3F9D];
	s0 =	simm.s32 @p0 $0x1  }
0x13: {  	[smem:$0x3FB8] =	sst s0;
	s0 =	simm.s32 @!p1 $0x0  }
0x14: {  	s2 =	sld [smem:$0x3F9C];
	s0 =	simm.s32 @p1 $0x1  }
0x15: {  	[smem:$0x3FB9] =	sst s0;
	s0 =	simm.s32 @!p2 $0x0  }
0x16: {  	s3 =	sld [smem:$0x3FDB];
	s0 =	simm.s32 @p2 $0x1  }
0x17: {  	s4 =	simm.s32 $0x1BF5;
	[smem:$0x3FBB] =	sst s0  }
0x18: {  	s0 =	sld [smem:$0x3F9E];
	_ =	swait.ge [sflag:s4], $0x0  }
0x19: {  	s7 =	sld [smem:$0x3F9F]  }
0x1a: {  	s8 =	sadd.s32 $0xFFFFE003, lr  }
0x1b: {  	s9 =	sadd.s32 $0xFFFFFEF7, lr;
	s5 =	simm.s32 $0xFFFFFFFF;
	p2 =	slt.u32 s8, $0xFFFFF086  }
0x1c: {  	p1 =	slt.u32 s9, $0xF7A;
	s5 =	simm.s32 @!p2 $0x0  }
0x1d: {  	s5 =	simm.s32 @p1 $0x1;
	p0 =	seq.s32 s7, s2  }
0x1e: {  	s7 =	smul.u32 @!p0 $0xF7A, s2;
	p2 =	seq.s32 @!p0 s5, $0x0  }
0x1f: {  	s9 =	smul.u32 $0xF7A, s1;
	s8 =	simm.s32 @!p0 $0x1BF5;
	p2 =	por !p2, p0  }
0x20: {  	[sflag:s8] =	ssyncset.s32 @!p0 $0xFFFFF086;
	s6 =	sadd.s32 @!p0 s3, s7;
	s7 =	simm.s32 @!p0 $0x108  }
0x21: {  	s3 =	sadd.s32 s3, s9;
	s6 =	sadd.s32 @!p0 $0x88, s6;
	s7 =	simm.s32 @p2 $0x1082  }
0x22: {  	[simem:s7], [sflag:s8] =	dma.local @!p0 [hbm:s6], $0xF7A  }
0x23: {  	s9 =	sor.u32 $0xD0000000, s2;
	s6 =	simm.s32 $0x108;
	_ =	swait.ge @!p0 [sflag:s8], $0x0  }
0x24: {  	s3 =	sadd.s32 $0x88, s3;
	s6 =	simm.s32 @!p1 $0x1082;
	[sflag:s4] =	ssyncset.s32 $0xFFFFF086  }
0x25: {  	[simem:s6], [sflag:s4] =	dma.local [hbm:s3], $0xF7A  }
0x26: {  	[smem:$0x3F9F] =	sst s1;
	(tag) =	ssettag s2;
	_ =	strace s9  }
0x27: {  	s1 =	sld [smem:$0x3FAF]  }
0x28: {  	s2 =	sld [smem:$0x3FB0]  }
0x29: {  	s4 =	sld [smem:$0x3FB2]  }
0x2a: {  	p0 =	seq.s32 s5, $0x0;
	s5 =	sld [smem:$0x3FB3]  }
0x2b: {  	s6 =	sld [smem:$0x3FB4]  }
0x2c: {  	s7 =	sld [smem:$0x3FB5]  }
0x2d: {  	s3 =	simm.s32 $0x108;
	s8 =	sld [smem:$0x3FB6]  }
0x2e: {  	s3 =	simm.s32 @!p0 $0x1082;
	s9 =	sld [smem:$0x3FB7]  }
0x2f: {  	lr =	sadd.s32 s0, s3;
	s0 =	sld [smem:$0x3FAE]  }
0x30: {  	s3 =	sld [smem:$0x3FB1]  }
0x31: {  	[smem:$0x3FBA] =	sst s10  }
0x32: {  	s10 =	sld [smem:$0x3FB8];
	_ =	sdelay $0x3  }
0x33: {  	p0 =	seq.s32 s10, $0x1;
	s10 =	sld [smem:$0x3FBA];
	_ =	sdelay $0x3  }
0x34: {  	[smem:$0x3FBA] =	sst s10  }
0x35: {  	s10 =	sld [smem:$0x3FB9];
	_ =	sdelay $0x3  }
0x36: {  	p1 =	seq.s32 s10, $0x1;
	s10 =	sld [smem:$0x3FBA];
	_ =	sdelay $0x3  }
0x37: {  	[smem:$0x3FBA] =	sst s10  }
0x38: {  	s10 =	sld [smem:$0x3FBB]  }
0x39: {  	_ = 	snop;
	(pc) =	sbr.ind lr, $3  }
0x3a: {  	_ = 	snop  }
0x3b: {  	_ = 	snop  }
0x3c: {  	p2 =	seq.s32 s10, $0x1;
	s10 =	sld [smem:$0x3FBA]  }
0x3d: {  	_ =	shalt  }
0x3e: {  	_ =	shalt  }
0x3f: {  	_ =	shalt  }
0x40: {  	_ =	shalt  }
0x41: {  	_ =	shalt  }
0x42: {  	_ =	shalt  }
0x43: {  	_ =	shalt  }
0x44: {  	_ =	shalt  }
0x45: {  	_ =	shalt  }
0x46: {  	_ =	shalt  }
0x47: {  	_ =	shalt  }
0x48: {  	_ =	shalt  }
0x49: {  	_ =	shalt  }
0x4a: {  	_ =	shalt  }
0x4b: {  	_ =	shalt  }
0x4c: {  	_ =	shalt  }
0x4d: {  	_ =	shalt  }
0x4e: {  	_ =	shalt  }
0x4f: {  	_ =	shalt  }
0x50: {  	_ =	shalt  }
0x51: {  	_ =	shalt  }
0x52: {  	_ =	shalt  }
0x53: {  	_ =	shalt  }
0x54: {  	_ =	shalt  }
0x55: {  	_ =	shalt  }
0x56: {  	_ =	shalt  }
0x57: {  	_ =	shalt  }
0x58: {  	_ =	shalt  }
0x59: {  	_ =	shalt  }
0x5a: {  	_ =	shalt  }
0x5b: {  	_ =	shalt  }
0x5c: {  	_ =	shalt  }
0x5d: {  	_ =	shalt  }
0x5e: {  	_ =	shalt  }
0x5f: {  	_ =	shalt  }
0x60: {  	_ =	shalt  }
0x61: {  	_ =	shalt  }
0x62: {  	_ =	shalt  }
0x63: {  	_ =	shalt  }
0x64: {  	_ =	shalt  }
0x65: {  	_ =	shalt  }
0x66: {  	_ =	shalt  }
0x67: {  	_ =	shalt  }
0x68: {  	_ =	shalt  }
0x69: {  	_ =	shalt  }
0x6a: {  	_ =	shalt  }
0x6b: {  	_ =	shalt  }
0x6c: {  	_ =	shalt  }
0x6d: {  	_ =	shalt  }
0x6e: {  	_ =	shalt  }
0x6f: {  	_ =	shalt  }
0x70: {  	_ =	shalt  }
0x71: {  	_ =	shalt  }
0x72: {  	_ =	shalt  }
0x73: {  	_ =	shalt  }
0x74: {  	_ =	shalt  }
0x75: {  	_ =	shalt  }
0x76: {  	_ =	shalt  }
0x77: {  	_ =	shalt  }
0x78: {  	_ =	shalt  }
0x79: {  	_ =	shalt  }
0x7a: {  	_ =	shalt  }
0x7b: {  	_ =	shalt  }
0x7c: {  	_ =	shalt  }
0x7d: {  	_ =	shalt  }
0x7e: {  	_ =	shalt  }
0x7f: {  	_ =	shalt  }
0x80: {  	_ =	shalt  }
0x81: {  	_ =	shalt  }
0x82: {  	_ =	shalt  }
0x83: {  	_ =	shalt  }
0x84: {  	_ =	shalt  }
0x85: {  	_ =	shalt  }
0x86: {  	_ =	shalt  }
0x87: {  	_ =	shalt  }
.Lfunc_end0:
.L_simem_size_0:
called_computation_lowered:
.L_overlay_start_0:
0x88: {  	s2 =	sld [smem:$0x3FD9]  }
0x89: {  	s3 =	sld [smem:$0x3FFE];
	_ =	sdelay $0x1  }
0x8a: {  	s1 =	srdreg.scid  }
0x8b: {  	s0 =	sand.u32 $0x1, s1  }
0x8c: {  	s16 =	sshll.u32 s0, $0xA;
	s2 =	sadd.s32 s3, s2  }
0x8d: {  	s2 =	sadd.s32 s2, s16  }
0x8e: {  	[smem:$0x3FC6] =	sst s2  }
0x8f: {  	_ = 	snop  }
0x90: {  	(tm) =	ssettm $0x1  }
0x91: {  	s17 =	sld [smem:$0x3FFB];
	_ =	sdelay $0x3  }
0x92: {  	_ =	strace s17  }
0x93: {  	s2 =	sld [smem:$0x3FFC];
	_ =	sdelay $0x3  }
0x94: {  	_ =	strace s2  }
0x95: {  	s2 =	sld [smem:$0x3FFD];
	_ =	sdelay $0x3  }
0x96: {  	_ =	strace s2  }
0x97: {  	_ =	strace $0x8FFFFFFF  }
0x98: {  	s18 =	sld [smem:$0x3FDB];
	_ =	sdelay $0x1  }
0x99: {  	s19 =	simm.s32 $_scs_section_size  }
0x9a: {  	s4 =	simm.s32 $_size__tile_overlayer_lowered;
	s5 =	simm.s32 $_tile_overlayer_lowered  }
0x9b: {  	s22 =	simm.s32 $0x1BFF;
	s21 =	sshll.u32 s5, $0x1;
	s2 =	sadd.s32 s19, s18  }
0x9c: {  	s6 =	simm.s32 $0x0;
	s20 =	sshll.u32 s4, $0x1;
	s4 =	sadd.s32 s21, s2  }
0x9d: {  	[timem:s6], [sflag:s22] =	dma.local [hbm:s4], s20  }
0x9e: {  	_ =	swait.ge [sflag:s22], s20  }
0x9f: {  	s3 =	ssub.s32 $0x0, s20;
	[sflag:s22] =	ssyncset.done $0x0  }
0xa0: {  	[sflag:s22] =	ssyncadd.s32 s3;
	_ =	sdelay $0x1  }
0xa1: {  	s23 =	simm.s32 $0x1B8B  }
0xa2: {  	_ =	swait.ge [sflag:s23], $0x1  }
0xa3: {  	[sflag:s23] =	ssyncset.done $0x0  }
0xa4: {  	s25 =	simm.s32 $0x1B8E;
	s24 =	sld [smem:$0x3FFE];
	[sflag:s23] =	ssyncadd.s32 $0xFFFFFFFF  }
0xa5: {  	s26 =	simm.s32 $execute0_lowered;
	[smem:$0x3FD2] =	sst s25  }
0xa6: {  	s4 =	sshll.u32 s26, $0x1;
	_ =	strace $0x80000046;
	[dreg:$0x1] =	wrdreg $0xFFFFFFFF  }
0xa7: {  	s28 =	simm.s32 $_size_execute0_lowered;
	s2 =	sadd.s32 s2, s4;
	[dreg:$0x0] =	wrdreg $0x0  }
0xa8: {  	s4 =	sshll.u32 s28, $0x1;
	[dreg:$0x2] =	wrdreg s2  }
0xa9: {  	[dreg:$0x3] =	wrdreg s4  }
0xaa: {  	[dreg:$0x4] =	wrdreg $0xC0  }
0xab: {  	_ =	task [dreg:s6], $0x5FFFF  }
0xac: {  	[dreg:$0x1] =	wrdreg $0xFFFFFFFF  }
0xad: {  	[dreg:$0x0] =	wrdreg $0x60  }
0xae: {  	[dreg:$0x2] =	wrdreg s24  }
0xaf: {  	[dreg:$0x3] =	wrdreg $0x9  }
0xb0: {  	_ =	task.clear_ibuf [dreg:s6], $0x4FFFF;
	_ =	strace $0x90000046  }
0xb1: {  	s29 =	simm.s32 $0x9;
	_ =	strace $0x80000048  }
0xb2: {  	_ =	swait.ge [sflag:s29], $0x1  }
0xb3: {  	[sflag:s29] =	ssyncadd.s32 $0xFFFFFFFF  }
0xb4: {  	_ =	strace $0x90000048  }
0xb5: {  	_ =	sfence  }
0xb6: {  	s30 =	sld [smem:$0x0];
	_ =	sdelay $0x2  }
0xb7: {  	s31 =	sshll.u32 s1, $0xD;
	s1 =	sshrl.u32 s1, $0x2  }
0xb8: {  	s3 =	sand.u32 $0x4000, s31;
	s1 =	sadd.s32 s1, s30  }
0xb9: {  	s0 =	sor.u32 s3, s0;
	s1 =	sshll.u32 s1, $0x11  }
0xba: {  	s0 =	sor.u32 s1, s0  }
0xbb: {  	s0 =	sadd.s32 $0x8F2B, s0  }
0xbc: {  	[sflag:s0] =	ssyncadd.remote.s32 $0x1  }
0xbd: {  	_ =	sfence.sel $0xFFFF  }
0xbe: {  	[dreg:$0x0] =	wrdreg $0xFFFFFFFF;
	(pc) =	sbr.abs _section_cstart, $3  }
0xbf: {  	[dreg:$0x1] =	wrdreg $0xFFFFFFFF  }
0xc0: {  	_ =	task.clear_ibuf [dreg:s6], $0x2FFFF;
	_ =	strace $0x9FFFFFFF  }
0xc1: {  	(tm) =	ssettm $0x7FFFFFFF  }
tec
execute0_lowered:
.L_overlay_start_1:
0x0: {  	(tag) =	ssettag $0x1  }
0x1: {  	s0 =	srdreg.scid;
	s4 =	rddreg [dreg:$0x0]  }
0x2: {  	s1 =	stileid.u32;
	s2 =	simm.s32 $0x0;
	s10 =	simm.s32 $0x8000  }
0x3: {  	s11 =	simm.s32 $0x1;
	s12 =	simm.s32 $0x2;
	s13 =	simm.s32 $0x10000  }
0x4: {  	s14 =	simm.s32 $0x3;
	s3 =	sand.u32 $0x1, s0;
	s0 =	rddreg [dreg:$0x1]  }
0x5: {  	s15 =	simm.s32 $0x10080;
	s16 =	simm.s32 $0x0;
	[smem:$0x7FF] =	sst s2  }
0x6: {  	s7 =	sshll.u32 s1, $0x4;
	s5 =	sshll.u32 s3, $0x4;
	_ =	strace $0x80000047  }
0x7: {  	s7 =	sand.u32 $0x70, s7;
	s3 =	ssub.s32 $0x2, s3;
	s5 =	sor.u32 s1, s5  }
0x8: {  	s31 =	sshrl.u32 s3, $0x1;
	s6 =	sshll.u32 s5, $0x4;
	s5 =	sshll.u32 s5, $0xE  }
0x9: {  	s9 =	ssub.s32 s3, s31;
	s6 =	sand.u32 $0x180, s6;
	s30 =	sadd.s32 s5, s4  }
0xa: {  	s9 =	smax.u32 s9, $0x1;
	s6 =	sor.u32 s7, s6;
	s3 =	sadd.s32 $0xC00, s30  }
0xb: {  	s5 =	sadd.s32 $0x2C00, s30;
	s8 =	sadd.s32 s6, s4;
	s4 =	sadd.s32 $0x1C00, s30  }
0xc: {  	v0 =	vimm.f32 $0.0e+00;
	s6 =	sadd.s32 $0x3C00, s30;
	s7 =	sadd.s32 $0x80C00, s8;
	s8 =	sadd.s32 $0x80E00, s8  }
.LBB2_1:
0xd: {  	[tilespmem:s2], [sflag:$0x1] =	stream.linear.gather [hbm4b:s3+s2], $0x8000, $0x38;
	[tilespmem:$0x10100] =	vst v63  }
0xe: {  	_ = 	snop  }
0xf: {  	[tilespmem:s10], [sflag:$0x2] =	stream.linear.gather [hbm4b:s4+s2], $0x8000, $0x38;
	[tilespmem:$0x10100] =	vst v63  }
0x10: {  	_ =	swait.ge [sflag:s11], $0x8000  }
0x11: {  	[sflag:s11] =	ssyncset.done $0x0  }
0x12: {  	s17 =	simm.s32 $0x100;
	[sflag:s11] =	ssyncadd.s32 $0xFFFF8000  }
0x13: {  	v5 =	vld [tilespmem:s17+$0xFFFFFF10]  }
0x14: {  	v3 =	vld [tilespmem:s17+$0xB0]  }
0x15: {  	v6 =	vld [tilespmem:s17+$0xA0]  }
0x16: {  	v19 =	vld [tilespmem:s17+$0xFFFFFFB0]  }
0x17: {  	v21 =	vld [tilespmem:s17+$0xFFFFFF80]  }
0x18: {  	v22 =	vld [tilespmem:s17+$0xFFFFFF90]  }
0x19: {  	v23 =	vld [tilespmem:s17+$0xFFFFFFA0]  }
0x1a: {  	v9 =	vld [tilespmem:s17+$0x20]  }
0x1b: {  	v7 =	vld [tilespmem:s17+$0x30]  }
0x1c: {  	v24 =	vld [tilespmem:s17+$0xFFFFFF30]  }
0x1d: {  	v25 =	vld [tilespmem:s17+$0xFFFFFF00];
	v1 =	vmul.f32 $1.442695020e+00, v5  }
0x1e: {  	v26 =	vld [tilespmem:s17+$0xFFFFFF20];
	v4 =	vmul.f32 $1.442695020e+00, v3;
	v10 =	vmax.f32 v21, v22;
	v11 =	vmax.f32 v23, v19  }
0x1f: {  	v29 =	vld [tilespmem:s17+$0x90];
	v10 =	vmax.f32 v10, v11;
	(erf) = vpow2.f32 v1;
	v1 =	vmul.f32 $1.442695020e+00, v9  }
0x20: {  	v30 =	vld [tilespmem:s17+$0x80];
	v8 =	vmul.f32 $1.442695020e+00, v6;
	(xrf0) =	vmax.scan.msk.f32 $0xffff, v10;
	(erf) = vpow2.f32 v4  }
0x21: {  	v2 =	vld [tilespmem:s17+$0x10];
	(erf) = vpow2.f32 v1  }
0x22: {  	v20 =	vld [tilespmem:s17+$0x0];
	v4 =	vmul.f32 $1.442695020e+00, v7;
	(erf) = vpow2.f32 v8  }
0x23: {  	v13 =	vmax.f32 v25, v5;
	v16 =	vmax.f32 v26, v24  }
0x24: {  	v18 =	vmax.f32 v6, v3;
	v1 =	vmul.f32 $1.442695020e+00, v19;
	(erf) = vpow2.f32 v4  }
0x25: {  	v28 =	vmax.f32 v30, v29;
	v11 =	vmul.f32 $1.442695020e+00, v22;
	v13 =	vmax.f32 v13, v16  }
0x26: {  	v34 =	vmax.f32 v9, v7;
	v4 =	vmul.f32 $1.442695020e+00, v2;
	(erf) = vpow2.f32 v1;
	v31, _, _ =	vpop (xrf0);
	(xrf0) =	vmax.scan.msk.f32 $0xffff, v13  }
0x27: {  	v18 =	vmax.f32 v28, v18;
	v8 =	vmul.f32 $1.442695020e+00, v20;
	v1 =	vmul.f32 $1.442695020e+00, v24  }
0x28: {  	v35 =	vmax.f32 v20, v2;
	(erf) = vpow2.f32 v4;
	v4 =	vmul.f32 $1.442695020e+00, v21;
	(xrf0) =	vmax.scan.msk.f32 $0xffff, v18;
	v10 =	vpop (erf)  }
0x29: {  	v28 =	vmax.f32 v35, v34;
	(erf) = vpow2.f32 v8;
	v8 =	vmul.f32 $1.442695020e+00, v25;
	v27 =	vpop (erf)  }
0x2a: {  	v54 =	vbroadcast v31, $0xF;
	(xrf0) =	vmax.scan.msk.f32 $0xffff, v28;
	(erf) = vpow2.f32 v1;
	v14 =	vpop (erf)  }
0x2b: {  	(erf) = vpow2.f32 v4;
	v4 =	vmul.f32 $1.442695020e+00, v26;
	v60 =	vpop (erf)  }
0x2c: {  	(erf) = vpow2.f32 v8;
	v8 =	vmul.f32 $1.442695020e+00, v29;
	v37, _, _ =	vpop (xrf0)  }
0x2d: {  	(erf) = vpow2.f32 v11;
	v11 =	vmul.f32 $1.442695020e+00, v23;
	v15 =	vpop (erf)  }
0x2e: {  	vm3 =	veq.f32 v23, v54;
	(erf) = vpow2.f32 v4;
	v23, _, _ =	vpop (xrf0)  }
0x2f: {  	(erf) = vpow2.f32 v8;
	v4 =	vpop (erf)  }
0x30: {  	v58, _, _ =	vpop (xrf0);
	(erf) = vpow2.f32 v11  }
0x31: {  	v11 =	vpop (erf)  }
0x32: {  	v12 =	vpop (erf)  }
0x33: {  	v1 =	vpop (erf)  }
0x34: {  	v17 =	vpop (erf)  }
0x35: {  	v8 =	vmul.f32 $1.442695020e+00, v30;
	v16 =	vpop (erf)  }
0x36: {  	vm0 =	veq.f32 v21, v54;
	vm1 =	veq.f32 v22, v54;
	v57 =	vbroadcast v37, $0xF;
	v13 =	vpop (erf)  }
0x37: {  	v33 =	vadd.f32 v15, v14;
	(erf) = vpow2.f32 v8;
	v32 =	vadd.f32 v11, v12;
	v18 =	vpop (erf)  }
0x38: {  	vm2 =	veq.f32 v19, v54;
	v19 =	vsel vm1, $0x3F800000, v0;
	v34 =	vsel vm3, $0x3F800000, v0;
	v28 =	vpop (erf)  }
0x39: {  	v37 =	vbroadcast v58, $0xF;
	vm1 =	veq.f32 v24, v57;
	v32 =	vadd.f32 v33, v32;
	v31 =	vpop (erf)  }
0x3a: {  	vm4 =	veq.f32 v26, v57;
	v55 =	vadd.f32 v13, v17;
	v36 =	vadd.f32 v4, v31  }
0x3b: {  	s31 =	simm.s32 $0x300;
	vm3 =	veq.f32 v5, v57;
	v24 =	vsel vm4, $0x3F800000, v0;
	v21 =	vadd.f32 v10, v16;
	(xrf2) =	vadd.scan.msk.f32 $0xffff, v32  }
0x3c: {  	v42 =	vld [tilespmem:s31+$0xFFFFFF30];
	v26 =	vsel vm3, $0x3F800000, v0;
	v38 =	vadd.f32 v1, v18;
	v22 =	vadd.f32 v36, v55  }
0x3d: {  	v39 =	vld [tilespmem:s31+$0x90];
	vm3 =	veq.f32 v20, v37;
	vm4 =	veq.f32 v9, v37;
	vm6 =	veq.f32 v7, v37  }
0x3e: {  	v7 =	vsel vm2, $0x3F800000, v0;
	vm2 =	veq.f32 v2, v37;
	v37 =	vld [tilespmem:s31+$0xFFFFFFA0];
	v21 =	vadd.f32 v38, v21;
	(xrf2) =	vadd.scan.msk.f32 $0xffff, v22  }
0x3f: {  	v47 =	vld [tilespmem:s31+$0xFFFFFF00];
	v53 =	vadd.f32 v27, v60  }
0x40: {  	v48 =	vld [tilespmem:s31+$0xFFFFFF20];
	v32 =	vpop (erf);
	v22 =	vbroadcast v23, $0xF;
	v23 =	vsel vm0, $0x3F800000, v0;
	vm0 =	veq.f32 v25, v57;
	(xrf2) =	vadd.scan.msk.f32 $0xffff, v21  }
0x41: {  	v5 =	vsel vm1, $0x3F800000, v0;
	v56 =	vadd.f32 v28, v32;
	v21 =	vsel vm0, $0x3F800000, v0  }
0x42: {  	v49 =	vmul.f32 $1.442695020e+00, v42;
	v35 =	vld [tilespmem:s31+$0xFFFFFF10];
	v25 =	vadd.f32 v5, v0;
	v5 =	vadd.f32 v21, v0  }
0x43: {  	v54 =	vmul.f32 $1.442695020e+00, v39;
	v46 =	vmul.f32 $1.442695020e+00, v37  }
0x44: {  	v55 =	vmul.f32 $1.442695020e+00, v47;
	v59 =	vadd.f32 v53, v56;
	v23 =	vadd.f32 v23, v5  }
0x45: {  	v57 =	vmul.f32 $1.442695020e+00, v48;
	v21 =	vadd.f32 v24, v0;
	vm5 =	veq.f32 v6, v22;
	v6 =	vld [tilespmem:s31+$0x30];
	v24, _, _ =	vpop (xrf2)  }
0x46: {  	v9 =	vld [tilespmem:s31+$0x20];
	vm1 =	veq.f32 v30, v22;
	vm0 =	veq.f32 v29, v22;
	v20 =	vbroadcast v24, $0xF  }
0x47: {  	v33 =	vld [tilespmem:s31+$0xB0];
	v7 =	vadd.f32 v7, v25;
	v25 =	vmul.f32 $1.442695020e+00, v35;
	v24 =	vsel vm3, $0x3F800000, v0  }
0x48: {  	v36 =	vld [tilespmem:s31+$0x0];
	v21 =	vadd.f32 v34, v21;
	(erf) = vrcp.f32 v20;
	v20 =	vadd.f32 v24, v23;
	v23, _, _ =	vpop (xrf2)  }
0x49: {  	v5 =	vld [tilespmem:s31+$0xA0];
	vm3 =	veq.f32 v3, v22;
	v22 =	vadd.f32 v26, v0;
	(xrf2) =	vadd.scan.msk.f32 $0xffff, v59;
	v2 =	vbroadcast v23, $0xF  }
0x4a: {  	v30 =	vld [tilespmem:s31+$0xFFFFFFB0];
	v24 =	vsel vm6, $0x3F800000, v0;
	v41 =	vmul.f32 $1.442695020e+00, v6;
	v23 =	vsel vm4, $0x3F800000, v0;
	v26, _, _ =	vpop (xrf2)  }
0x4b: {  	v3 =	vld [tilespmem:s31+$0x10];
	v23 =	vadd.f32 v23, v21;
	(erf) = vrcp.f32 v2;
	v2 =	vbroadcast v26, $0xF  }
0x4c: {  	v34 =	vld [tilespmem:s31+$0xFFFFFF90];
	v21 =	vadd.f32 v24, v7;
	v7 =	vmul.f32 $1.442695020e+00, v33;
	(erf) = vpow2.f32 v25  }
0x4d: {  	v26 =	vld [tilespmem:s31+$0xFFFFFF80];
	(erf) = vrcp.f32 v2;
	v2 =	vmul.f32 $1.442695020e+00, v9  }
0x4e: {  	v24 =	vmul.f32 $1.442695020e+00, v5;
	(erf) = vpow2.f32 v7  }
0x4f: {  	v38 =	vld [tilespmem:s31+$0x80];
	v63 =	vsel vm1, $0x3F800000, v0;
	v40 =	vsel vm3, $0x3F800000, v0;
	(erf) = vpow2.f32 v2  }
0x50: {  	v19 =	vadd.f32 v19, v22;
	v43 =	vmax.f32 v9, v6;
	(erf) = vpow2.f32 v24  }
0x51: {  	v51 =	vmax.f32 v37, v30;
	v7 =	vmul.f32 $1.442695020e+00, v3;
	v24 =	vmul.f32 $1.442695020e+00, v30  }
0x52: {  	v44 =	vmax.f32 v36, v3;
	v61 =	vmax.f32 v26, v34;
	(erf) = vpow2.f32 v41;
	v41 =	vpop (erf)  }
0x53: {  	v52 =	vmul.f32 $1.442695020e+00, v34;
	v50, _, _ =	vpop (xrf2);
	(erf) = vpow2.f32 v24;
	v24 =	vmax.f32 v61, v51  }
0x54: {  	v43 =	vmax.f32 v44, v43;
	v44 =	vmul.f32 $1.442695020e+00, v38;
	v2 =	vmul.f32 $1.442695020e+00, v36;
	(xrf0) =	vmax.scan.msk.f32 $0xffff, v24;
	v53 =	vpop (erf)  }
0x55: {  	v51 =	vmax.f32 v47, v35;
	v24 =	vmax.f32 v48, v42;
	(erf) = vpow2.f32 v7;
	v7 =	vpop (erf)  }
0x56: {  	v45 =	vmul.f32 $1.442695020e+00, v26;
	v24 =	vmax.f32 v51, v24;
	(erf) = vpow2.f32 v2;
	v56 =	vpop (erf)  }
0x57: {  	v22 =	vsel vm2, $0x3F800000, v0;
	v59 =	vmul.f32 v41, v12;
	(xrf0) =	vmax.scan.msk.f32 $0xffff, v24;
	(erf) = vpow2.f32 v49;
	v61 =	vpop (erf)  }
0x58: {  	v29 =	vmax.f32 v5, v33;
	v58 =	vmul.f32 v53, v17;
	(erf) = vpow2.f32 v45;
	v17 =	vpop (erf)  }
0x59: {  	v25 =	vsel vm5, $0x3F800000, v0;
	v24 =	vmul.f32 v41, v14;
	(erf) = vpow2.f32 v55;
	v12 =	vpop (erf)  }
0x5a: {  	(erf) = vpow2.f32 v52;
	v52 =	vadd.f32 v63, v20;
	v20 =	vmul.f32 v41, v15;
	v15, _, _ =	vpop (xrf0)  }
0x5b: {  	v49 =	vmax.f32 v38, v39;
	v62 =	vmul.f32 v56, v10;
	v2 =	vpop (erf);
	(erf) = vpow2.f32 v57  }
0x5c: {  	v49 =	vmax.f32 v49, v29;
	v29 =	vmul.f32 v56, v18;
	v57 =	vbroadcast v50, $0xF;
	v14 =	vpop (erf)  }
0x5d: {  	v40 =	vadd.f32 v40, v21;
	(erf) = vpow2.f32 v54;
	v54 =	vbroadcast v15, $0xF;
	v51, _, _ =	vpop (xrf0)  }
0x5e: {  	v50 =	vadd.f32 v25, v23;
	v15 =	vmul.f32 v56, v16;
	(erf) = vpow2.f32 v46;
	v21 =	vpop (erf)  }
0x5f: {  	(xrf0) =	vmax.scan.msk.f32 $0xffff, v49;
	v25 =	vmul.f32 v41, v11;
	v46 =	vadd.f32 v62, v0;
	(erf) = vpow2.f32 v44;
	v16 =	vpop (erf)  }
0x60: {  	vm3 =	veq.f32 v26, v54;
	v26 =	vmul.f32 v53, v4;
	v4 =	vadd.f32 v15, v0;
	v18 =	vpop (erf)  }
0x61: {  	(xrf0) =	vmax.scan.msk.f32 $0xffff, v43;
	vm1 =	veq.f32 v30, v54;
	v30 =	vadd.f32 v2, v17;
	v11 =	vadd.f32 v21, v16;
	v23 =	vpop (erf)  }
0x62: {  	v63 =	vmul.f32 v53, v13;
	[tilespmem:$0x1FFF0] =	vst v2;
	v2 =	vimm.f32 $0.0e+00;
	v62 =	vadd.f32 v58, v4;
	v15 =	vpop (erf)  }
0x63: {  	(erf) = vrcp.f32 v57;
	v4 =	vadd.f32 v30, v11;
	v11 =	vadd.f32 v22, v19;
	v8 =	vpop (erf)  }
0x64: {  	v45 =	vadd.f32 v61, v12;
	v51 =	vbroadcast v51, $0xF;
	v30 =	vsel vm0, $0x3F800000, v2;
	v22 =	vpop (erf)  }
0x65: {  	vm2 =	veq.f32 v37, v54;
	v41 =	vadd.f32 v30, v11;
	v30 =	vadd.f32 v63, v46;
	v46, _, _ =	vpop (xrf0)  }
0x66: {  	v37 =	vmul.f32 v56, v1;
	v57 =	vsel vm3, $0x3F800000, v2;
	vm3 =	veq.f32 v48, v51;
	(xrf2) =	vadd.scan.msk.f32 $0xffff, v4;
	v58 =	vpop (erf)  }
0x67: {  	vm0 =	veq.f32 v34, v54;
	v34 =	vadd.f32 v59, v62;
	v54 =	vsel vm2, $0x3F800000, v2;
	v63, _, _ =	vpop (xrf0)  }
0x68: {  	vm2 =	veq.f32 v35, v51;
	v19 =	vadd.f32 v7, v15;
	v55 =	vadd.f32 v18, v22;
	v11 =	vpop (erf)  }
0x69: {  	v43 =	vadd.f32 v8, v23;
	v46 =	vbroadcast v46, $0xF;
	v59 =	vadd.f32 v14, v11;
	v62 =	vpop (erf)  }
0x6a: {  	v44 =	vbroadcast v63, $0xF;
	v49 =	vadd.f32 v55, v19;
	v55 =	vadd.f32 v58, v62  }
0x6b: {  	v19 =	vsel vm0, $0x3F800000, v2;
	vm0 =	veq.f32 v47, v51;
	vm4 =	veq.f32 v33, v46  }
0x6c: {  	v56 =	vadd.f32 v59, v43;
	v43 =	vsel vm2, $0x3F800000, v2;
	v55 =	vadd.f32 v45, v55;
	v45 =	vpop (erf)  }
0x6d: {  	vm2 =	veq.f32 v38, v46;
	v35 =	vmul.f32 v45, v27;
	v27 =	vsel vm0, $0x3F800000, v2  }
0x6e: {  	vm0 =	veq.f32 v42, v51;
	v51 =	vsel vm3, $0x3F800000, v2;
	vm3 =	veq.f32 v36, v44;
	(xrf2) =	vadd.scan.msk.f32 $0xffff, v56  }
0x6f: {  	v42 =	vsel vm0, $0x3F800000, v2;
	v27 =	vadd.f32 v27, v52;
	v59 =	vadd.f32 v51, v50  }
0x70: {  	vm0 =	veq.f32 v39, v46;
	v39 =	vmul.f32 v53, v31;
	v47 =	vsel vm3, $0x3F800000, v2;
	v63, _, _ =	vpop (xrf2)  }
0x71: {  	v31 =	vimm.f32 $0.0e+00;
	v42 =	vadd.f32 v42, v40;
	v38 =	vbroadcast v63, $0xF  }
0x72: {  	(xrf2) =	vadd.scan.msk.f32 $0xffff, v49;
	v40 =	vmul.f32 v45, v32;
	v36 =	vadd.f32 v54, v59;
	v48 =	vadd.f32 v57, v27  }
0x73: {  	s18 =	simm.s32 $0x500;
	s17 =	simm.s32 $0x4;
	v0 =	vmovc v7;
	(xrf2) =	vadd.scan.msk.f32 $0xffff, v55;
	v27 =	vimm.f32 $0.0e+00;
	(erf) = vrcp.f32 v38;
	v38 =	vmul.f32 v45, v28  }
.LBB2_2:
0x74: {  	v33 =	vld [tilespmem:s18+$0xFFFFFF10]  }
0x75: {  	vm6 =	veq.f32 v9, v44;
	v32 =	vld [tilespmem:s18+$0x80]  }
0x76: {  	vm5 =	veq.f32 v5, v46;
	v9 =	vadd.f32 v29, v31;
	v29 =	vadd.f32 v47, v48;
	v28 =	vld [tilespmem:s18+$0xB0]  }
0x77: {  	vm7 =	veq.f32 v6, v44;
	v41 =	vadd.f32 v43, v41;
	v13 =	vimm.f32 $0.0e+00;
	v5 =	vld [tilespmem:s18+$0xA0]  }
0x78: {  	vm3 =	veq.f32 v3, v44;
	v27 =	vadd.f32 v37, v27;
	v49 =	vld [tilespmem:s18+$0xFFFFFFB0];
	v34 =	vadd.f32 v40, v34;
	v3, _, _ =	vpop (xrf2)  }
0x79: {  	v1 =	vmovc v12;
	v51 =	vld [tilespmem:s18+$0xFFFFFF80];
	v25 =	vadd.f32 v25, v30;
	v6 =	vsel vm1, $0x3F800000, v13;
	v12 =	vbroadcast v3, $0xF  }
0x7a: {  	v54 =	vld [tilespmem:s18+$0xFFFFFFA0];
	[tilespmem:$0x1FFC0] =	vst v1;
	v1 =	vsel vm6, $0x3F800000, v13;
	v47 =	vsel vm5, $0x3F800000, v13;
	v48 =	vsel vm4, $0x3F800000, v13  }
0x7b: {  	v39 =	vadd.f32 v39, v9;
	v42 =	vadd.f32 v6, v42;
	v9 =	vld [tilespmem:s18+$0x20];
	(erf) = vrcp.f32 v12  }
0x7c: {  	v40 =	vld [tilespmem:s18+$0xFFFFFF30];
	v26 =	vadd.f32 v26, v27;
	v25 =	vadd.f32 v38, v25;
	v2 =	vmul.f32 $1.442695020e+00, v33  }
0x7d: {  	v3 =	vld [tilespmem:s18+$0x10];
	v19 =	vadd.f32 v19, v41;
	v31 =	vmul.f32 v45, v60;
	v60 =	vsel vm7, $0x3F800000, v13;
	v63, _, _ =	vpop (xrf2)  }
0x7e: {  	v6 =	vld [tilespmem:s18+$0x30];
	v12 =	vadd.f32 v24, v39;
	(erf) = vpow2.f32 v2;
	v44 =	vbroadcast v63, $0xF  }
0x7f: {  	v45 =	vadd.f32 v1, v36;
	v36 =	vld [tilespmem:s18+$0x0];
	v24 =	vmul.f32 $1.442695020e+00, v28;
	v50 =	vmul.f32 $1.442695020e+00, v5  }
0x80: {  	v43 =	vld [tilespmem:s18+$0xFFFFFF20];
	v31 =	vadd.f32 v31, v12;
	v12 =	vmul.f32 $1.442695020e+00, v9;
	v37 =	vpop (erf);
	(erf) = vrcp.f32 v44  }
0x81: {  	v46 =	vadd.f32 v60, v42;
	v56 =	vmul.f32 $1.442695020e+00, v51;
	v44 =	vld [tilespmem:s18+$0xFFFFFF90];
	(erf) = vpow2.f32 v24  }
0x82: {  	v39 =	vld [tilespmem:s18+$0x90];
	v1 =	vmax.f32 v54, v49;
	v59 =	vmul.f32 $1.442695020e+00, v32;
	(erf) = vpow2.f32 v12  }
0x83: {  	v42 =	vld [tilespmem:s18+$0xFFFFFF00];
	v55 =	vmul.f32 $1.442695020e+00, v3;
	v30 =	vmul.f32 $1.442695020e+00, v6;
	v24 =	vmax.f32 v9, v6  }
0x84: {  	v12 =	vadd.f32 v20, v26;
	v20 =	vmax.f32 v36, v3;
	v38 =	vpop (erf);
	(erf) = vpow2.f32 v50  }
0x85: {  	v63 =	vmul.f32 $1.442695020e+00, v43;
	v57 =	vmax.f32 v20, v24;
	v20 =	vmul.f32 $1.442695020e+00, v49  }
0x86: {  	[tilespmem:$0x1FFD0] =	vst v11;
	v11 =	vmovc v61;
	v27 =	vadd.f32 v35, v12;
	(erf) = vpow2.f32 v30;
	v12 =	vmax.f32 v51, v44  }
0x87: {  	[tilespmem:$0x1FFE0] =	vst v58;
	v61 =	vmul.f32 $1.442695020e+00, v39;
	v12 =	vmax.f32 v12, v1;
	v24 =	vpop (erf);
	(erf) = vpow2.f32 v20  }
0x88: {  	v7 =	vmovc v62;
	v58 =	vmax.f32 v42, v33;
	v26 =	vmul.f32 $1.442695020e+00, v36;
	v30 =	vmul.f32 $1.442695020e+00, v40;
	(xrf0) =	vmax.scan.msk.f32 $0xffff, v12  }
0x89: {  	v4 =	vmul.f32 v38, v23;
	v12 =	vmax.f32 v43, v40;
	v60 =	vpop (erf);
	(erf) = vpow2.f32 v55  }
0x8a: {  	v55 =	vpop (erf);
	(erf) = vpow2.f32 v26;
	v26 =	vmax.f32 v58, v12;
	v23 =	vmul.f32 v60, v0;
	v0 =	vld [tilespmem:$0x1FFF0]  }
0x8b: {  	v52 =	vmax.f32 v5, v28;
	v62 =	vmul.f32 $1.442695020e+00, v42;
	v2 =	vpop (erf);
	(erf) = vpow2.f32 v30;
	(xrf0) =	vmax.scan.msk.f32 $0xffff, v26  }
0x8c: {  	v47 =	vadd.f32 v47, v45;
	v53, _, _ =	vpop (xrf2);
	v50 =	vmul.f32 $1.442695020e+00, v44;
	(erf) = vpow2.f32 v56  }
0x8d: {  	v35 =	vmul.f32 $1.442695020e+00, v54;
	v20 =	vmax.f32 v32, v39;
	v12 =	vpop (erf);
	(erf) = vpow2.f32 v62  }
0x8e: {  	v30 =	vmax.f32 v20, v52;
	v52 =	vmul.f32 v37, v16;
	v16, _, _ =	vpop (xrf0);
	(erf) = vpow2.f32 v50  }
0x8f: {  	v48 =	vadd.f32 v48, v46;
	v20 =	vmul.f32 v37, v0;
	v0 =	vpop (erf);
	(erf) = vpow2.f32 v63  }
0x90: {  	v10 =	vmov v24;
	v24 =	vmul.f32 v37, v17;
	v46 =	vpop (erf);
	(erf) = vpow2.f32 v61  }
0x91: {  	v1 =	vsel vm2, $0x3F800000, v13;
	v15 =	vmul.f32 v60, v15;
	(erf) = vpow2.f32 v35;
	v35, _, _ =	vpop (xrf0)  }
0x92: {  	v1 =	vadd.f32 v1, v29;
	v29 =	vmul.f32 v60, v22;
	v17 =	vbroadcast v16, $0xF;
	v58 =	vpop (erf)  }
0x93: {  	v22 =	vbroadcast v53, $0xF;
	v26 =	vmul.f32 v38, v14;
	v14 =	vadd.f32 v15, v34;
	v16 =	vpop (erf)  }
0x94: {  	v56 =	vadd.f32 v55, v12;
	v50 =	vadd.f32 v23, v25;
	vm1 =	veq.f32 v49, v17;
	v49 =	vpop (erf)  }
0x95: {  	v25 =	vmul.f32 v37, v21;
	v53 =	vadd.f32 v0, v2;
	(erf) = vpow2.f32 v59;
	v23 =	vpop (erf)  }
0x96: {  	v21 =	vsel vm3, $0x3F800000, v13;
	vm2 =	veq.f32 v51, v17;
	v51 =	vadd.f32 v58, v16;
	v15 =	vpop (erf)  }
0x97: {  	v4 =	vadd.f32 v4, v14;
	v14 =	vmul.f32 v38, v8;
	(xrf0) =	vmax.scan.msk.f32 $0xffff, v30;
	(erf) = vrcp.f32 v22;
	v8 =	vpop (erf)  }
0x98: {  	v19 =	vadd.f32 v21, v19;
	v21 =	vadd.f32 v53, v51;
	v22 =	vpop (erf)  }
0x99: {  	v37 =	vmul.f32 v60, v18;
	vm3 =	veq.f32 v54, v17;
	v30 =	vsel vm0, $0x3F800000, v13;
	(xrf0) =	vmax.scan.msk.f32 $0xffff, v57;
	v53 =	vpop (erf)  }
0x9a: {  	v34 =	vadd.f32 v52, v4;
	v41 =	vadd.f32 v30, v19;
	v62 =	vbroadcast v35, $0xF;
	(xrf2) =	vadd.scan.msk.f32 $0xffff, v21;
	v54 =	vpop (erf)  }
0x9b: {  	vm0 =	veq.f32 v44, v17;
	v59 =	vadd.f32 v8, v23;
	v4 =	vadd.f32 v46, v54  }
0x9c: {  	v30 =	vadd.f32 v14, v50;
	v17 =	vmovc v2;
	v14 =	vmovc v46;
	v19 =	vsel vm0, $0x3F800000, v13;
	vm0 =	veq.f32 v42, v62  }
0x9d: {  	v51 =	vsel vm3, $0x3F800000, v13;
	vm3 =	veq.f32 v40, v62;
	v21, _, _ =	vpop (xrf0);
	v4 =	vadd.f32 v4, v59  }
0x9e: {  	v18 =	vadd.f32 v10, v15;
	v40 =	vsel vm3, $0x3F800000, v13;
	v61 =	vadd.f32 v49, v22;
	v50 =	vpop (erf)  }
0x9f: {  	v42 =	vadd.f32 v40, v48;
	v46 =	vbroadcast v21, $0xF;
	v21, _, _ =	vpop (xrf0);
	(xrf2) =	vadd.scan.msk.f32 $0xffff, v4;
	v4 =	vsel vm0, $0x3F800000, v13  }
0xa0: {  	v57 =	vsel vm2, $0x3F800000, v13;
	v2 =	vadd.f32 v61, v18;
	v45 =	vpop (erf);
	v1 =	vadd.f32 v4, v1  }
0xa1: {  	s17 =	sadd.s32 $0x4, s17;
	[tilespmem:$0x1FFF0] =	vst v0;
	v0 =	vmovc v10;
	v18 =	vadd.f32 v53, v50;
	v44 =	vbroadcast v21, $0xF;
	v40 =	vmul.f32 v45, v7;
	v7 =	vld [tilespmem:$0x1FFD0]  }
0xa2: {  	p0 =	slt.u32 s17, $0xFC;
	vm2 =	veq.f32 v33, v62;
	v21 =	vmovc v58;
	vm4 =	veq.f32 v28, v46;
	v48 =	vadd.f32 v57, v1;
	v1 =	vld [tilespmem:$0x1FFE0]  }
.Ltmp0:
0xa3: {  	v58 =	vmovc v53;
	v56 =	vadd.f32 v56, v18;
	vm3 =	veq.f32 v36, v44;
	vm0 =	veq.f32 v43, v62;
	(pc) =	sbr.rel @p0 .LBB2_2-.Ltmp0, $4  }
0xa4: {  	v35 =	vmul.f32 v45, v11;
	v43 =	vsel vm2, $0x3F800000, v13;
	v63 =	vsel vm0, $0x3F800000, v13;
	v4, _, _ =	vpop (xrf2)  }
0xa5: {  	v61 =	vmovc v55;
	vm2 =	veq.f32 v32, v46;
	(xrf2) =	vadd.scan.msk.f32 $0xffff, v2;
	v2 =	vadd.f32 v63, v47;
	v4 =	vbroadcast v4, $0xF  }
0xa6: {  	v11 =	vmovc v54;
	v62 =	vmovc v50;
	vm0 =	veq.f32 v39, v46;
	v47 =	vsel vm3, $0x3F800000, v13;
	v39 =	vmul.f32 v38, v7  }
0xa7: {  	s18 =	sadd.s32 $0x200, s18;
	v60 =	vld [tilespmem:$0x1FFC0];
	v18 =	vmovc v49;
	(xrf2) =	vadd.scan.msk.f32 $0xffff, v56;
	v36 =	vadd.f32 v51, v2;
	(erf) = vrcp.f32 v4;
	v38 =	vmul.f32 v45, v1  }
0xa8: {  	_ =	sdelay $0x6  }
0xa9: {  	v1, _, _ =	vpop (xrf2)  }
0xaa: {  	v1 =	vbroadcast v1, $0xF;
	v2, _, _ =	vpop (xrf2)  }
0xab: {  	v2 =	vbroadcast v2, $0xF;
	v4, _, _ =	vpop (xrf2)  }
0xac: {  	(erf) = vrcp.f32 v1;
	v1 =	vbroadcast v4, $0xF  }
0xad: {  	(erf) = vrcp.f32 v2  }
0xae: {  	(erf) = vrcp.f32 v1;
	_ =	sdelay $0x4  }
0xaf: {  	vm3 =	veq.f32 v9, v44  }
0xb0: {  	vm5 =	veq.f32 v5, v46;
	v5 =	vadd.f32 v29, v31;
	v29 =	vadd.f32 v47, v48;
	v1 =	vpop (erf)  }
0xb1: {  	vm6 =	veq.f32 v6, v44;
	v32 =	vadd.f32 v43, v41;
	v7 =	vimm.f32 $0.0e+00;
	v2 =	vpop (erf)  }
0xb2: {  	v27 =	vadd.f32 v37, v27;
	v9 =	vsel vm1, $0x3F800000, v7;
	vm1 =	veq.f32 v3, v44;
	v4 =	vpop (erf)  }
0xb3: {  	[tilespmem:s2], [sflag:$0x1] =	stream.linear.gather [hbm4b:s5+s2], $0x8000, $0x38;
	v28 =	vsel vm6, $0x3F800000, v7;
	v49 =	vsel vm5, $0x3F800000, v7;
	v3 =	vadd.f32 v39, v5;
	v31 =	vpop (erf);
	[tilespmem:$0x10100] =	vst v63  }
0xb4: {  	v50 =	vsel vm4, $0x3F800000, v7;
	v9 =	vadd.f32 v9, v42;
	v26 =	vadd.f32 v26, v27;
	_ =	swait.ge [sflag:s12], $0x8000  }
0xb5: {  	v5 =	vsel vm3, $0x3F800000, v7;
	v7 =	vadd.f32 v25, v30;
	v19 =	vadd.f32 v19, v32;
	[sflag:s12] =	ssyncset.done $0x0  }
0xb6: {  	s17 =	simm.s32 $0x8000;
	v33 =	vadd.f32 v5, v36;
	v6 =	vmul.f32 v45, v60;
	v3 =	vadd.f32 v24, v3;
	v10 =	vld [tilespmem:$0x1FFF0];
	[sflag:s12] =	ssyncadd.s32 $0xFFFF8000  }
0xb7: {  	v24 =	vadd.f32 v28, v9;
	v51 =	vmul.f32 v1, v16;
	v17 =	vmul.f32 v1, v17;
	v36 =	vld [tilespmem:s17+$0x10]  }
0xb8: {  	v3 =	vadd.f32 v6, v3;
	v21 =	vmul.f32 v1, v21;
	v6 =	vmul.f32 v2, v23;
	v28 =	vld [tilespmem:s17+$0x1B0]  }
0xb9: {  	v30 =	vadd.f32 v38, v7;
	v52 =	vmul.f32 v2, v14;
	v22 =	vmul.f32 v4, v22;
	v5 =	vld [tilespmem:s17+$0x1A0]  }
0xba: {  	v23 =	vadd.f32 v40, v34;
	v13 =	vmul.f32 v2, v8;
	v2 =	vmul.f32 v2, v11;
	v9 =	vld [tilespmem:s17+$0x110]  }
0xbb: {  	v27 =	vmul.f32 v4, v0;
	v0 =	vimm.f32 $0.0e+00;
	v3 =	vadd.f32 v22, v3;
	v16 =	vld [tilespmem:s17+$0x120]  }
0xbc: {  	v15 =	vmul.f32 v4, v15;
	v53 =	vld [tilespmem:s17+$0x80];
	v25 =	vmul.f32 v1, v10;
	v10 =	vadd.f32 v20, v26  }
0xbd: {  	v4 =	vmul.f32 v4, v18;
	v12 =	vmul.f32 v31, v12;
	v2 =	vadd.f32 v2, v3;
	v40 =	vld [tilespmem:s17+$0xB0]  }
0xbe: {  	v20 =	vld [tilespmem:s17+$0x130];
	v35 =	vadd.f32 v35, v10;
	v1 =	vmul.f32 $1.442695020e+00, v36;
	v10 =	vsel vm2, $0x3F800000, v0  }
0xbf: {  	v55 =	vld [tilespmem:s17+$0xA0];
	v18 =	vmul.f32 $1.442695020e+00, v28;
	v14 =	vadd.f32 v10, v29;
	v10 =	vmul.f32 $1.442695020e+00, v5  }
0xc0: {  	v54 =	vld [tilespmem:s17+$0x90];
	v2 =	vadd.f32 v17, v2;
	(erf) = vpow2.f32 v1;
	v1 =	vmul.f32 $1.442695020e+00, v16  }
0xc1: {  	v7 =	vld [tilespmem:s17+$0x100];
	v29 =	vmul.f32 $1.442695020e+00, v53;
	v3 =	vadd.f32 v4, v35;
	(erf) = vpow2.f32 v18  }
0xc2: {  	v4 =	vmul.f32 v31, v61;
	v18 =	vadd.f32 v27, v30;
	v30 =	vld [tilespmem:s17+$0x30];
	(erf) = vpow2.f32 v1  }
0xc3: {  	v11 =	vld [tilespmem:s17+$0x0];
	v26 =	vadd.f32 v50, v24;
	v24 =	vmul.f32 $1.442695020e+00, v20;
	(erf) = vpow2.f32 v10  }
0xc4: {  	v27 =	vmax.f32 v55, v40;
	v1 =	vadd.f32 v15, v23;
	v10 =	vmul.f32 $1.442695020e+00, v40  }
0xc5: {  	v15 =	vmul.f32 $1.442695020e+00, v9;
	(erf) = vpow2.f32 v24;
	v24 =	vmax.f32 v53, v54  }
0xc6: {  	v23 =	vmul.f32 $1.442695020e+00, v7;
	(erf) = vpow2.f32 v10;
	v24 =	vmax.f32 v24, v27  }
0xc7: {  	v43 =	vld [tilespmem:s17+$0x20];
	v27 =	vsel vm1, $0x3F800000, v0;
	v10 =	vmul.f32 $1.442695020e+00, v30;
	(erf) = vpow2.f32 v15;
	(xrf0) =	vmax.scan.msk.f32 $0xffff, v24  }
0xc8: {  	v44 =	vld [tilespmem:s17+$0x190];
	v61 =	vadd.f32 v12, v2;
	v12 =	vmax.f32 v11, v36;
	(erf) = vpow2.f32 v23  }
0xc9: {  	v18 =	vadd.f32 v13, v18;
	v23 =	vadd.f32 v6, v1;
	(erf) = vpow2.f32 v10;
	v15 =	vpop (erf)  }
0xca: {  	v1 =	vmul.f32 $1.442695020e+00, v11;
	v10 =	vadd.f32 v27, v19;
	(erf) = vpow2.f32 v29;
	v27 =	vpop (erf)  }
0xcb: {  	v2 =	vadd.f32 v21, v18;
	v24 =	vsel vm0, $0x3F800000, v0;
	v19 =	vmul.f32 $1.442695020e+00, v54;
	v6 =	vpop (erf)  }
0xcc: {  	v21 =	vmax.f32 v43, v30;
	v29 =	vmul.f32 $1.442695020e+00, v43;
	(erf) = vpow2.f32 v1;
	v59 =	vpop (erf)  }
0xcd: {  	v45 =	vld [tilespmem:s17+$0x180];
	v22 =	vmul.f32 $1.442695020e+00, v44;
	v12 =	vmax.f32 v12, v21;
	(erf) = vpow2.f32 v19;
	v57, _, _ =	vpop (xrf0)  }
0xce: {  	v56 =	vmul.f32 $1.442695020e+00, v55;
	v19 =	vadd.f32 v24, v10;
	(xrf0) =	vmax.scan.msk.f32 $0xffff, v12;
	v10 =	vpop (erf);
	(erf) = vpow2.f32 v29  }
0xcf: {  	(erf) = vpow2.f32 v22;
	v24 =	vpop (erf)  }
0xd0: {  	v37 =	vadd.f32 v49, v33;
	(erf) = vpow2.f32 v56;
	v13 =	vpop (erf)  }
0xd1: {  	v8 =	vmul.f32 v31, v62;
	v58 =	vmul.f32 v31, v58;
	v22 =	vadd.f32 v52, v3;
	v17 =	vpop (erf)  }
0xd2: {  	s31 =	simm.s32 $0x8200;
	v49 =	vmax.f32 v7, v9;
	v29 =	vadd.f32 v51, v23;
	v23 =	vmul.f32 $1.442695020e+00, v45;
	v31 =	vpop (erf)  }
0xd3: {  	v47 =	vld [tilespmem:s31+$0x20];
	v48 =	vmax.f32 v16, v20;
	v21 =	vmax.f32 v45, v44;
	v50 =	vadd.f32 v27, v59;
	v18 =	vpop (erf)  }
0xd4: {  	v63 =	vadd.f32 v10, v6;
	v62 =	vadd.f32 v25, v22;
	v25 =	vmax.f32 v5, v28;
	v52, _, _ =	vpop (xrf0)  }
0xd5: {  	(erf) = vpow2.f32 v23;
	v12 =	vadd.f32 v13, v17;
	v21 =	vmax.f32 v21, v25;
	v22 =	vpop (erf)  }
0xd6: {  	v25 =	vadd.f32 v8, v29;
	(xrf0) =	vmax.scan.msk.f32 $0xffff, v21;
	v21 =	vadd.f32 v58, v2;
	v2 =	vbroadcast v57, $0xF;
	v23 =	vpop (erf)  }
0xd7: {  	v8 =	vmax.f32 v49, v48;
	v4 =	vadd.f32 v4, v62;
	v12 =	vadd.f32 v63, v12;
	v34 =	vpop (erf)  }
0xd8: {  	v39 =	vld [tilespmem:s31+$0x180];
	(xrf0) =	vmax.scan.msk.f32 $0xffff, v8;
	v63 =	vmul.f32 $1.442695020e+00, v47;
	v51 =	vadd.f32 v15, v22;
	vm1 =	veq.f32 v53, v2;
	v29 =	vpop (erf)  }
0xd9: {  	v46 =	vld [tilespmem:s31+$0x0];
	vm3 =	veq.f32 v40, v2;
	vm2 =	veq.f32 v55, v2;
	v55 =	vbroadcast v52, $0xF;
	v33 =	vpop (erf)  }
0xda: {  	v35 =	vld [tilespmem:s31+$0x10];
	vm0 =	veq.f32 v54, v2;
	v8 =	vadd.f32 v23, v18;
	(xrf2) =	vadd.scan.msk.f32 $0xffff, v12;
	v12 =	vadd.f32 v24, v33  }
0xdb: {  	v57 =	vsel vm1, $0x3F800000, v0;
	vm4 =	veq.f32 v43, v55;
	vm5 =	veq.f32 v30, v55  }
0xdc: {  	v53 =	vadd.f32 v31, v34;
	v30 =	vsel vm5, $0x3F800000, v0;
	v8 =	vadd.f32 v12, v8  }
0xdd: {  	vm1 =	veq.f32 v11, v55;
	v11 =	vsel vm4, $0x3F800000, v0;
	v54, _, _ =	vpop (xrf0);
	v26 =	vadd.f32 v30, v26  }
0xde: {  	v11 =	vadd.f32 v11, v37;
	v2 =	vadd.f32 v53, v51;
	v38 =	vbroadcast v54, $0xF;
	v56, _, _ =	vpop (xrf0);
	(xrf2) =	vadd.scan.msk.f32 $0xffff, v8  }
0xdf: {  	v53 =	vmax.f32 v46, v35;
	v54 =	vmul.f32 $1.442695020e+00, v39;
	v32 =	vpop (erf);
	v40 =	vbroadcast v56, $0xF  }
0xe0: {  	v56 =	vmul.f32 $1.442695020e+00, v46;
	v12 =	vadd.f32 v29, v32;
	vm5 =	veq.f32 v28, v38;
	(xrf2) =	vadd.scan.msk.f32 $0xffff, v2  }
0xe1: {  	vm4 =	veq.f32 v7, v40;
	vm6 =	veq.f32 v16, v40;
	v2 =	vsel vm1, $0x3F800000, v0  }
0xe2: {  	v41 =	vld [tilespmem:s31+$0x100];
	vm7 =	veq.f32 v20, v40;
	v16 =	vsel vm3, $0x3F800000, v0;
	v2 =	vadd.f32 v2, v14  }
0xe3: {  	v37 =	vld [tilespmem:s31+$0x1B0];
	vm3 =	veq.f32 v9, v40;
	v8 =	vsel vm2, $0x3F800000, v0;
	v12 =	vadd.f32 v50, v12  }
0xe4: {  	v9 =	vld [tilespmem:s31+$0x130];
	vm2 =	veq.f32 v36, v55;
	v16 =	vadd.f32 v16, v26;
	v2 =	vadd.f32 v57, v2  }
0xe5: {  	v40 =	vld [tilespmem:s31+$0xA0];
	v26 =	vmul.f32 $1.442695020e+00, v35;
	v30 =	vsel vm7, $0x3F800000, v0;
	v36 =	vsel vm2, $0x3F800000, v0;
	v7, _, _ =	vpop (xrf2)  }
0xe6: {  	v43 =	vld [tilespmem:s31+$0x30];
	vm1 =	veq.f32 v45, v38;
	v8 =	vadd.f32 v8, v11;
	v14 =	vbroadcast v7, $0xF  }
0xe7: {  	v11 =	vsel vm4, $0x3F800000, v0;
	vm4 =	veq.f32 v5, v38;
	v20 =	vadd.f32 v36, v19;
	v7 =	vld [tilespmem:s31+$0x1A0]  }
0xe8: {  	v19 =	vsel vm6, $0x3F800000, v0;
	(erf) = vrcp.f32 v14;
	v14 =	vadd.f32 v11, v2;
	v11 =	vld [tilespmem:s31+$0x120];
	v2, _, _ =	vpop (xrf2)  }
0xe9: {  	v5 =	vld [tilespmem:s31+$0x110];
	v36 =	vadd.f32 v19, v8;
	v8 =	vmul.f32 $1.442695020e+00, v37;
	v2 =	vbroadcast v2, $0xF  }
0xea: {  	vm2 =	veq.f32 v44, v38;
	v58 =	vmul.f32 $1.442695020e+00, v9;
	v52 =	vmul.f32 $1.442695020e+00, v40;
	v28, _, _ =	vpop (xrf2)  }
0xeb: {  	v38 =	vsel vm5, $0x3F800000, v0;
	(erf) = vrcp.f32 v2;
	v2 =	vbroadcast v28, $0xF;
	v28 =	vld [tilespmem:s31+$0xB0]  }
0xec: {  	v16 =	vadd.f32 v30, v16;
	v30 =	vld [tilespmem:s31+$0x90];
	v19 =	vmul.f32 $1.442695020e+00, v7;
	(erf) = vpow2.f32 v26  }
0xed: {  	v57 =	vsel vm1, $0x3F800000, v0;
	v26 =	vld [tilespmem:s31+$0x80];
	(erf) = vrcp.f32 v2;
	v2 =	vmul.f32 $1.442695020e+00, v11  }
0xee: {  	v62 =	vmax.f32 v41, v5;
	(xrf2) =	vadd.scan.msk.f32 $0xffff, v12;
	v12 =	vmul.f32 $1.442695020e+00, v43;
	(erf) = vpow2.f32 v8  }
0xef: {  	v49 =	vld [tilespmem:s31+$0x190];
	v60 =	vmax.f32 v11, v9;
	v8 =	vmul.f32 $1.442695020e+00, v5;
	(erf) = vpow2.f32 v2  }
0xf0: {  	v45 =	vmax.f32 v62, v60;
	(erf) = vpow2.f32 v19;
	v50 =	vmul.f32 $1.442695020e+00, v28  }
0xf1: {  	v2 =	vmul.f32 $1.442695020e+00, v41;
	v51 =	vmax.f32 v40, v28;
	(erf) = vpow2.f32 v58  }
0xf2: {  	v48 =	vmul.f32 $1.442695020e+00, v26;
	v19 =	vmax.f32 v26, v30;
	(erf) = vpow2.f32 v50  }
0xf3: {  	v44 =	vpop (erf);
	v19 =	vmax.f32 v19, v51;
	v51 =	vmul.f32 $1.442695020e+00, v30;
	(erf) = vpow2.f32 v8  }
0xf4: {  	(xrf0) =	vmax.scan.msk.f32 $0xffff, v19;
	v19 =	vmax.f32 v39, v49;
	v50 =	vpop (erf);
	(erf) = vpow2.f32 v2;
	v2 =	vmax.f32 v47, v43  }
0xf5: {  	v8 =	vpop (erf);
	(erf) = vpow2.f32 v12;
	v12 =	vmax.f32 v53, v2;
	v62 =	vmul.f32 v50, v18  }
0xf6: {  	v53 =	vadd.f32 v57, v14;
	v57 =	vmul.f32 v44, v17;
	v55 =	vpop (erf);
	(erf) = vpow2.f32 v48  }
0xf7: {  	v42 =	vmax.f32 v7, v37;
	(xrf0) =	vmax.scan.msk.f32 $0xffff, v12;
	v12 =	vmul.f32 $1.442695020e+00, v49;
	v60 =	vpop (erf);
	(erf) = vpow2.f32 v56  }
0xf8: {  	v42 =	vmax.f32 v19, v42;
	v15 =	vmul.f32 v55, v15;
	v19 =	vpop (erf);
	(erf) = vpow2.f32 v51  }
0xf9: {  	v51 =	vadd.f32 v38, v16;
	v16 =	vsel vm4, $0x3F800000, v0;
	v14 =	vpop (erf);
	(erf) = vpow2.f32 v63  }
0xfa: {  	v58, _, _ =	vpop (xrf0);
	v48 =	vadd.f32 v15, v21;
	v15 =	vmul.f32 v55, v22;
	v22 =	vmul.f32 v44, v10  }
0xfb: {  	v56 =	vsel vm2, $0x3F800000, v0;
	(erf) = vpow2.f32 v12;
	v12 =	vpop (erf);
	v38 =	vbroadcast v58, $0xF  }
0xfc: {  	(erf) = vpow2.f32 v52;
	v52 =	vadd.f32 v16, v36;
	v16 =	vpop (erf);
	v36 =	vsel vm0, $0x3F800000, v0  }
0xfd: {  	vm4 =	veq.f32 v26, v38;
	v21 =	vpop (erf);
	(erf) = vpow2.f32 v54;
	vm1 =	veq.f32 v28, v38  }
0xfe: {  	v54, _, _ =	vpop (xrf2);
	v26 =	vmul.f32 v44, v6;
	v6 =	vadd.f32 v15, v25;
	v10 =	vadd.f32 v36, v20  }
0xff: {  	vm6 =	veq.f32 v40, v38;
	vm5 =	veq.f32 v30, v38;
	v30 =	vadd.f32 v12, v19;
	v18 =	vpop (erf)  }
0x100: {  	v63, _, _ =	vpop (xrf0);
	v28 =	vmul.f32 v44, v13;
	v13 =	vsel vm3, $0x3F800000, v0;
	v15 =	vadd.f32 v21, v18  }
0x101: {  	v36 =	vmul.f32 v55, v34;
	v20 =	vpop (erf);
	v38 =	vadd.f32 v62, v6;
	v6 =	vbroadcast v54, $0xF  }
0x102: {  	v10 =	vadd.f32 v13, v10;
	v62 =	vbroadcast v63, $0xF;
	v25 =	vpop (erf);
	v13 =	vadd.f32 v30, v15  }
0x103: {  	(xrf0) =	vmax.scan.msk.f32 $0xffff, v42;
	v44 =	vadd.f32 v60, v14;
	v34 =	vmul.f32 v50, v24;
	v17 =	vpop (erf);
	v30 =	vmul.f32 v50, v23  }
0x104: {  	(erf) = vrcp.f32 v6;
	v40 =	vadd.f32 v56, v10;
	vm0 =	veq.f32 v46, v62;
	v15 =	vpop (erf);
	(xrf2) =	vadd.scan.msk.f32 $0xffff, v13  }
0x105: {  	(xrf0) =	vmax.scan.msk.f32 $0xffff, v45;
	vm3 =	veq.f32 v35, v62;
	vm7 =	veq.f32 v47, v62;
	vm2 =	veq.f32 v43, v62;
	v23 =	vpop (erf)  }
0x106: {  	v35 =	vadd.f32 v57, v38;
	v38 =	vmul.f32 v55, v31;
	v63 =	vadd.f32 v8, v17;
	v6 =	vpop (erf)  }
0x107: {  	v43 =	vmul.f32 v50, v33;
	v30 =	vadd.f32 v30, v48;
	v56 =	vadd.f32 v20, v23;
	v13 =	vpop (erf)  }
0x108: {  	v48 =	vsel vm2, $0x3F800000, v0;
	v54 =	vadd.f32 v15, v25;
	v58 =	vadd.f32 v16, v13  }
0x109: {  	v42 =	vadd.f32 v48, v51;
	v51 =	vsel vm0, $0x3F800000, v0;
	v10 =	vpop (erf);
	v31 =	vadd.f32 v56, v63  }
0x10a: {  	v63, _, _ =	vpop (xrf0);
	v56 =	vsel vm7, $0x3F800000, v0;
	v62 =	vadd.f32 v6, v10;
	v46 =	vadd.f32 v58, v54  }
0x10b: {  	v55 =	vadd.f32 v51, v53;
	v45 =	vbroadcast v63, $0xF;
	v47, _, _ =	vpop (xrf0);
	v57 =	vadd.f32 v56, v52  }
0x10c: {  	v58 =	vsel vm6, $0x3F800000, v0;
	v54 =	vadd.f32 v44, v62;
	v44 =	vbroadcast v47, $0xF;
	(xrf2) =	vadd.scan.msk.f32 $0xffff, v46  }
0x10d: {  	vm2 =	veq.f32 v39, v45;
	vm0 =	veq.f32 v49, v45;
	v39 =	vadd.f32 v58, v57  }
0x10e: {  	v62 =	vsel vm4, $0x3F800000, v0;
	vm4 =	veq.f32 v37, v45;
	v47 =	vsel vm3, $0x3F800000, v0;
	v24, _, _ =	vpop (xrf2)  }
0x10f: {  	v48 =	vadd.f32 v62, v55;
	vm7 =	veq.f32 v41, v44;
	v46 =	vpop (erf);
	v63 =	vbroadcast v24, $0xF  }
0x110: {  	(xrf2) =	vadd.scan.msk.f32 $0xffff, v31;
	v24 =	vsel vm5, $0x3F800000, v0;
	v33 =	vmul.f32 v46, v27;
	v41 =	vmul.f32 v46, v32  }
0x111: {  	s18 =	simm.s32 $0x8400;
	s17 =	simm.s32 $0x4;
	(xrf2) =	vadd.scan.msk.f32 $0xffff, v54;
	v32 =	vsel vm7, $0x3F800000, v0;
	v37 =	vmul.f32 v46, v29;
	(erf) = vrcp.f32 v63  }
.LBB2_4:
0x112: {  	v31 =	vld [tilespmem:s18+$0x10]  }
0x113: {  	v29 =	vld [tilespmem:s18+$0x180]  }
0x114: {  	vm6 =	veq.f32 v11, v44;
	vm5 =	veq.f32 v7, v45;
	v27 =	vld [tilespmem:s18+$0x1B0]  }
0x115: {  	v3 =	vadd.f32 v36, v61;
	v36 =	vadd.f32 v32, v48;
	vm7 =	veq.f32 v9, v44;
	v7 =	vld [tilespmem:s18+$0x1A0]  }
0x116: {  	v57 =	vmul.f32 v46, v59;
	v40 =	vadd.f32 v47, v40;
	vm3 =	veq.f32 v5, v44;
	v5, _, _ =	vpop (xrf2);
	v11 =	vld [tilespmem:s18+$0x120]  }
0x117: {  	[tilespmem:$0x1FFB0] =	vst v6;
	v6 =	vmovc v14;
	v9 =	vsel vm1, $0x3F800000, v0;
	v4 =	vadd.f32 v38, v4;
	v32 =	vld [tilespmem:s18+$0x100];
	v14 =	vbroadcast v5, $0xF  }
0x118: {  	v50 =	vld [tilespmem:s18+$0xB0];
	v35 =	vadd.f32 v41, v35;
	v58 =	vsel vm6, $0x3F800000, v0;
	v42 =	vadd.f32 v9, v42  }
0x119: {  	v45 =	vld [tilespmem:s18+$0xA0];
	v3 =	vadd.f32 v43, v3;
	(erf) = vrcp.f32 v14;
	v1 =	vmul.f32 $1.442695020e+00, v31  }
0x11a: {  	v5 =	vld [tilespmem:s18+$0x110];
	v59 =	vsel vm7, $0x3F800000, v0;
	v61, _, _ =	vpop (xrf2);
	v28 =	vadd.f32 v28, v30;
	v46 =	vadd.f32 v58, v39  }
0x11b: {  	v9 =	vld [tilespmem:s18+$0x130];
	v3 =	vadd.f32 v26, v3;
	v26 =	vbroadcast v61, $0xF;
	(erf) = vpow2.f32 v1  }
0x11c: {  	v44 =	vld [tilespmem:s18+$0x90];
	v4 =	vadd.f32 v34, v4;
	v47 =	vadd.f32 v59, v42;
	v14 =	vmul.f32 $1.442695020e+00, v27  }
0x11d: {  	v34 =	vld [tilespmem:s18+$0x80];
	v28 =	vadd.f32 v37, v28;
	v38 =	vpop (erf);
	(erf) = vrcp.f32 v26;
	v26 =	vmul.f32 $1.442695020e+00, v11  }
0x11e: {  	v41 =	vld [tilespmem:s18+$0x30];
	v4 =	vadd.f32 v22, v4;
	v51 =	vmul.f32 $1.442695020e+00, v7;
	(erf) = vpow2.f32 v14  }
0x11f: {  	v39 =	vld [tilespmem:s18+$0x190];
	v62 =	vmax.f32 v45, v50;
	v59 =	vmul.f32 $1.442695020e+00, v29;
	(erf) = vpow2.f32 v26  }
0x120: {  	v42 =	vld [tilespmem:s18+$0x0];
	v54 =	vmul.f32 $1.442695020e+00, v5;
	v22 =	vmax.f32 v32, v5;
	v14 =	vmax.f32 v11, v9  }
0x121: {  	[tilespmem:$0x1FFA0] =	vst v13;
	v43 =	vld [tilespmem:s18+$0x20];
	v30 =	vmul.f32 $1.442695020e+00, v9;
	v13 =	vadd.f32 v33, v4;
	v56 =	vmax.f32 v22, v14  }
0x122: {  	v14 =	vmax.f32 v34, v44;
	v22 =	vmul.f32 $1.442695020e+00, v50;
	v37 =	vpop (erf);
	(erf) = vpow2.f32 v51  }
0x123: {  	[tilespmem:$0x1FF90] =	vst v10;
	v33 =	vmul.f32 $1.442695020e+00, v44;
	v14 =	vmax.f32 v14, v62;
	(erf) = vpow2.f32 v30  }
0x124: {  	v10 =	vadd.f32 v57, v3;
	v55 =	vmul.f32 $1.442695020e+00, v34;
	(xrf0) =	vmax.scan.msk.f32 $0xffff, v14;
	v57 =	vpop (erf);
	(erf) = vpow2.f32 v22  }
0x125: {  	v61 =	vmul.f32 $1.442695020e+00, v39;
	v58 =	vmax.f32 v42, v31;
	v4 =	vmovc v60;
	v26 =	vmul.f32 $1.442695020e+00, v32  }
0x126: {  	v14 =	vmax.f32 v43, v41;
	v30 =	vmul.f32 $1.442695020e+00, v41;
	v60 =	vpop (erf);
	(erf) = vpow2.f32 v54  }
0x127: {  	v63 =	vmul.f32 $1.442695020e+00, v43;
	v54 =	vpop (erf);
	(erf) = vpow2.f32 v26;
	v26 =	vmax.f32 v58, v14  }
0x128: {  	v52 =	vmax.f32 v7, v27;
	v62 =	vmul.f32 $1.442695020e+00, v42;
	v2 =	vpop (erf);
	(erf) = vpow2.f32 v30;
	(xrf0) =	vmax.scan.msk.f32 $0xffff, v26  }
0x129: {  	v53, _, _ =	vpop (xrf2);
	v51 =	vmul.f32 $1.442695020e+00, v45;
	v22 =	vmax.f32 v29, v39;
	(erf) = vpow2.f32 v55  }
0x12a: {  	v30 =	vmax.f32 v22, v52;
	v52 =	vmul.f32 v38, v18;
	v18, _, _ =	vpop (xrf0);
	(erf) = vpow2.f32 v62  }
0x12b: {  	v3 =	vmul.f32 v37, v25;
	v14 =	vpop (erf);
	(erf) = vpow2.f32 v33  }
0x12c: {  	v49 =	vsel vm4, $0x3F800000, v0;
	v22 =	vmul.f32 v38, v12;
	v12 =	vpop (erf);
	(erf) = vpow2.f32 v63  }
0x12d: {  	v48 =	vsel vm5, $0x3F800000, v0;
	v25 =	vmul.f32 v60, v8;
	v33 =	vpop (erf);
	(erf) = vpow2.f32 v61  }
0x12e: {  	v49 =	vadd.f32 v49, v47;
	v17 =	vmul.f32 v60, v17;
	v63, _, _ =	vpop (xrf0);
	(erf) = vpow2.f32 v51  }
0x12f: {  	v1 =	vsel vm2, $0x3F800000, v0;
	v26 =	vmul.f32 v38, v19;
	v19 =	vbroadcast v18, $0xF;
	v51 =	vpop (erf)  }
0x130: {  	v1 =	vadd.f32 v1, v36;
	v8 =	vmov v57;
	v36 =	vmul.f32 v60, v23;
	v18 =	vpop (erf)  }
0x131: {  	v23 =	vbroadcast v53, $0xF;
	v47 =	vadd.f32 v25, v28;
	vm1 =	veq.f32 v50, v19;
	v50 =	vpop (erf)  }
0x132: {  	vm2 =	veq.f32 v34, v19;
	v34 =	vmul.f32 v37, v16;
	v16 =	vadd.f32 v17, v35;
	v25 =	vpop (erf)  }
0x133: {  	v28 =	vmul.f32 v38, v21;
	v21 =	vadd.f32 v24, v40;
	v57 =	vadd.f32 v51, v18;
	v17 =	vpop (erf)  }
0x134: {  	v3 =	vadd.f32 v3, v16;
	v16 =	vmul.f32 v37, v15;
	(erf) = vpow2.f32 v59;
	v15 =	vpop (erf)  }
0x135: {  	v24 =	vsel vm3, $0x3F800000, v0;
	v58 =	vadd.f32 v12, v2;
	(xrf0) =	vmax.scan.msk.f32 $0xffff, v30;
	(erf) = vrcp.f32 v23;
	v23 =	vpop (erf)  }
0x136: {  	v48 =	vadd.f32 v48, v46;
	v21 =	vadd.f32 v24, v21;
	(xrf0) =	vmax.scan.msk.f32 $0xffff, v56;
	v56 =	vpop (erf)  }
0x137: {  	v35 =	vadd.f32 v52, v3;
	v24 =	vadd.f32 v58, v57;
	v57 =	vpop (erf)  }
0x138: {  	v38 =	vmul.f32 v60, v20;
	v60 =	vadd.f32 v15, v25;
	v3 =	vadd.f32 v33, v57  }
0x139: {  	v20 =	vadd.f32 v8, v17;
	v62 =	vadd.f32 v50, v23  }
0x13a: {  	vm3 =	veq.f32 v45, v19;
	v30 =	vsel vm0, $0x3F800000, v0;
	(xrf2) =	vadd.scan.msk.f32 $0xffff, v24;
	v3 =	vadd.f32 v3, v60  }
0x13b: {  	vm0 =	veq.f32 v44, v19;
	v19 =	vmovc v2;
	v63 =	vbroadcast v63, $0xF;
	v2 =	vadd.f32 v62, v20  }
0x13c: {  	v55 =	vadd.f32 v54, v14;
	v40 =	vadd.f32 v30, v21;
	(xrf2) =	vadd.scan.msk.f32 $0xffff, v3  }
0x13d: {  	v53 =	vsel vm3, $0x3F800000, v0;
	v30 =	vadd.f32 v16, v47;
	v59 =	vmovc v6;
	vm3 =	veq.f32 v41, v63;
	(xrf2) =	vadd.scan.msk.f32 $0xffff, v2;
	v2 =	vld [tilespmem:$0x1FF90]  }
0x13e: {  	v41 =	vsel vm3, $0x3F800000, v0;
	v21, _, _ =	vpop (xrf0);
	v24 =	vsel vm0, $0x3F800000, v0;
	vm0 =	veq.f32 v42, v63  }
0x13f: {  	v58 =	vsel vm2, $0x3F800000, v0;
	v45 =	vbroadcast v21, $0xF;
	v21, _, _ =	vpop (xrf0);
	v3 =	vsel vm0, $0x3F800000, v0  }
0x140: {  	vm2 =	veq.f32 v31, v63;
	v52 =	vpop (erf);
	vm0 =	veq.f32 v43, v63;
	v1 =	vadd.f32 v3, v1  }
0x141: {  	s17 =	sadd.s32 $0x4, s17;
	v6 =	vld [tilespmem:$0x1FFA0];
	v42 =	vadd.f32 v41, v49;
	v44 =	vbroadcast v21, $0xF;
	v46 =	vpop (erf);
	v31 =	vsel vm0, $0x3F800000, v0  }
0x142: {  	p0 =	slt.u32 s17, $0xFC;
	v61 =	vmovc v10;
	v41 =	vmul.f32 v46, v2;
	v2 =	vadd.f32 v31, v48;
	v48 =	vadd.f32 v58, v1;
	v1 =	vld [tilespmem:$0x1FFB0]  }
.Ltmp1:
0x143: {  	v16 =	vmovc v33;
	v47 =	vsel vm2, $0x3F800000, v0;
	v21 =	vmovc v51;
	vm3 =	veq.f32 v32, v44;
	v20 =	vadd.f32 v56, v52;
	(pc) =	sbr.rel @p0 .LBB2_4-.Ltmp1, $4  }
0x144: {  	vm2 =	veq.f32 v29, v45;
	vm4 =	veq.f32 v27, v45;
	v32 =	vsel vm3, $0x3F800000, v0;
	v3, _, _ =	vpop (xrf2)  }
0x145: {  	v10 =	vmovc v52;
	v60 =	vmovc v54;
	v55 =	vadd.f32 v55, v20;
	v33 =	vmul.f32 v46, v4;
	v3 =	vbroadcast v3, $0xF  }
0x146: {  	v4 =	vmovc v13;
	v13 =	vmovc v57;
	v43 =	vmul.f32 v37, v6;
	v6 =	vmov v56;
	vm0 =	veq.f32 v39, v45  }
0x147: {  	s18 =	sadd.s32 $0x200, s18;
	v20 =	vmovc v50;
	(xrf2) =	vadd.scan.msk.f32 $0xffff, v55;
	(erf) = vrcp.f32 v3;
	v39 =	vadd.f32 v53, v2;
	v37 =	vmul.f32 v46, v1  }
0x148: {  	_ =	sdelay $0x6  }
0x149: {  	v1, _, _ =	vpop (xrf2)  }
0x14a: {  	v1 =	vbroadcast v1, $0xF;
	v2, _, _ =	vpop (xrf2)  }
0x14b: {  	v2 =	vbroadcast v2, $0xF;
	v3, _, _ =	vpop (xrf2)  }
0x14c: {  	(erf) = vrcp.f32 v1;
	v1 =	vbroadcast v3, $0xF  }
0x14d: {  	(erf) = vrcp.f32 v2  }
0x14e: {  	(erf) = vrcp.f32 v1;
	_ =	sdelay $0x5  }
0x14f: {  	v1 =	vpop (erf)  }
0x150: {  	vm3 =	veq.f32 v11, v44;
	v2 =	vpop (erf)  }
0x151: {  	vm5 =	veq.f32 v7, v45;
	v7 =	vadd.f32 v36, v61;
	v29 =	vadd.f32 v32, v48;
	v3 =	vpop (erf)  }
0x152: {  	[tilespmem:s10], [sflag:$0x2] =	stream.linear.gather [hbm4b:s6+s2], $0x8000, $0x38;
	vm6 =	veq.f32 v9, v44;
	v9 =	vmul.f32 v46, v59;
	v57 =	vadd.f32 v47, v40;
	v31 =	vpop (erf);
	[tilespmem:$0x10100] =	vst v63  }
0x153: {  	v11 =	vsel vm1, $0x3F800000, v0;
	v4 =	vadd.f32 v38, v4;
	v35 =	vadd.f32 v41, v35;
	_ =	swait.ge [sflag:s11], $0x8000  }
0x154: {  	vm1 =	veq.f32 v5, v44;
	v28 =	vadd.f32 v28, v30;
	v5 =	vadd.f32 v43, v7;
	[sflag:s11] =	ssyncset.done $0x0  }
0x155: {  	s17 =	simm.s32 $0x100;
	v62 =	vsel vm4, $0x3F800000, v0;
	v11 =	vadd.f32 v11, v42;
	v4 =	vadd.f32 v34, v4;
	[sflag:s11] =	ssyncadd.s32 $0xFFFF8000  }
0x156: {  	v58 =	vsel vm6, $0x3F800000, v0;
	v7 =	vsel vm3, $0x3F800000, v0;
	v5 =	vadd.f32 v26, v5;
	v27 =	vld [tilespmem:s17+$0xFFFFFF10]  }
0x157: {  	v59 =	vadd.f32 v7, v39;
	v4 =	vadd.f32 v22, v4;
	v18 =	vmul.f32 v1, v18;
	v7 =	vld [tilespmem:s17+$0xB0]  }
0x158: {  	v63 =	vadd.f32 v9, v5;
	v30 =	vmul.f32 v1, v19;
	v48 =	vmul.f32 v1, v12;
	v5 =	vld [tilespmem:s17+$0xA0]  }
0x159: {  	v26 =	vadd.f32 v58, v11;
	v25 =	vmul.f32 v2, v25;
	v47 =	vmul.f32 v3, v8;
	v8 =	vld [tilespmem:s17+$0x10]  }
0x15a: {  	v4 =	vadd.f32 v33, v4;
	v49 =	vmul.f32 v2, v15;
	v22 =	vmul.f32 v3, v23;
	v9 =	vld [tilespmem:s17+$0x20]  }
0x15b: {  	v15 =	vsel vm2, $0x3F800000, v0;
	v12 =	vmul.f32 v3, v17;
	v17 =	vadd.f32 v37, v28;
	v11 =	vld [tilespmem:s17+$0x30]  }
0x15c: {  	v28 =	vmul.f32 v2, v16;
	v2 =	vmul.f32 v2, v13;
	v22 =	vadd.f32 v22, v63;
	v37 =	vld [tilespmem:s17+$0xFFFFFFB0]  }
0x15d: {  	v21 =	vmul.f32 v1, v21;
	v3 =	vmul.f32 v3, v20;
	v19 =	vadd.f32 v15, v29;
	v50 =	vld [tilespmem:s17+$0xFFFFFF80]  }
0x15e: {  	v23 =	vadd.f32 v62, v26;
	v2 =	vadd.f32 v2, v22;
	v51 =	vld [tilespmem:s17+$0xFFFFFF90];
	v1 =	vmul.f32 $1.442695020e+00, v27  }
0x15f: {  	v13 =	vadd.f32 v24, v57;
	v14 =	vmul.f32 v31, v14;
	v40 =	vld [tilespmem:s17+$0xFFFFFF30];
	v20 =	vmul.f32 $1.442695020e+00, v7  }
0x160: {  	v2 =	vadd.f32 v30, v2;
	v52 =	vld [tilespmem:s17+$0xFFFFFFA0];
	(erf) = vpow2.f32 v1;
	v1 =	vmul.f32 $1.442695020e+00, v9  }
0x161: {  	v17 =	vadd.f32 v47, v17;
	v16 =	vld [tilespmem:s17+$0x0];
	v15 =	vmul.f32 $1.442695020e+00, v5;
	(erf) = vpow2.f32 v20  }
0x162: {  	v3 =	vadd.f32 v3, v4;
	v38 =	vld [tilespmem:s17+$0xFFFFFF20];
	v58 =	vadd.f32 v14, v2;
	(erf) = vpow2.f32 v1  }
0x163: {  	v20 =	vmul.f32 $1.442695020e+00, v11;
	v1 =	vadd.f32 v12, v35;
	v35 =	vld [tilespmem:s17+$0xFFFFFF00];
	(erf) = vpow2.f32 v15  }
0x164: {  	v24 =	vmax.f32 v50, v51;
	v29 =	vmul.f32 $1.442695020e+00, v40;
	v12 =	vmul.f32 $1.442695020e+00, v37  }
0x165: {  	v26 =	vmax.f32 v52, v37;
	v15 =	vmul.f32 $1.442695020e+00, v8;
	(erf) = vpow2.f32 v20  }
0x166: {  	v20 =	vmul.f32 $1.442695020e+00, v16;
	(erf) = vpow2.f32 v12;
	v12 =	vmax.f32 v24, v26  }
0x167: {  	v14 =	vmax.f32 v38, v40;
	v24 =	vmul.f32 $1.442695020e+00, v50;
	(erf) = vpow2.f32 v15;
	(xrf0) =	vmax.scan.msk.f32 $0xffff, v12  }
0x168: {  	v44 =	vld [tilespmem:s17+$0x90];
	(erf) = vpow2.f32 v20;
	v20 =	vadd.f32 v25, v1;
	v1 =	vmul.f32 $1.442695020e+00, v35  }
0x169: {  	v15 =	vsel vm1, $0x3F800000, v0;
	v25 =	vmul.f32 $1.442695020e+00, v51;
	(erf) = vpow2.f32 v29;
	v12 =	vpop (erf)  }
0x16a: {  	v45 =	vld [tilespmem:s17+$0x80];
	v15 =	vadd.f32 v15, v13;
	v29 =	vmul.f32 $1.442695020e+00, v38;
	(erf) = vpow2.f32 v24;
	v26 =	vpop (erf)  }
0x16b: {  	v24 =	vsel vm0, $0x3F800000, v0;
	v22 =	vadd.f32 v18, v20;
	v20 =	vadd.f32 v28, v3;
	v13 =	vpop (erf)  }
0x16c: {  	v28 =	vmul.f32 v31, v6;
	v6 =	vmax.f32 v35, v27;
	(erf) = vpow2.f32 v1;
	v57 =	vpop (erf)  }
0x16d: {  	v53 =	vmul.f32 $1.442695020e+00, v44;
	v6 =	vmax.f32 v6, v14;
	(erf) = vpow2.f32 v25;
	v55, _, _ =	vpop (xrf0)  }
0x16e: {  	v54 =	vmul.f32 $1.442695020e+00, v52;
	v25 =	vadd.f32 v24, v15;
	(xrf0) =	vmax.scan.msk.f32 $0xffff, v6;
	v15 =	vpop (erf);
	(erf) = vpow2.f32 v29  }
0x16f: {  	v18 =	vmul.f32 $1.442695020e+00, v45;
	(erf) = vpow2.f32 v53;
	v24 =	vpop (erf)  }
0x170: {  	v29 =	vadd.f32 v49, v17;
	(erf) = vpow2.f32 v54;
	v17 =	vpop (erf)  }
0x171: {  	v61 =	vsel vm5, $0x3F800000, v0;
	v30 =	vmul.f32 v31, v10;
	v10 =	vpop (erf)  }
0x172: {  	v4 =	vmul.f32 v31, v60;
	v62 =	vmax.f32 v9, v11;
	v14 =	vmax.f32 v45, v44;
	v31 =	vpop (erf)  }
0x173: {  	v2 =	vadd.f32 v21, v29;
	v21 =	vmax.f32 v5, v7;
	(erf) = vpow2.f32 v18;
	v18 =	vpop (erf)  }
0x174: {  	v63 =	vmax.f32 v16, v8;
	v14 =	vmax.f32 v14, v21;
	v29 =	vadd.f32 v17, v10;
	v49, _, _ =	vpop (xrf0)  }
0x175: {  	v60 =	vadd.f32 v48, v20;
	v22 =	vadd.f32 v30, v22;
	v30 =	vmax.f32 v63, v62;
	(xrf0) =	vmax.scan.msk.f32 $0xffff, v14;
	v20 =	vpop (erf)  }
0x176: {  	v36 =	vadd.f32 v61, v59;
	v61 =	vadd.f32 v15, v13;
	(xrf0) =	vmax.scan.msk.f32 $0xffff, v30;
	v6 =	vpop (erf)  }
0x177: {  	v4 =	vadd.f32 v4, v60;
	v21 =	vadd.f32 v28, v2;
	v2 =	vbroadcast v55, $0xF;
	v34 =	vpop (erf)  }
0x178: {  	v30 =	vadd.f32 v26, v57;
	v14 =	vadd.f32 v61, v29;
	v29 =	vpop (erf)  }
0x179: {  	s31 =	simm.s32 $0x300;
	vm1 =	veq.f32 v50, v2;
	vm3 =	veq.f32 v37, v2;
	vm2 =	veq.f32 v52, v2;
	v33 =	vpop (erf)  }
0x17a: {  	v39 =	vld [tilespmem:s31+$0x80];
	v52 =	vbroadcast v49, $0xF;
	v28 =	vadd.f32 v6, v18;
	(xrf2) =	vadd.scan.msk.f32 $0xffff, v14;
	v14 =	vadd.f32 v24, v33  }
0x17b: {  	vm0 =	veq.f32 v51, v2;
	v48 =	vadd.f32 v12, v20;
	v55 =	vsel vm1, $0x3F800000, v0;
	v51, _, _ =	vpop (xrf0)  }
0x17c: {  	vm1 =	veq.f32 v35, v52;
	v50 =	vadd.f32 v31, v34;
	v54, _, _ =	vpop (xrf0);
	v14 =	vadd.f32 v14, v28  }
0x17d: {  	vm4 =	veq.f32 v38, v52;
	vm5 =	veq.f32 v40, v52;
	v56 =	vbroadcast v54, $0xF;
	v32 =	vpop (erf)  }
0x17e: {  	v42 =	vld [tilespmem:s31+$0xFFFFFFA0];
	v53 =	vbroadcast v51, $0xF;
	v2 =	vadd.f32 v50, v48;
	v28 =	vadd.f32 v29, v32;
	(xrf2) =	vadd.scan.msk.f32 $0xffff, v14  }
0x17f: {  	v54 =	vmul.f32 $1.442695020e+00, v39;
	vm6 =	veq.f32 v9, v56;
	vm7 =	veq.f32 v11, v56  }
0x180: {  	v14 =	vsel vm2, $0x3F800000, v0;
	v28 =	vadd.f32 v30, v28;
	vm2 =	veq.f32 v27, v52;
	(xrf2) =	vadd.scan.msk.f32 $0xffff, v2  }
0x181: {  	v41 =	vld [tilespmem:s31+$0x0];
	v27 =	vsel vm4, $0x3F800000, v0;
	v30 =	vsel vm5, $0x3F800000, v0;
	v2 =	vsel vm1, $0x3F800000, v0  }
0x182: {  	v9 =	vld [tilespmem:s31+$0x30];
	vm4 =	veq.f32 v16, v56;
	vm5 =	veq.f32 v7, v53;
	v2 =	vadd.f32 v2, v19  }
0x183: {  	v46 =	vld [tilespmem:s31+$0xFFFFFF00];
	v52 =	vmul.f32 $1.442695020e+00, v42;
	v59 =	vsel vm2, $0x3F800000, v0;
	v23 =	vadd.f32 v30, v23  }
0x184: {  	v37 =	vld [tilespmem:s31+$0xB0];
	v27 =	vadd.f32 v27, v36;
	vm1 =	veq.f32 v45, v53;
	v16, _, _ =	vpop (xrf2);
	v2 =	vadd.f32 v55, v2  }
0x185: {  	v35 =	vld [tilespmem:s31+$0xFFFFFF10];
	vm2 =	veq.f32 v44, v53;
	v30 =	vsel vm7, $0x3F800000, v0;
	v16 =	vbroadcast v16, $0xF  }
0x186: {  	v11 =	vld [tilespmem:s31+$0x20];
	v19 =	vsel vm4, $0x3F800000, v0;
	vm4 =	veq.f32 v5, v53;
	v14 =	vadd.f32 v14, v27  }
0x187: {  	v7 =	vld [tilespmem:s31+$0xA0];
	v60 =	vmul.f32 $1.442695020e+00, v9;
	(erf) = vrcp.f32 v16;
	v16 =	vadd.f32 v19, v2  }
0x188: {  	v5 =	vld [tilespmem:s31+$0x10];
	v19 =	vsel vm3, $0x3F800000, v0;
	vm3 =	veq.f32 v8, v56;
	v8 =	vsel vm6, $0x3F800000, v0;
	v2, _, _ =	vpop (xrf2)  }
0x189: {  	v38 =	vld [tilespmem:s31+$0xFFFFFF90];
	v56 =	vmul.f32 $1.442695020e+00, v46;
	v19 =	vadd.f32 v19, v23;
	v2 =	vbroadcast v2, $0xF  }
0x18a: {  	v23 =	vmul.f32 $1.442695020e+00, v35;
	v36 =	vadd.f32 v8, v14;
	v8 =	vmul.f32 $1.442695020e+00, v37;
	v27, _, _ =	vpop (xrf2)  }
0x18b: {  	v40 =	vsel vm5, $0x3F800000, v0;
	(erf) = vrcp.f32 v2;
	v2 =	vbroadcast v27, $0xF;
	v27 =	vld [tilespmem:s31+$0xFFFFFFB0]  }
0x18c: {  	v61 =	vmax.f32 v11, v9;
	v14 =	vmul.f32 $1.442695020e+00, v7;
	(erf) = vpow2.f32 v23  }
0x18d: {  	v62 =	vmax.f32 v41, v5;
	v23 =	vld [tilespmem:s31+$0xFFFFFF80];
	(erf) = vrcp.f32 v2;
	v2 =	vmul.f32 $1.442695020e+00, v11  }
0x18e: {  	v43 =	vld [tilespmem:s31+$0xFFFFFF30];
	v45 =	vmax.f32 v62, v61;
	v61 =	vmul.f32 $1.442695020e+00, v38;
	(erf) = vpow2.f32 v8  }
0x18f: {  	v47 =	vld [tilespmem:s31+$0xFFFFFF20];
	v53 =	vmax.f32 v46, v35;
	v8 =	vmul.f32 $1.442695020e+00, v5;
	(erf) = vpow2.f32 v2  }
0x190: {  	v49 =	vld [tilespmem:s31+$0x90];
	v30 =	vadd.f32 v30, v19;
	(erf) = vpow2.f32 v14;
	v50 =	vmul.f32 $1.442695020e+00, v27  }
0x191: {  	v19 =	vmax.f32 v7, v37;
	v2 =	vmul.f32 $1.442695020e+00, v41;
	(erf) = vpow2.f32 v60  }
0x192: {  	v51 =	vmax.f32 v42, v27;
	v14 =	vmax.f32 v23, v38;
	(erf) = vpow2.f32 v50  }
0x193: {  	(xrf2) =	vadd.scan.msk.f32 $0xffff, v28;
	v28 =	vpop (erf);
	v60 =	vmul.f32 $1.442695020e+00, v43;
	v14 =	vmax.f32 v14, v51;
	(erf) = vpow2.f32 v8  }
0x194: {  	v63 =	vmul.f32 $1.442695020e+00, v23;
	(xrf0) =	vmax.scan.msk.f32 $0xffff, v14;
	v50 =	vpop (erf);
	(erf) = vpow2.f32 v2;
	v2 =	vmax.f32 v47, v43  }
0x195: {  	v14 =	vmax.f32 v39, v49;
	v8 =	vpop (erf);
	(erf) = vpow2.f32 v60;
	v62 =	vmax.f32 v53, v2  }
0x196: {  	v53 =	vmax.f32 v14, v19;
	v14 =	vsel vm1, $0x3F800000, v0;
	v55 =	vpop (erf);
	(erf) = vpow2.f32 v63  }
0x197: {  	v25 =	vadd.f32 v59, v25;
	v63 =	vmul.f32 $1.442695020e+00, v47;
	v59 =	vpop (erf);
	(erf) = vpow2.f32 v56  }
0x198: {  	v56 =	vadd.f32 v14, v16;
	v16 =	vmul.f32 $1.442695020e+00, v49;
	v60 =	vmul.f32 v55, v12;
	v19 =	vpop (erf)  }
0x199: {  	v51 =	vadd.f32 v40, v30;
	v20 =	vmul.f32 v55, v20;
	(erf) = vpow2.f32 v61;
	v14 =	vpop (erf)  }
0x19a: {  	v30 =	vsel vm4, $0x3F800000, v0;
	(xrf0) =	vmax.scan.msk.f32 $0xffff, v62;
	(erf) = vpow2.f32 v63;
	v61, _, _ =	vpop (xrf0);
	v63 =	vmul.f32 v50, v18  }
0x19b: {  	v48 =	vadd.f32 v30, v36;
	(erf) = vpow2.f32 v16;
	v12 =	vpop (erf);
	v62 =	vbroadcast v61, $0xF  }
0x19c: {  	v44 =	vadd.f32 v60, v21;
	(erf) = vpow2.f32 v52;
	v16 =	vpop (erf);
	v52 =	vmul.f32 v28, v10  }
0x19d: {  	v10 =	vadd.f32 v20, v22;
	v22 =	vmul.f32 v28, v15;
	v60 =	vadd.f32 v12, v19;
	v21 =	vpop (erf)  }
0x19e: {  	vm4 =	veq.f32 v23, v62;
	(erf) = vpow2.f32 v54;
	v23 =	vsel vm0, $0x3F800000, v0;
	v18 =	vpop (erf)  }
0x19f: {  	v30, _, _ =	vpop (xrf2);
	vm1 =	veq.f32 v27, v62;
	v15 =	vadd.f32 v23, v25;
	v23 =	vadd.f32 v21, v18  }
0x1a0: {  	v27 =	vmul.f32 v28, v13;
	v13, _, _ =	vpop (xrf0);
	v28 =	vmul.f32 v28, v17;
	v17 =	vsel vm3, $0x3F800000, v0  }
0x1a1: {  	v6 =	vmul.f32 v50, v6;
	v36 =	vmul.f32 v55, v34;
	v20 =	vpop (erf);
	v23 =	vadd.f32 v60, v23  }
0x1a2: {  	v34 =	vmul.f32 v50, v24;
	v61 =	vsel vm2, $0x3F800000, v0;
	vm6 =	veq.f32 v42, v62;
	v25 =	vpop (erf)  }
0x1a3: {  	(xrf0) =	vmax.scan.msk.f32 $0xffff, v53;
	v42 =	vadd.f32 v63, v10;
	v10 =	vbroadcast v30, $0xF;
	v30 =	vadd.f32 v17, v15;
	v17 =	vpop (erf)  }
0x1a4: {  	v53 =	vadd.f32 v59, v14;
	vm5 =	veq.f32 v38, v62;
	(xrf0) =	vmax.scan.msk.f32 $0xffff, v45;
	v62 =	vbroadcast v13, $0xF;
	v15 =	vpop (erf)  }
0x1a5: {  	v38 =	vmul.f32 v55, v31;
	(erf) = vrcp.f32 v10;
	v63 =	vadd.f32 v8, v17;
	(xrf2) =	vadd.scan.msk.f32 $0xffff, v23;
	v23 =	vpop (erf)  }
0x1a6: {  	vm0 =	veq.f32 v46, v62;
	v40 =	vadd.f32 v61, v30;
	v30 =	vadd.f32 v6, v44;
	v6 =	vpop (erf)  }
0x1a7: {  	vm3 =	veq.f32 v35, v62;
	vm7 =	veq.f32 v47, v62;
	v60 =	vadd.f32 v20, v23;
	v13 =	vpop (erf)  }
0x1a8: {  	vm2 =	veq.f32 v43, v62;
	v54 =	vadd.f32 v15, v25;
	v61 =	vadd.f32 v16, v13;
	v10 =	vpop (erf)  }
0x1a9: {  	v35 =	vadd.f32 v52, v42;
	v43 =	vmul.f32 v50, v33;
	v31 =	vadd.f32 v60, v63;
	v63, _, _ =	vpop (xrf0)  }
0x1aa: {  	v62 =	vadd.f32 v6, v10;
	v45 =	vbroadcast v63, $0xF;
	v47, _, _ =	vpop (xrf0);
	v46 =	vadd.f32 v61, v54  }
0x1ab: {  	v44 =	vbroadcast v47, $0xF;
	v54 =	vsel vm0, $0x3F800000, v0;
	v61 =	vsel vm6, $0x3F800000, v0  }
0x1ac: {  	v47 =	vsel vm3, $0x3F800000, v0;
	v52 =	vadd.f32 v53, v62;
	v53 =	vsel vm2, $0x3F800000, v0  }
0x1ad: {  	vm2 =	veq.f32 v39, v45;
	v55 =	vadd.f32 v54, v56;
	v56 =	vsel vm7, $0x3F800000, v0  }
0x1ae: {  	vm0 =	veq.f32 v49, v45;
	v62 =	vsel vm4, $0x3F800000, v0;
	v60 =	vadd.f32 v56, v48;
	(xrf2) =	vadd.scan.msk.f32 $0xffff, v46  }
0x1af: {  	vm4 =	veq.f32 v37, v45;
	v42 =	vadd.f32 v53, v51;
	vm7 =	veq.f32 v41, v44;
	v24, _, _ =	vpop (xrf2)  }
0x1b0: {  	v48 =	vadd.f32 v62, v55;
	v39 =	vadd.f32 v61, v60;
	v63 =	vbroadcast v24, $0xF;
	v46 =	vpop (erf)  }
0x1b1: {  	(xrf2) =	vadd.scan.msk.f32 $0xffff, v31;
	v24 =	vsel vm5, $0x3F800000, v0;
	v33 =	vmul.f32 v46, v26;
	v41 =	vmul.f32 v46, v32  }
0x1b2: {  	s18 =	simm.s32 $0x500;
	s17 =	simm.s32 $0x4;
	(xrf2) =	vadd.scan.msk.f32 $0xffff, v52;
	v32 =	vsel vm7, $0x3F800000, v0;
	v37 =	vmul.f32 v46, v29;
	(erf) = vrcp.f32 v63  }
.LBB2_6:
0x1b3: {  	v31 =	vld [tilespmem:s18+$0xFFFFFF10]  }
0x1b4: {  	v29 =	vld [tilespmem:s18+$0x80]  }
0x1b5: {  	vm6 =	veq.f32 v11, v44;
	vm5 =	veq.f32 v7, v45;
	vm7 =	veq.f32 v9, v44;
	v26 =	vld [tilespmem:s18+$0xB0]  }
0x1b6: {  	v40 =	vadd.f32 v47, v40;
	v9 =	vsel vm1, $0x3F800000, v0;
	vm3 =	veq.f32 v5, v44;
	v7 =	vld [tilespmem:s18+$0xA0]  }
0x1b7: {  	v4 =	vadd.f32 v38, v4;
	v11 =	vld [tilespmem:s18+$0x20];
	v49 =	vsel vm4, $0x3F800000, v0;
	v42 =	vadd.f32 v9, v42  }
0x1b8: {  	v50 =	vld [tilespmem:s18+$0xFFFFFFB0];
	v5, _, _ =	vpop (xrf2);
	v56 =	vsel vm6, $0x3F800000, v0;
	v35 =	vadd.f32 v41, v35;
	v28 =	vadd.f32 v28, v30  }
0x1b9: {  	v1 =	vmovc v14;
	v44 =	vld [tilespmem:s18+$0xFFFFFF90];
	v14 =	vbroadcast v5, $0xF;
	v4 =	vadd.f32 v34, v4;
	v3 =	vadd.f32 v36, v58  }
0x1ba: {  	v45 =	vld [tilespmem:s18+$0xFFFFFFA0];
	v28 =	vadd.f32 v37, v28;
	v36 =	vadd.f32 v32, v48;
	v63 =	vmul.f32 v46, v57  }
0x1bb: {  	[tilespmem:$0x1FF60] =	vst v1;
	v9 =	vld [tilespmem:s18+$0x30];
	(erf) = vrcp.f32 v14;
	v1 =	vmul.f32 $1.442695020e+00, v31;
	v3 =	vadd.f32 v43, v3  }
0x1bc: {  	v5 =	vld [tilespmem:s18+$0x10];
	v57 =	vsel vm7, $0x3F800000, v0;
	v46 =	vadd.f32 v56, v39;
	v58, _, _ =	vpop (xrf2);
	v4 =	vadd.f32 v22, v4  }
0x1bd: {  	v32 =	vld [tilespmem:s18+$0x0];
	(erf) = vpow2.f32 v1;
	v3 =	vadd.f32 v27, v3;
	v27 =	vbroadcast v58, $0xF  }
0x1be: {  	v34 =	vld [tilespmem:s18+$0xFFFFFF80];
	v47 =	vadd.f32 v57, v42;
	v14 =	vmul.f32 $1.442695020e+00, v26;
	v51 =	vmul.f32 $1.442695020e+00, v7  }
0x1bf: {  	v52 =	vmax.f32 v7, v26;
	v38 =	vpop (erf);
	(erf) = vrcp.f32 v27;
	v27 =	vmul.f32 $1.442695020e+00, v11  }
0x1c0: {  	v39 =	vld [tilespmem:s18+$0x90];
	v60 =	vmax.f32 v45, v50;
	v30 =	vmul.f32 $1.442695020e+00, v9;
	(erf) = vpow2.f32 v14  }
0x1c1: {  	[tilespmem:$0x1FF80] =	vst v6;
	v6 =	vmovc v10;
	v42 =	vld [tilespmem:s18+$0xFFFFFF00];
	v10 =	vadd.f32 v33, v4;
	v33 =	vmul.f32 $1.442695020e+00, v44;
	(erf) = vpow2.f32 v27  }
0x1c2: {  	v43 =	vld [tilespmem:s18+$0xFFFFFF20];
	v54 =	vmul.f32 $1.442695020e+00, v5;
	v22 =	vmax.f32 v32, v5;
	v14 =	vmax.f32 v11, v9  }
0x1c3: {  	v41 =	vld [tilespmem:s18+$0xFFFFFF30];
	v55 =	vmul.f32 $1.442695020e+00, v34;
	v4 =	vmovc v59;
	v59 =	vmul.f32 $1.442695020e+00, v29;
	v56 =	vmax.f32 v22, v14  }
0x1c4: {  	v14 =	vmax.f32 v34, v44;
	v22 =	vmul.f32 $1.442695020e+00, v50;
	v37 =	vpop (erf);
	(erf) = vpow2.f32 v51  }
0x1c5: {  	v61 =	vmul.f32 $1.442695020e+00, v39;
	v14 =	vmax.f32 v14, v60;
	(erf) = vpow2.f32 v30  }
0x1c6: {  	v1 =	vadd.f32 v63, v3;
	v62 =	vmul.f32 $1.442695020e+00, v42;
	(xrf0) =	vmax.scan.msk.f32 $0xffff, v14;
	v57 =	vpop (erf);
	(erf) = vpow2.f32 v22  }
0x1c7: {  	v58 =	vmax.f32 v42, v31;
	v63 =	vmul.f32 $1.442695020e+00, v43;
	v27 =	vmul.f32 $1.442695020e+00, v32  }
0x1c8: {  	v30 =	vmul.f32 $1.442695020e+00, v41;
	v14 =	vmax.f32 v43, v41;
	v60 =	vpop (erf);
	(erf) = vpow2.f32 v54  }
0x1c9: {  	[tilespmem:$0x1FF70] =	vst v1;
	v51 =	vmul.f32 $1.442695020e+00, v45;
	v54 =	vpop (erf);
	(erf) = vpow2.f32 v27;
	v27 =	vmax.f32 v58, v14  }
0x1ca: {  	v1 =	vsel vm2, $0x3F800000, v0;
	v3 =	vmul.f32 v37, v25;
	v2 =	vpop (erf);
	(erf) = vpow2.f32 v30;
	(xrf0) =	vmax.scan.msk.f32 $0xffff, v27  }
0x1cb: {  	v53, _, _ =	vpop (xrf2);
	v22 =	vmax.f32 v29, v39;
	v25 =	vmul.f32 v60, v8;
	(erf) = vpow2.f32 v55  }
0x1cc: {  	v30 =	vmax.f32 v22, v52;
	v52 =	vmul.f32 v38, v18;
	v18, _, _ =	vpop (xrf0);
	(erf) = vpow2.f32 v62  }
0x1cd: {  	v1 =	vadd.f32 v1, v36;
	v36 =	vmul.f32 v60, v23;
	v14 =	vpop (erf);
	(erf) = vpow2.f32 v33  }
0x1ce: {  	v48 =	vsel vm5, $0x3F800000, v0;
	v22 =	vmul.f32 v38, v12;
	v12 =	vpop (erf);
	(erf) = vpow2.f32 v63  }
0x1cf: {  	v48 =	vadd.f32 v48, v46;
	v23 =	vbroadcast v53, $0xF;
	v33 =	vpop (erf);
	(erf) = vpow2.f32 v61  }
0x1d0: {  	v49 =	vadd.f32 v49, v47;
	v17 =	vmul.f32 v60, v17;
	(erf) = vpow2.f32 v51;
	v46, _, _ =	vpop (xrf0)  }
0x1d1: {  	v8 =	vmov v57;
	v27 =	vmul.f32 v38, v19;
	v19 =	vbroadcast v18, $0xF;
	v51 =	vpop (erf)  }
0x1d2: {  	v47 =	vadd.f32 v25, v28;
	v28 =	vmul.f32 v38, v21;
	v21 =	vadd.f32 v24, v40;
	v18 =	vpop (erf)  }
0x1d3: {  	v24 =	vsel vm3, $0x3F800000, v0;
	vm2 =	veq.f32 v34, v19;
	vm1 =	veq.f32 v50, v19;
	v50 =	vpop (erf)  }
0x1d4: {  	v34 =	vmul.f32 v37, v16;
	v16 =	vadd.f32 v17, v35;
	v62 =	vadd.f32 v12, v2;
	v25 =	vpop (erf)  }
0x1d5: {  	v38 =	vmul.f32 v60, v20;
	v21 =	vadd.f32 v24, v21;
	v61 =	vadd.f32 v51, v18;
	v17 =	vpop (erf)  }
0x1d6: {  	v3 =	vadd.f32 v3, v16;
	v16 =	vmul.f32 v37, v15;
	(erf) = vpow2.f32 v59;
	v15 =	vpop (erf)  }
0x1d7: {  	(xrf0) =	vmax.scan.msk.f32 $0xffff, v30;
	v30 =	vsel vm0, $0x3F800000, v0;
	(erf) = vrcp.f32 v23;
	v24 =	vadd.f32 v62, v61;
	v23 =	vpop (erf)  }
0x1d8: {  	v55 =	vadd.f32 v54, v14;
	vm3 =	veq.f32 v45, v19;
	(xrf0) =	vmax.scan.msk.f32 $0xffff, v56;
	v40 =	vadd.f32 v30, v21;
	v56 =	vpop (erf)  }
0x1d9: {  	v30 =	vadd.f32 v16, v47;
	v35 =	vadd.f32 v52, v3;
	v62 =	vbroadcast v46, $0xF;
	(xrf2) =	vadd.scan.msk.f32 $0xffff, v24;
	v57 =	vpop (erf)  }
0x1da: {  	vm0 =	veq.f32 v44, v19;
	v45 =	vadd.f32 v15, v25;
	v3 =	vadd.f32 v33, v57  }
0x1db: {  	v61 =	vsel vm3, $0x3F800000, v0;
	v20 =	vadd.f32 v8, v17;
	vm3 =	veq.f32 v41, v62  }
0x1dc: {  	v63 =	vadd.f32 v50, v23;
	v41 =	vsel vm3, $0x3F800000, v0;
	v3 =	vadd.f32 v3, v45  }
0x1dd: {  	v19 =	vmovc v2;
	v59 =	vmovc v54;
	v24 =	vsel vm0, $0x3F800000, v0;
	vm0 =	veq.f32 v42, v62;
	v42 =	vadd.f32 v41, v49  }
0x1de: {  	v16 =	vmovc v33;
	v2 =	vadd.f32 v63, v20;
	v63 =	vsel vm2, $0x3F800000, v0;
	(xrf2) =	vadd.scan.msk.f32 $0xffff, v3;
	v3 =	vsel vm0, $0x3F800000, v0  }
0x1df: {  	v60 =	vpop (erf);
	vm2 =	veq.f32 v31, v62;
	vm0 =	veq.f32 v43, v62;
	v1 =	vadd.f32 v3, v1  }
0x1e0: {  	s17 =	sadd.s32 $0x4, s17;
	v21, _, _ =	vpop (xrf0);
	v20 =	vadd.f32 v56, v60;
	v47 =	vsel vm2, $0x3F800000, v0;
	v31 =	vsel vm0, $0x3F800000, v0  }
0x1e1: {  	p0 =	slt.u32 s17, $0xFC;
	v45 =	vbroadcast v21, $0xF;
	v21, _, _ =	vpop (xrf0);
	(xrf2) =	vadd.scan.msk.f32 $0xffff, v2;
	v2 =	vadd.f32 v31, v48;
	v48 =	vadd.f32 v63, v1;
	v1 =	vld [tilespmem:$0x1FF80]  }
.Ltmp2:
0x1e2: {  	v44 =	vbroadcast v21, $0xF;
	v55 =	vadd.f32 v55, v20;
	v46 =	vpop (erf);
	v21 =	vmov v51;
	(pc) =	sbr.rel @p0 .LBB2_6-.Ltmp2, $4  }
0x1e3: {  	v33 =	vmul.f32 v46, v4;
	vm2 =	veq.f32 v29, v45;
	v41 =	vmul.f32 v46, v6;
	v3, _, _ =	vpop (xrf2)  }
0x1e4: {  	v4 =	vmovc v10;
	v43 =	vmul.f32 v37, v13;
	v13 =	vmovc v57;
	vm3 =	veq.f32 v32, v44;
	v3 =	vbroadcast v3, $0xF  }
0x1e5: {  	v58 =	vld [tilespmem:$0x1FF70];
	v10 =	vmovc v60;
	vm4 =	veq.f32 v26, v45;
	v6 =	vmovc v56;
	vm0 =	veq.f32 v39, v45;
	v32 =	vsel vm3, $0x3F800000, v0  }
0x1e6: {  	s18 =	sadd.s32 $0x200, s18;
	v57 =	vld [tilespmem:$0x1FF60];
	v20 =	vmovc v50;
	(xrf2) =	vadd.scan.msk.f32 $0xffff, v55;
	v39 =	vadd.f32 v61, v2;
	(erf) = vrcp.f32 v3;
	v37 =	vmul.f32 v46, v1  }
0x1e7: {  	_ =	sdelay $0x6  }
0x1e8: {  	v1, _, _ =	vpop (xrf2)  }
0x1e9: {  	v1 =	vbroadcast v1, $0xF;
	v2, _, _ =	vpop (xrf2)  }
0x1ea: {  	v2 =	vbroadcast v2, $0xF;
	v3, _, _ =	vpop (xrf2)  }
0x1eb: {  	(erf) = vrcp.f32 v1;
	v1 =	vbroadcast v3, $0xF  }
0x1ec: {  	(erf) = vrcp.f32 v2  }
0x1ed: {  	(erf) = vrcp.f32 v1;
	_ =	sdelay $0x5  }
0x1ee: {  	v1 =	vpop (erf)  }
0x1ef: {  	vm3 =	veq.f32 v11, v44;
	vm5 =	veq.f32 v7, v45;
	v2 =	vpop (erf)  }
0x1f0: {  	v11 =	vadd.f32 v32, v48;
	vm6 =	veq.f32 v9, v44;
	v26 =	vadd.f32 v47, v40;
	v3 =	vpop (erf)  }
0x1f1: {  	v31 =	vsel vm1, $0x3F800000, v0;
	vm1 =	veq.f32 v5, v44;
	v7 =	vadd.f32 v36, v58;
	v29 =	vpop (erf)  }
0x1f2: {  	v4 =	vadd.f32 v38, v4;
	v60 =	vsel vm4, $0x3F800000, v0;
	v35 =	vadd.f32 v41, v35;
	_ =	swait.ge [sflag:s12], $0x8000  }
0x1f3: {  	v31 =	vadd.f32 v31, v42;
	v5 =	vadd.f32 v43, v7;
	v7 =	vsel vm3, $0x3F800000, v0;
	[sflag:s12] =	ssyncset.done $0x0  }
0x1f4: {  	s17 =	simm.s32 $0x8000;
	v56 =	vsel vm6, $0x3F800000, v0;
	v9 =	vmul.f32 v46, v57;
	v57 =	vadd.f32 v7, v39;
	[sflag:s12] =	ssyncadd.s32 $0xFFFF8000  }
0x1f5: {  	v34 =	vadd.f32 v34, v4;
	v58 =	vsel vm5, $0x3F800000, v0;
	v7 =	vadd.f32 v27, v5;
	v27 =	vld [tilespmem:s17+$0x10]  }
0x1f6: {  	v31 =	vadd.f32 v56, v31;
	v36 =	vadd.f32 v58, v57;
	v63 =	vmul.f32 v1, v18;
	v5 =	vld [tilespmem:s17+$0x1B0]  }
0x1f7: {  	v18 =	vadd.f32 v28, v30;
	v28 =	vmul.f32 v1, v19;
	v48 =	vmul.f32 v1, v12;
	v4 =	vld [tilespmem:s17+$0x1A0]  }
0x1f8: {  	v61 =	vadd.f32 v9, v7;
	v30 =	vmul.f32 v1, v21;
	v25 =	vmul.f32 v2, v25;
	v7 =	vld [tilespmem:s17+$0x110]  }
0x1f9: {  	v12 =	vadd.f32 v22, v34;
	v16 =	vmul.f32 v2, v16;
	v62 =	vmul.f32 v3, v8;
	v8 =	vld [tilespmem:s17+$0x120]  }
0x1fa: {  	v21 =	vadd.f32 v60, v31;
	v49 =	vmul.f32 v2, v15;
	v22 =	vmul.f32 v3, v23;
	v9 =	vld [tilespmem:s17+$0x130]  }
0x1fb: {  	v2 =	vmul.f32 v2, v13;
	v17 =	vmul.f32 v3, v17;
	v23 =	vadd.f32 v37, v18;
	v50 =	vld [tilespmem:s17+$0xB0]  }
0x1fc: {  	v33 =	vadd.f32 v33, v12;
	v12 =	vsel vm2, $0x3F800000, v0;
	v22 =	vadd.f32 v22, v61;
	v51 =	vld [tilespmem:s17+$0x80]  }
0x1fd: {  	v3 =	vmul.f32 v3, v20;
	v19 =	vadd.f32 v12, v11;
	v55 =	vmul.f32 v29, v59;
	v31 =	vld [tilespmem:s17+$0xA0]  }
0x1fe: {  	v2 =	vadd.f32 v2, v22;
	v14 =	vmul.f32 v29, v14;
	v10 =	vmul.f32 v29, v10;
	v40 =	vld [tilespmem:s17+$0x190]  }
0x1ff: {  	v20 =	vadd.f32 v62, v23;
	v6 =	vmul.f32 v29, v6;
	v52 =	vld [tilespmem:s17+$0x90];
	v1 =	vmul.f32 $1.442695020e+00, v27  }
0x200: {  	v2 =	vadd.f32 v28, v2;
	v15 =	vmul.f32 $1.442695020e+00, v5;
	v11 =	vmul.f32 $1.442695020e+00, v4  }
0x201: {  	v20 =	vadd.f32 v49, v20;
	v18 =	vld [tilespmem:s17+$0x100];
	v12 =	vmul.f32 $1.442695020e+00, v9;
	(erf) = vpow2.f32 v1  }
0x202: {  	v58 =	vadd.f32 v14, v2;
	v1 =	vmul.f32 $1.442695020e+00, v8;
	(erf) = vpow2.f32 v15  }
0x203: {  	v38 =	vld [tilespmem:s17+$0x30];
	v13 =	vmul.f32 $1.442695020e+00, v7;
	v23 =	vmax.f32 v31, v50;
	v53 =	vmul.f32 $1.442695020e+00, v40  }
0x204: {  	(erf) = vpow2.f32 v1;
	v1 =	vadd.f32 v17, v35;
	v35 =	vld [tilespmem:s17+$0x0];
	v17 =	vmax.f32 v51, v52  }
0x205: {  	(erf) = vpow2.f32 v11;
	v11 =	vmul.f32 $1.442695020e+00, v50;
	v17 =	vmax.f32 v17, v23  }
0x206: {  	v14 =	vadd.f32 v30, v20;
	v15 =	vmul.f32 $1.442695020e+00, v18;
	(erf) = vpow2.f32 v12;
	(xrf0) =	vmax.scan.msk.f32 $0xffff, v17  }
0x207: {  	v23 =	vmul.f32 $1.442695020e+00, v51;
	v12 =	vadd.f32 v24, v26;
	v24 =	vld [tilespmem:s17+$0x20];
	(erf) = vpow2.f32 v11  }
0x208: {  	v17 =	vadd.f32 v25, v1;
	v11 =	vmul.f32 $1.442695020e+00, v38;
	(erf) = vpow2.f32 v13  }
0x209: {  	v39 =	vld [tilespmem:s17+$0x180];
	v13 =	vsel vm1, $0x3F800000, v0;
	(erf) = vpow2.f32 v15;
	v1 =	vmul.f32 $1.442695020e+00, v35  }
0x20a: {  	v12 =	vadd.f32 v13, v12;
	v13 =	vmul.f32 $1.442695020e+00, v52;
	(erf) = vpow2.f32 v11;
	v15 =	vpop (erf)  }
0x20b: {  	v20 =	vmax.f32 v35, v27;
	(erf) = vpow2.f32 v23;
	v23 =	vsel vm0, $0x3F800000, v0;
	v25 =	vpop (erf)  }
0x20c: {  	v26 =	vmul.f32 $1.442695020e+00, v24;
	(erf) = vpow2.f32 v1;
	v45 =	vadd.f32 v23, v12;
	v54, _, _ =	vpop (xrf0)  }
0x20d: {  	v23 =	vmax.f32 v24, v38;
	v11 =	vpop (erf);
	(erf) = vpow2.f32 v13;
	v13 =	vmul.f32 $1.442695020e+00, v31  }
0x20e: {  	v28 =	vmax.f32 v4, v5;
	v29 =	vmax.f32 v39, v40;
	v23 =	vmax.f32 v20, v23;
	v57 =	vpop (erf)  }
0x20f: {  	v3 =	vadd.f32 v3, v33;
	v28 =	vmax.f32 v29, v28;
	(xrf0) =	vmax.scan.msk.f32 $0xffff, v23;
	v12 =	vpop (erf);
	(erf) = vpow2.f32 v26  }
0x210: {  	v22 =	vadd.f32 v63, v17;
	v17 =	vmul.f32 $1.442695020e+00, v39;
	(erf) = vpow2.f32 v53;
	v26 =	vpop (erf)  }
0x211: {  	v3 =	vadd.f32 v16, v3;
	(xrf0) =	vmax.scan.msk.f32 $0xffff, v28;
	(erf) = vpow2.f32 v13;
	v13 =	vpop (erf)  }
0x212: {  	v16 =	vpop (erf)  }
0x213: {  	v3 =	vadd.f32 v48, v3;
	v14 =	vadd.f32 v6, v14;
	v30 =	vpop (erf)  }
0x214: {  	v62 =	vmax.f32 v8, v9;
	v63 =	vmax.f32 v18, v7;
	(erf) = vpow2.f32 v17;
	v17 =	vpop (erf)  }
0x215: {  	v22 =	vadd.f32 v10, v22;
	v10 =	vmax.f32 v63, v62;
	v6 =	vbroadcast v54, $0xF;
	v48, _, _ =	vpop (xrf0)  }
0x216: {  	(xrf0) =	vmax.scan.msk.f32 $0xffff, v10;
	v20 =	vpop (erf)  }
0x217: {  	vm3 =	veq.f32 v50, v6;
	v50, _, _ =	vpop (xrf0)  }
0x218: {  	v61 =	vadd.f32 v12, v11;
	v60 =	vadd.f32 v13, v16;
	v23 =	vpop (erf)  }
0x219: {  	v34 =	vpop (erf)  }
0x21a: {  	v59 =	vadd.f32 v55, v3;
	v28 =	vadd.f32 v61, v60;
	v29 =	vpop (erf)  }
0x21b: {  	v46 =	vadd.f32 v25, v57;
	vm1 =	veq.f32 v51, v6;
	vm2 =	veq.f32 v31, v6;
	v32 =	vpop (erf)  }
0x21c: {  	s31 =	simm.s32 $0x8200;
	vm0 =	veq.f32 v52, v6;
	v52, _, _ =	vpop (xrf0);
	v10 =	vadd.f32 v23, v17;
	(xrf2) =	vadd.scan.msk.f32 $0xffff, v28;
	v28 =	vadd.f32 v26, v32  }
0x21d: {  	v43 =	vld [tilespmem:s31+$0xA0];
	v53 =	vsel vm1, $0x3F800000, v0;
	v47 =	vadd.f32 v15, v20;
	v42 =	vbroadcast v52, $0xF  }
0x21e: {  	v63 =	vsel vm0, $0x3F800000, v0;
	v49 =	vadd.f32 v30, v34;
	v10 =	vadd.f32 v28, v10  }
0x21f: {  	v51 =	vbroadcast v48, $0xF;
	vm13 =	veq.f32 v8, v42;
	vm7 =	veq.f32 v9, v42;
	v8 =	vld [tilespmem:s31+$0x120]  }
0x220: {  	v9 =	vsel vm3, $0x3F800000, v0;
	vm3 =	veq.f32 v7, v42;
	v7 =	vld [tilespmem:s31+$0x130];
	v6 =	vadd.f32 v49, v47;
	(xrf2) =	vadd.scan.msk.f32 $0xffff, v10  }
0x221: {  	v37 =	vbroadcast v50, $0xF;
	vm1 =	veq.f32 v35, v51;
	vm4 =	veq.f32 v24, v51  }
0x222: {  	vm5 =	veq.f32 v38, v51;
	v52 =	vmul.f32 $1.442695020e+00, v43;
	v24 =	vsel vm4, $0x3F800000, v0;
	(xrf2) =	vadd.scan.msk.f32 $0xffff, v6  }
0x223: {  	v24 =	vadd.f32 v24, v36;
	vm4 =	veq.f32 v18, v42;
	v47 =	vld [tilespmem:s31+$0x20];
	v31 =	vpop (erf);
	v6 =	vsel vm1, $0x3F800000, v0  }
0x224: {  	v38 =	vld [tilespmem:s31+$0x180];
	v55 =	vsel vm7, $0x3F800000, v0;
	v28 =	vadd.f32 v29, v31;
	v6 =	vadd.f32 v6, v19  }
0x225: {  	v56 =	vmax.f32 v8, v7;
	v10 =	vsel vm2, $0x3F800000, v0;
	vm2 =	veq.f32 v27, v51  }
0x226: {  	v35 =	vld [tilespmem:s31+$0x10];
	v27 =	vsel vm5, $0x3F800000, v0;
	vm5 =	veq.f32 v5, v37;
	v6 =	vadd.f32 v53, v6  }
0x227: {  	v5 =	vld [tilespmem:s31+$0x1A0];
	v54 =	vsel vm2, $0x3F800000, v0;
	v21 =	vadd.f32 v27, v21;
	vm2 =	veq.f32 v39, v37  }
0x228: {  	vm1 =	veq.f32 v40, v37;
	v10 =	vadd.f32 v10, v24;
	v61 =	vmul.f32 $1.442695020e+00, v47  }
0x229: {  	v36 =	vld [tilespmem:s31+$0x1B0];
	v18, _, _ =	vpop (xrf2);
	v19 =	vsel vm4, $0x3F800000, v0;
	v24 =	vadd.f32 v54, v45;
	v54 =	vmul.f32 $1.442695020e+00, v38  }
0x22a: {  	v40 =	vld [tilespmem:s31+$0x100];
	v18 =	vbroadcast v18, $0xF;
	v9 =	vadd.f32 v9, v21;
	v19 =	vadd.f32 v19, v6;
	v6, _, _ =	vpop (xrf2)  }
0x22b: {  	v39 =	vld [tilespmem:s31+$0x80];
	vm4 =	veq.f32 v4, v37;
	v21 =	vmul.f32 $1.442695020e+00, v35;
	v6 =	vbroadcast v6, $0xF  }
0x22c: {  	v4 =	vld [tilespmem:s31+$0x110];
	(erf) = vrcp.f32 v18;
	v33 =	vadd.f32 v55, v9;
	v9 =	vmul.f32 $1.442695020e+00, v5;
	v27, _, _ =	vpop (xrf2)  }
0x22d: {  	v18 =	vsel vm13, $0x3F800000, v0;
	(erf) = vrcp.f32 v6;
	v6 =	vbroadcast v27, $0xF;
	v27 =	vld [tilespmem:s31+$0xB0]  }
0x22e: {  	v41 =	vld [tilespmem:s31+$0x90];
	v37 =	vadd.f32 v18, v10;
	v10 =	vmul.f32 $1.442695020e+00, v36;
	(erf) = vpow2.f32 v21  }
0x22f: {  	v28 =	vadd.f32 v46, v28;
	v46 =	vld [tilespmem:s31+$0x0];
	(erf) = vrcp.f32 v6;
	v6 =	vmul.f32 $1.442695020e+00, v8  }
0x230: {  	v42 =	vsel vm5, $0x3F800000, v0;
	v48 =	vmul.f32 $1.442695020e+00, v39;
	(erf) = vpow2.f32 v10  }
0x231: {  	v44 =	vld [tilespmem:s31+$0x30];
	v18 =	vmul.f32 $1.442695020e+00, v4;
	v60 =	vmax.f32 v40, v4;
	(erf) = vpow2.f32 v6  }
0x232: {  	v49 =	vld [tilespmem:s31+$0x190];
	v45 =	vmax.f32 v60, v56;
	(xrf2) =	vadd.scan.msk.f32 $0xffff, v28;
	v21 =	vmul.f32 $1.442695020e+00, v7;
	v50 =	vmul.f32 $1.442695020e+00, v27  }
0x233: {  	(erf) = vpow2.f32 v9;
	v9 =	vmax.f32 v39, v41;
	v51 =	vmax.f32 v43, v27  }
0x234: {  	v56 =	vmul.f32 $1.442695020e+00, v46;
	(erf) = vpow2.f32 v21;
	v9 =	vmax.f32 v9, v51  }
0x235: {  	v53 =	vmax.f32 v46, v35;
	v28 =	vpop (erf);
	v6 =	vmul.f32 $1.442695020e+00, v40;
	(erf) = vpow2.f32 v50;
	(xrf0) =	vmax.scan.msk.f32 $0xffff, v9  }
0x236: {  	v10 =	vmax.f32 v5, v36;
	v21 =	vmul.f32 $1.442695020e+00, v44;
	(erf) = vpow2.f32 v18;
	v50 =	vpop (erf)  }
0x237: {  	v18 =	vmax.f32 v38, v49;
	(erf) = vpow2.f32 v6;
	v6 =	vmax.f32 v47, v44;
	v9 =	vpop (erf)  }
0x238: {  	v51 =	vmul.f32 $1.442695020e+00, v41;
	(erf) = vpow2.f32 v21;
	v21 =	vmax.f32 v53, v6;
	v55 =	vpop (erf)  }
0x239: {  	v53 =	vmax.f32 v18, v10;
	v10 =	vsel vm2, $0x3F800000, v0;
	(erf) = vpow2.f32 v48;
	v60 =	vpop (erf)  }
0x23a: {  	(xrf0) =	vmax.scan.msk.f32 $0xffff, v21;
	(erf) = vpow2.f32 v56;
	v56 =	vadd.f32 v10, v19;
	v10 =	vmul.f32 $1.442695020e+00, v49;
	v18 =	vpop (erf)  }
0x23b: {  	v62 =	vsel vm4, $0x3F800000, v0;
	v15 =	vmul.f32 v55, v15;
	v20 =	vmul.f32 v55, v20;
	v19, _, _ =	vpop (xrf0)  }
0x23c: {  	(erf) = vpow2.f32 v51;
	v51 =	vadd.f32 v62, v37;
	v37, _, _ =	vpop (xrf2);
	(xrf0) =	vmax.scan.msk.f32 $0xffff, v53;
	v53 =	vmul.f32 v50, v23  }
0x23d: {  	v42 =	vadd.f32 v42, v33;
	v21 =	vpop (erf);
	(erf) = vpow2.f32 v61;
	v48 =	vbroadcast v19, $0xF  }
0x23e: {  	v15 =	vadd.f32 v15, v14;
	v61 =	vmul.f32 v50, v17;
	(erf) = vpow2.f32 v10;
	v10 =	vpop (erf)  }
0x23f: {  	(erf) = vpow2.f32 v52;
	vm4 =	veq.f32 v39, v48;
	vm2 =	veq.f32 v27, v48;
	v14 =	vpop (erf)  }
0x240: {  	v52 =	vmul.f32 v28, v16;
	v27 =	vmul.f32 v28, v11;
	v11 =	vadd.f32 v20, v22;
	v62, _, _ =	vpop (xrf0)  }
0x241: {  	v22 =	vmul.f32 v28, v12;
	v12 =	vadd.f32 v63, v24;
	(erf) = vpow2.f32 v54;
	v19 =	vpop (erf)  }
0x242: {  	vm14 =	veq.f32 v43, v48;
	vm5 =	veq.f32 v41, v48;
	v28 =	vmul.f32 v28, v13;
	v17 =	vpop (erf)  }
0x243: {  	v13 =	vsel vm3, $0x3F800000, v0;
	v48 =	vadd.f32 v10, v18;
	v20 =	vpop (erf);
	v63 =	vadd.f32 v19, v17  }
0x244: {  	v43 =	vmul.f32 v50, v32;
	v39 =	vadd.f32 v61, v11;
	v11 =	vbroadcast v37, $0xF;
	v24 =	vpop (erf)  }
0x245: {  	v13 =	vadd.f32 v13, v12;
	v62 =	vbroadcast v62, $0xF;
	v16 =	vpop (erf);
	v33 =	vadd.f32 v48, v63  }
0x246: {  	(xrf0) =	vmax.scan.msk.f32 $0xffff, v45;
	v61 =	vsel vm1, $0x3F800000, v0;
	v37 =	vmul.f32 v55, v34;
	v34 =	vmul.f32 v50, v26;
	v12 =	vpop (erf)  }
0x247: {  	(erf) = vrcp.f32 v11;
	v41 =	vadd.f32 v61, v13;
	v63 =	vadd.f32 v9, v16;
	(xrf2) =	vadd.scan.msk.f32 $0xffff, v33;
	v23 =	vpop (erf)  }
0x248: {  	vm0 =	veq.f32 v46, v62;
	vm15 =	veq.f32 v35, v62;
	vm3 =	veq.f32 v47, v62;
	v6 =	vpop (erf)  }
0x249: {  	vm1 =	veq.f32 v44, v62;
	v35 =	vadd.f32 v52, v39;
	v54 =	vadd.f32 v20, v23;
	v11 =	vpop (erf)  }
0x24a: {  	v39 =	vmul.f32 v55, v30;
	v33 =	vadd.f32 v53, v15;
	v53 =	vadd.f32 v12, v24;
	v15 =	vpop (erf)  }
0x24b: {  	v55 =	vsel vm3, $0x3F800000, v0;
	v61 =	vadd.f32 v14, v11;
	v30 =	vadd.f32 v54, v63;
	v63, _, _ =	vpop (xrf0)  }
0x24c: {  	v48 =	vadd.f32 v60, v21;
	v62 =	vadd.f32 v6, v15;
	v45 =	vbroadcast v63, $0xF;
	v47, _, _ =	vpop (xrf0)  }
0x24d: {  	v46 =	vadd.f32 v61, v53;
	v44 =	vbroadcast v47, $0xF;
	v53 =	vsel vm0, $0x3F800000, v0  }
0x24e: {  	v61 =	vsel vm14, $0x3F800000, v0;
	v47 =	vsel vm15, $0x3F800000, v0;
	v52 =	vadd.f32 v48, v62  }
0x24f: {  	v48 =	vsel vm1, $0x3F800000, v0;
	vm1 =	veq.f32 v38, v45;
	v54 =	vadd.f32 v53, v56  }
0x250: {  	v56 =	vadd.f32 v55, v51;
	vm0 =	veq.f32 v49, v45;
	v62 =	vsel vm4, $0x3F800000, v0  }
0x251: {  	vm3 =	veq.f32 v36, v45;
	v42 =	vadd.f32 v48, v42;
	vm8 =	veq.f32 v40, v44;
	v26, _, _ =	vpop (xrf2)  }
0x252: {  	(xrf2) =	vadd.scan.msk.f32 $0xffff, v46;
	v38 =	vadd.f32 v61, v56;
	v48 =	vadd.f32 v62, v54;
	v46 =	vpop (erf);
	v63 =	vbroadcast v26, $0xF  }
0x253: {  	(xrf2) =	vadd.scan.msk.f32 $0xffff, v30;
	v32 =	vmul.f32 v46, v25;
	v40 =	vmul.f32 v46, v31;
	v31 =	vsel vm8, $0x3F800000, v0  }
0x254: {  	s18 =	simm.s32 $0x8400;
	s17 =	simm.s32 $0x4;
	v36 =	vmul.f32 v46, v29;
	v26 =	vsel vm5, $0x3F800000, v0;
	(xrf2) =	vadd.scan.msk.f32 $0xffff, v52;
	(erf) = vrcp.f32 v63  }
.LBB2_8:
0x255: {  	v30 =	vld [tilespmem:s18+$0x10]  }
0x256: {  	v29 =	vld [tilespmem:s18+$0x180]  }
0x257: {  	vm6 =	veq.f32 v8, v44;
	v25 =	vld [tilespmem:s18+$0x1B0]  }
0x258: {  	vm5 =	veq.f32 v5, v45;
	vm7 =	veq.f32 v7, v44;
	v41 =	vadd.f32 v47, v41;
	v5 =	vld [tilespmem:s18+$0x1A0]  }
0x259: {  	v7 =	vsel vm2, $0x3F800000, v0;
	v3 =	vadd.f32 v39, v59;
	v8 =	vld [tilespmem:s18+$0x120];
	v28 =	vadd.f32 v28, v33  }
0x25a: {  	vm4 =	veq.f32 v4, v44;
	v50 =	vld [tilespmem:s18+$0xB0];
	v42 =	vadd.f32 v7, v42;
	v35 =	vadd.f32 v40, v35  }
0x25b: {  	v49 =	vsel vm3, $0x3F800000, v0;
	v7 =	vld [tilespmem:s18+$0x130];
	v3 =	vadd.f32 v34, v3;
	v28 =	vadd.f32 v36, v28  }
0x25c: {  	v40 =	vld [tilespmem:s18+$0x30];
	v4, _, _ =	vpop (xrf2);
	v2 =	vadd.f32 v37, v58;
	v37 =	vadd.f32 v31, v48;
	v57 =	vmul.f32 v46, v57  }
0x25d: {  	v1 =	vmovc v21;
	v44 =	vld [tilespmem:s18+$0x90];
	v21 =	vbroadcast v4, $0xF;
	v31 =	vsel vm6, $0x3F800000, v0;
	v58 =	vsel vm7, $0x3F800000, v0  }
0x25e: {  	[tilespmem:$0x1FF40] =	vst v1;
	v34 =	vld [tilespmem:s18+$0x80];
	v48 =	vsel vm5, $0x3F800000, v0;
	v3 =	vadd.f32 v22, v3;
	v1 =	vmul.f32 $1.442695020e+00, v30  }
0x25f: {  	v45 =	vld [tilespmem:s18+$0xA0];
	v51 =	vmul.f32 $1.442695020e+00, v5;
	v2 =	vadd.f32 v43, v2;
	(erf) = vrcp.f32 v21  }
0x260: {  	v4 =	vld [tilespmem:s18+$0x110];
	v46 =	vadd.f32 v31, v38;
	v21 =	vmul.f32 $1.442695020e+00, v25;
	v61 =	vmul.f32 $1.442695020e+00, v7;
	v59, _, _ =	vpop (xrf2)  }
0x261: {  	v31 =	vld [tilespmem:s18+$0x100];
	v33 =	vmul.f32 $1.442695020e+00, v40;
	v2 =	vadd.f32 v27, v2;
	v27 =	vbroadcast v59, $0xF  }
0x262: {  	[tilespmem:$0x1FF30] =	vst v11;
	v11 =	vadd.f32 v32, v3;
	v43 =	vld [tilespmem:s18+$0x20];
	v32 =	vmul.f32 $1.442695020e+00, v44;
	(erf) = vpow2.f32 v1  }
0x263: {  	v47 =	vadd.f32 v58, v42;
	v55 =	vmul.f32 $1.442695020e+00, v34;
	v39 =	vpop (erf);
	(erf) = vrcp.f32 v27  }
0x264: {  	v52 =	vmax.f32 v5, v25;
	v42 =	vld [tilespmem:s18+$0x0];
	v27 =	vmul.f32 $1.442695020e+00, v8;
	(erf) = vpow2.f32 v21  }
0x265: {  	v62 =	vmax.f32 v45, v50;
	v59 =	vmul.f32 $1.442695020e+00, v29;
	v54 =	vmul.f32 $1.442695020e+00, v4  }
0x266: {  	v38 =	vld [tilespmem:s18+$0x190];
	v1 =	vadd.f32 v57, v2;
	v22 =	vmax.f32 v31, v4;
	(erf) = vpow2.f32 v27  }
0x267: {  	v21 =	vmax.f32 v8, v7;
	v63 =	vmul.f32 $1.442695020e+00, v43;
	v27 =	vmul.f32 $1.442695020e+00, v31  }
0x268: {  	v13 =	vmovc v6;
	v6 =	vmovc v60;
	v56 =	vmax.f32 v22, v21;
	v21 =	vmax.f32 v34, v44;
	v22 =	vmul.f32 $1.442695020e+00, v50  }
0x269: {  	v21 =	vmax.f32 v21, v62;
	v62 =	vmul.f32 $1.442695020e+00, v42;
	v36 =	vpop (erf);
	(erf) = vpow2.f32 v51  }
0x26a: {  	v53, _, _ =	vpop (xrf2);
	v58 =	vmax.f32 v42, v30;
	[tilespmem:$0x1FF50] =	vst v1;
	v51 =	vmul.f32 $1.442695020e+00, v45;
	(erf) = vpow2.f32 v61  }
0x26b: {  	v1 =	vsel vm1, $0x3F800000, v0;
	(xrf0) =	vmax.scan.msk.f32 $0xffff, v21;
	v57 =	vpop (erf);
	v61 =	vmul.f32 $1.442695020e+00, v38;
	(erf) = vpow2.f32 v22  }
0x26c: {  	v1 =	vadd.f32 v1, v37;
	v3 =	vmul.f32 v36, v24;
	v60 =	vpop (erf);
	(erf) = vpow2.f32 v54  }
0x26d: {  	v21 =	vmax.f32 v43, v40;
	v54 =	vpop (erf);
	(erf) = vpow2.f32 v27;
	v24 =	vmul.f32 v60, v9  }
0x26e: {  	v27 =	vmax.f32 v58, v21;
	v37 =	vmul.f32 v60, v23;
	v23 =	vbroadcast v53, $0xF  }
0x26f: {  	v22 =	vmax.f32 v29, v38;
	v16 =	vmul.f32 v60, v16;
	v2 =	vpop (erf);
	(erf) = vpow2.f32 v33;
	(xrf0) =	vmax.scan.msk.f32 $0xffff, v27  }
0x270: {  	v33 =	vmax.f32 v22, v52;
	v52 =	vmul.f32 v39, v17;
	(erf) = vpow2.f32 v55  }
0x271: {  	v49 =	vadd.f32 v49, v47;
	v27 =	vmul.f32 v39, v18;
	v17, _, _ =	vpop (xrf0);
	(erf) = vpow2.f32 v62  }
0x272: {  	v48 =	vadd.f32 v48, v46;
	v22 =	vmul.f32 v39, v10;
	v21 =	vpop (erf);
	(erf) = vpow2.f32 v32  }
0x273: {  	v9 =	vmov v57;
	v18 =	vbroadcast v17, $0xF;
	v10 =	vpop (erf);
	(erf) = vpow2.f32 v63  }
0x274: {  	v47 =	vadd.f32 v24, v28;
	v28 =	vmul.f32 v39, v19;
	v32 =	vpop (erf);
	(erf) = vpow2.f32 v61  }
0x275: {  	v19 =	vadd.f32 v26, v41;
	v26 =	vsel vm4, $0x3F800000, v0;
	(erf) = vpow2.f32 v51;
	v63, _, _ =	vpop (xrf0)  }
0x276: {  	v39 =	vmul.f32 v60, v20;
	vm1 =	veq.f32 v34, v18;
	v51 =	vpop (erf);
	(erf) = vpow2.f32 v59  }
0x277: {  	v34 =	vmul.f32 v36, v14;
	v14 =	vadd.f32 v16, v35;
	v19 =	vadd.f32 v26, v19;
	v17 =	vpop (erf)  }
0x278: {  	vm2 =	veq.f32 v50, v18;
	v58 =	vadd.f32 v10, v2;
	v50 =	vpop (erf);
	v57 =	vadd.f32 v51, v17  }
0x279: {  	vm3 =	veq.f32 v45, v18;
	v55 =	vadd.f32 v54, v21;
	v24 =	vpop (erf);
	(erf) = vrcp.f32 v23  }
0x27a: {  	v53 =	vsel vm3, $0x3F800000, v0;
	v3 =	vadd.f32 v3, v14;
	(xrf0) =	vmax.scan.msk.f32 $0xffff, v33;
	v16 =	vpop (erf);
	v26 =	vadd.f32 v58, v57  }
0x27b: {  	v14 =	vmul.f32 v36, v12;
	v61 =	vsel vm0, $0x3F800000, v0;
	vm0 =	veq.f32 v44, v18;
	(xrf0) =	vmax.scan.msk.f32 $0xffff, v56;
	v12 =	vpop (erf)  }
0x27c: {  	v18 =	vmov v2;
	v63 =	vbroadcast v63, $0xF;
	v20 =	vadd.f32 v9, v16;
	v23 =	vpop (erf);
	(xrf2) =	vadd.scan.msk.f32 $0xffff, v26  }
0x27d: {  	v41 =	vadd.f32 v61, v19;
	v59 =	vmov v11;
	v33 =	vadd.f32 v14, v47;
	v56 =	vpop (erf)  }
0x27e: {  	v35 =	vadd.f32 v52, v3;
	vm3 =	veq.f32 v40, v63;
	v62 =	vadd.f32 v50, v23;
	v57 =	vpop (erf)  }
0x27f: {  	v40 =	vsel vm3, $0x3F800000, v0;
	v60 =	vadd.f32 v12, v24;
	v3 =	vadd.f32 v32, v57;
	v52 =	vpop (erf)  }
0x280: {  	v58 =	vsel vm1, $0x3F800000, v0;
	vm1 =	veq.f32 v30, v63;
	v2 =	vadd.f32 v62, v20;
	v20, _, _ =	vpop (xrf0)  }
0x281: {  	v26 =	vsel vm0, $0x3F800000, v0;
	v45 =	vbroadcast v20, $0xF;
	v20, _, _ =	vpop (xrf0);
	v3 =	vadd.f32 v3, v60  }
0x282: {  	vm0 =	veq.f32 v42, v63;
	v42 =	vadd.f32 v40, v49;
	v19 =	vadd.f32 v56, v52;
	v46 =	vpop (erf)  }
0x283: {  	s17 =	sadd.s32 $0x4, s17;
	v14 =	vmovc v32;
	v44 =	vbroadcast v20, $0xF;
	(xrf2) =	vadd.scan.msk.f32 $0xffff, v3;
	v32 =	vmul.f32 v46, v6;
	v3 =	vsel vm0, $0x3F800000, v0;
	v6 =	vld [tilespmem:$0x1FF30]  }
0x284: {  	p0 =	slt.u32 s17, $0xFC;
	v47 =	vsel vm1, $0x3F800000, v0;
	v11 =	vmovc v57;
	v60 =	vmovc v54;
	v55 =	vadd.f32 v55, v19;
	vm1 =	veq.f32 v29, v45  }
.Ltmp3:
0x285: {  	v20 =	vmovc v50;
	vm0 =	veq.f32 v43, v63;
	v40 =	vmul.f32 v46, v15;
	vm3 =	veq.f32 v31, v44;
	(pc) =	sbr.rel @p0 .LBB2_8-.Ltmp3, $4  }
0x286: {  	v30 =	vsel vm0, $0x3F800000, v0;
	v1 =	vadd.f32 v3, v1;
	vm0 =	veq.f32 v38, v45;
	v3, _, _ =	vpop (xrf2)  }
0x287: {  	v15 =	vmovc v52;
	(xrf2) =	vadd.scan.msk.f32 $0xffff, v2;
	v31 =	vsel vm3, $0x3F800000, v0;
	v2 =	vadd.f32 v30, v48;
	v3 =	vbroadcast v3, $0xF  }
0x288: {  	v57 =	vld [tilespmem:$0x1FF40];
	v19 =	vmovc v51;
	vm3 =	veq.f32 v25, v45;
	v48 =	vadd.f32 v58, v1;
	v43 =	vmul.f32 v36, v6  }
0x289: {  	s18 =	sadd.s32 $0x200, s18;
	v58 =	vld [tilespmem:$0x1FF50];
	(xrf2) =	vadd.scan.msk.f32 $0xffff, v55;
	v38 =	vadd.f32 v53, v2;
	v36 =	vmul.f32 v46, v13;
	v6 =	vmovc v56;
	(erf) = vrcp.f32 v3  }
0x28a: {  	_ =	sdelay $0x5  }
0x28b: {  	v1, _, _ =	vpop (xrf2)  }
0x28c: {  	v1 =	vbroadcast v1, $0xF;
	v2, _, _ =	vpop (xrf2)  }
0x28d: {  	v2 =	vbroadcast v2, $0xF  }
0x28e: {  	(erf) = vrcp.f32 v1  }
0x28f: {  	(erf) = vrcp.f32 v2  }
0x290: {  	vm6 =	veq.f32 v8, v44;
	vm4 =	veq.f32 v5, v45;
	v25 =	vadd.f32 v39, v59;
	v3, _, _ =	vpop (xrf2)  }
0x291: {  	vm5 =	veq.f32 v7, v44;
	v51 =	vadd.f32 v40, v35;
	v3 =	vbroadcast v3, $0xF  }
0x292: {  	vm15 =	veq.f32 v4, v44;
	v28 =	vadd.f32 v28, v33;
	v25 =	vadd.f32 v34, v25  }
0x293: {  	v45 =	vmul.f32 v46, v57;
	v46 =	vadd.f32 v47, v41;
	v49 =	vpop (erf);
	(erf) = vrcp.f32 v3  }
0x294: {  	v61 =	vsel vm0, $0x3F800000, v0;
	v22 =	vadd.f32 v22, v25;
	v1 =	vadd.f32 v37, v58  }
0x295: {  	v59 =	vsel vm15, $0x3F800000, v0;
	v52 =	vadd.f32 v36, v28;
	v7 =	vadd.f32 v26, v46  }
0x296: {  	v22 =	vadd.f32 v32, v22;
	v1 =	vadd.f32 v43, v1;
	v17 =	vmul.f32 v49, v17  }
0x297: {  	v7 =	vadd.f32 v59, v7;
	v18 =	vmul.f32 v49, v18;
	v10 =	vmul.f32 v49, v10;
	v3 =	vpop (erf)  }
0x298: {  	v1 =	vadd.f32 v27, v1;
	v24 =	vmul.f32 v3, v24;
	v14 =	vmul.f32 v3, v14;
	v29 =	vpop (erf)  }
0x299: {  	v2 =	vadd.f32 v31, v48;
	v9 =	vmul.f32 v29, v9;
	v16 =	vmul.f32 v29, v16  }
0x29a: {  	v1 =	vadd.f32 v45, v1;
	v23 =	vmul.f32 v29, v23;
	v53 =	vmul.f32 v29, v20  }
0x29b: {  	v12 =	vmul.f32 v3, v12;
	v9 =	vadd.f32 v9, v52;
	v5 =	vadd.f32 v16, v51  }
0x29c: {  	v3 =	vmul.f32 v3, v11;
	v54 =	vpop (erf);
	v1 =	vadd.f32 v23, v1;
	v13 =	vadd.f32 v53, v22  }
0x29d: {  	v57 =	vmul.f32 v54, v60;
	v60 =	vsel vm1, $0x3F800000, v0;
	v5 =	vadd.f32 v24, v5  }
0x29e: {  	v8 =	vmul.f32 v49, v19;
	v2 =	vadd.f32 v60, v2;
	v9 =	vadd.f32 v12, v9  }
0x29f: {  	v15 =	vmul.f32 v54, v15;
	v1 =	vadd.f32 v3, v1;
	v5 =	vadd.f32 v17, v5  }
0x2a0: {  	v3 =	vmul.f32 v54, v6;
	v55 =	vadd.f32 v14, v13;
	v8 =	vadd.f32 v8, v9  }
0x2a1: {  	v56 =	vmul.f32 v54, v21;
	v1 =	vadd.f32 v18, v1;
	v5 =	vadd.f32 v15, v5  }
0x2a2: {  	v47 =	vsel vm2, $0x3F800000, v0;
	[tilespmem:$0x10080] =	vst v2;
	v10 =	vadd.f32 v10, v55;
	v3 =	vadd.f32 v3, v8  }
0x2a3: {  	v50 =	vsel vm6, $0x3F800000, v0;
	v48 =	vadd.f32 v47, v42;
	v1 =	vadd.f32 v56, v1;
	[tilespmem:$0x10000] =	vst v5  }
0x2a4: {  	v58 =	vsel vm5, $0x3F800000, v0;
	v6 =	vadd.f32 v57, v10;
	[tilespmem:$0x10010] =	vst v3;
	v3 =	vadd.f32 v50, v38  }
0x2a5: {  	v62 =	vsel vm4, $0x3F800000, v0;
	[tilespmem:$0x10020] =	vst v1;
	v1 =	vadd.f32 v58, v48;
	v5 =	vadd.f32 v61, v7  }
0x2a6: {  	v63 =	vsel vm3, $0x3F800000, v0;
	[tilespmem:$0x10030] =	vst v6;
	v3 =	vadd.f32 v62, v3  }
0x2a7: {  	v1 =	vadd.f32 v63, v1;
	[tilespmem:$0x10090] =	vst v5  }
0x2a8: {  	[tilespmem:$0x100A0] =	vst v3  }
0x2a9: {  	[tilespmem:$0x100B0] =	vst v1  }
0x2aa: {  	[hbm4b:s7+s2] =	stream.linear.scatter [tilespmem:s13], [sflag:$0x3], $0x80, $0x38;
	[tilespmem:$0x10100] =	vst v63  }
0x2ab: {  	s16 =	sadd.s32 $0x1, s16;
	_ =	swait.ge [sflag:s14], $0x80  }
0x2ac: {  	p0 =	sne.s32 s16, s9;
	[sflag:s14] =	ssyncset.done $0x0  }
.Ltmp4:
0x2ad: {  	[sflag:s14] =	ssyncadd.s32 $0xFFFFFF80;
	(pc) =	sbr.rel @p0 .LBB2_1-.Ltmp4, $4  }
0x2ae: {  	[hbm4b:s8+s2] =	stream.linear.scatter [tilespmem:s15], [sflag:$0x3], $0x80, $0x38;
	[tilespmem:$0x10100] =	vst v63  }
0x2af: {  	_ =	swait.ge [sflag:s14], $0x80  }
0x2b0: {  	[sflag:s14] =	ssyncset.done $0x0  }
0x2b1: {  	[sflag:s14] =	ssyncadd.s32 $0xFFFFFF80  }
0x2b2: {  	_ =	sfence.sel $0x180000  }
0x2b3: {  	[bflag:$0x0] =	sbarrier.arrive $0xFFFF  }
0x2b4: {  	p0 =	sne.s32 s1, $0x0;
	_ =	strace $0x90000047  }
0x2b5: {  	s0 =	sadd.s32 @!p0 $0x100000, s0;
	[bflag:$0x2] =	sbarrier.arrive $0xFFFF  }
0x2b6: {  	[sflag:s0] =	ssyncadd.tile.s32 @!p0 $0x1;
	_ =	shalt  }
.Lfunc_end2:
_tile_overlayer_lowered:
.L_overlay_start_2:
0x2b7: {  	(tag) =	ssettag $0x2  }
0x2b8: {  	s0 =	rddreg [dreg:$0x0];
	s2 =	stileid.u32  }
0x2b9: {  	s1 =	rddreg [dreg:$0x1];
	p0 =	sne.s32 s2, $0x0  }
0x2ba: {  	s3 =	rddreg [dreg:$0x2];
	[bflag:$0x3] =	sbarrier.arrive $0xFFFF;
	s2 =	simm.s32 @!p0 $0x1C03  }
0x2bb: {  	[timem:s3], [sflag:s2] =	dma.local @!p0 [hbm:s0], s1  }
0x2bc: {  	s0 =	simm.s32 @!p0 $0x3  }
0x2bd: {  	_ =	swait.ge @!p0 [sflag:s0], s1  }
0x2be: {  	s1 =	ssub.s32 @!p0 $0x0, s1;
	[sflag:s0] =	ssyncset.done @!p0 $0x0  }
0x2bf: {  	[sflag:s0] =	ssyncadd.s32 @!p0 s1  }
0x2c0: {  	[bflag:$0x3] =	sbarrier.arrive $0xFFFF  }
0x2c1: {  	_ =	shalt  }

</sc_bundles>
